<compile_context>
chip_gen: v7x
topology: tpu7x:2x2x1
jax: 0.10.2.dev20260603
libtpu: 0.0.44.dev20260713+nightly
codegen_flags: <defaults>
</compile_context>

<pallas_src>
import functools
import math

import jax
import jax.numpy as jnp
from jax import lax
from jax.experimental import pallas as pl
from jax.experimental.pallas import tpu as pltpu
from jax.experimental.pallas import tpu_sc as plsc

F32 = jnp.float32
I32 = jnp.int32

NC = 2
NS = 16
NW = NC * NS
CH = 512
G = 128
KSUB = CH // G
W16 = 16


def _r_body(q2_ref, w1, b1, w2, b2, w3, b3, r1, r2, r3):
    q2 = q2_ref[...]
    r1[...] = jnp.dot(w1[...], q2, preferred_element_type=F32) + b1[...]
    r2[...] = jnp.dot(w2[...], q2, preferred_element_type=F32) + b2[...]
    r3[...] = jnp.dot(w3[...], q2, preferred_element_type=F32) + b3[...]


def _compute_r(q, W1, b1, W2, b2, W3, b3):
    nr = W1.shape[0]
    qT = q.T
    q2 = jnp.concatenate([qT, qT], axis=1)
    out = jax.ShapeDtypeStruct((nr, W16), F32)
    return pl.pallas_call(_r_body, out_shape=[out, out, out])(
        q2, W1, b1.reshape(nr, 1), W2, b2.reshape(nr, 1), W3, b3.reshape(nr, 1))


def _add_body(a_ref, b_ref, o_ref):
    o_ref[...] = a_ref[...] + b_ref[...]


def _combine(p0, p1):
    xp, w = p0.shape
    a0 = p0.reshape(-1, 128)
    a1 = p1.reshape(-1, 128)
    out = pl.pallas_call(
        _add_body, out_shape=jax.ShapeDtypeStruct(a0.shape, F32))(a0, a1)
    return out.reshape(xp, w)


def _make_hop(XP, CPT):
    rows_pt = XP // NS
    mesh = plsc.VectorSubcoreMesh(core_axis_name="c", subcore_axis_name="s")
    part = jax.ShapeDtypeStruct((XP, W16), F32)

    @functools.partial(
        pl.kernel,
        out_type=[part, part],
        mesh=mesh,
        compiler_params=pltpu.CompilerParams(use_tc_tiling_on_sc=False),
        scratch_types=[
            pltpu.VMEM_SHARED((XP, W16), F32),
            pltpu.VMEM((KSUB, G), I32),
            pltpu.VMEM((KSUB, G), I32),
            pltpu.VMEM((KSUB, G), I32),
            pltpu.VMEM((CH, W16), F32),
            pltpu.VMEM((CH, W16), F32),
            pltpu.SemaphoreType.DMA,
        ],
    )
    def hop(x16, r16, subj, rel, obj, z, p0, p1, acc, si, ri, oi, xb, rb, semg):
        c = lax.axis_index("c")
        s = lax.axis_index("s")
        wid = c * NS + s

        pltpu.sync_copy(z, acc.at[pl.ds(s * rows_pt, rows_pt)])
        plsc.subcore_barrier()

        def chunk(h, carry):
            rowbase = wid * (CPT * KSUB) + h * KSUB
            pltpu.sync_copy(subj.at[pl.ds(rowbase, KSUB)], si)
            pltpu.sync_copy(rel.at[pl.ds(rowbase, KSUB)], ri)
            pltpu.sync_copy(obj.at[pl.ds(rowbase, KSUB)], oi)
            cps = []
            for j in range(KSUB):
                cps.append(pltpu.async_copy(
                    x16.at[si.at[j]], xb.at[pl.ds(j * G, G)], semg))
                cps.append(pltpu.async_copy(
                    r16.at[ri.at[j]], rb.at[pl.ds(j * G, G)], semg))
            for cp in cps:
                cp.wait()

            UNROLL = 8
            def mul_body(g, carry2):
                base = g * UNROLL
                for u in range(UNROLL):
                    xb[base + u, :] = xb[base + u, :] * rb[base + u, :]
                return carry2
            lax.fori_loop(0, CH // UNROLL, mul_body, 0)

            for j in range(KSUB):
                pltpu.sync_copy(xb.at[pl.ds(j * G, G)], acc.at[oi.at[j]],
                                add=True)
            return carry

        lax.fori_loop(0, CPT, chunk, 0)

        plsc.subcore_barrier()

        @pl.when(c == 0)
        def _():
            pltpu.sync_copy(acc.at[pl.ds(s * rows_pt, rows_pt)],
                            p0.at[pl.ds(s * rows_pt, rows_pt)])

        @pl.when(c == 1)
        def _():
            pltpu.sync_copy(acc.at[pl.ds(s * rows_pt, rows_pt)],
                            p1.at[pl.ds(s * rows_pt, rows_pt)])

    return hop


def kernel(x, q, subj_idx, rel_idx, obj_idx, W1, b1, W2, b2, W3, b3, n_hop):
    B, NE = x.shape
    NT = subj_idx.shape[0]
    CPT = math.ceil(NT / (NW * CH))
    NT_PAD = NW * CPT * CH
    XP = ((NE + 1 + 127) // 128) * 128
    pad = NT_PAD - NT

    subj = jnp.concatenate([subj_idx, jnp.zeros((pad,), I32)]).reshape(-1, G)
    rel = jnp.concatenate([rel_idx, jnp.zeros((pad,), I32)]).reshape(-1, G)
    obj = jnp.concatenate([obj_idx, jnp.full((pad,), NE, I32)]).reshape(-1, G)
    z = jnp.zeros((XP // NS, W16), F32)

    r1, r2, r3 = _compute_r(q, W1, b1, W2, b2, W3, b3)

    xT = x.T
    x16 = jnp.concatenate(
        [xT, xT], axis=1)
    x16 = jnp.concatenate(
        [x16, jnp.zeros((XP - NE, W16), F32)], axis=0)

    hop = _make_hop(XP, CPT)

    def do_hop(xt, rt):
        p0, p1 = hop(xt, rt, subj, rel, obj, z)
        return _combine(p0, p1)

    x16 = lax.cond(1 <= n_hop, lambda t: do_hop(t, r1), lambda t: t, x16)
    x16 = lax.cond(2 <= n_hop, lambda t: do_hop(t, r2), lambda t: t, x16)
    x16 = lax.cond(3 <= n_hop, lambda t: do_hop(t, r3), lambda t: t, x16)

    return x16[:NE, :B].T

# --- scband reference (transcript-rebuilt; emitter-appended) ---
"""Pipeline reference for scband-refied-kbqa-87445534146881 (READ-ONLY COPY).

The authoritative reference and input builder live on the scoring server;
editing this copy changes nothing except your own understanding.
"""

import jax, jax.numpy as jnp
import numpy as np

N_E = 100000   # number of entities (n_nodes)
N_T = 1600000  # number of triples (n_edges = 100000 * 16)
N_R = 512      # number of relations
N_W2V = 256    # question embedding dim
B = 8          # batch size


def setup_inputs(seed: int = 0) -> dict:
    key = jax.random.key(seed)
    ks = jax.random.split(key, 12)
    x = jax.random.uniform(ks[0], (B, N_E), dtype=jnp.float32)
    q = jax.random.normal(ks[1], (B, N_W2V), dtype=jnp.float32)
    # KB as COO triple index arrays (rows of the one-hot M_subj/M_rel/M_obj)
    subj_idx = jax.random.randint(ks[2], (N_T,), 0, N_E, dtype=jnp.int32)
    rel_idx = jax.random.randint(ks[3], (N_T,), 0, N_R, dtype=jnp.int32)
    obj_idx = jax.random.randint(ks[4], (N_T,), 0, N_E, dtype=jnp.int32)
    # nn.Linear params: weight (out, in), bias (out,)
    s = 1.0 / np.sqrt(N_W2V)
    W1 = jax.random.uniform(ks[5], (N_R, N_W2V), minval=-s, maxval=s, dtype=jnp.float32)
    b1 = jax.random.uniform(ks[6], (N_R,), minval=-s, maxval=s, dtype=jnp.float32)
    W2 = jax.random.uniform(ks[7], (N_R, N_W2V), minval=-s, maxval=s, dtype=jnp.float32)
    b2 = jax.random.uniform(ks[8], (N_R,), minval=-s, maxval=s, dtype=jnp.float32)
    W3 = jax.random.uniform(ks[9], (N_R, N_W2V), minval=-s, maxval=s, dtype=jnp.float32)
    b3 = jax.random.uniform(ks[10], (N_R,), minval=-s, maxval=s, dtype=jnp.float32)
    return {"x": x, "q": q, "subj_idx": subj_idx, "rel_idx": rel_idx,
            "obj_idx": obj_idx, "W1": W1, "b1": b1, "W2": W2, "b2": b2,
            "W3": W3, "b3": b3, "n_hop": 2}


def reference(x, q, subj_idx, rel_idx, obj_idx, W1, b1, W2, b2, W3, b3, n_hop):
    n_e = x.shape[1]

    def one_step(x, r):
        # x_t = M_subj @ x.T  -> gather entity scores per triple: (B, N_T)
        x_t = jnp.take(x, subj_idx, axis=1)
        # r_t = M_rel.T @ r.T -> gather relation scores per triple: (B, N_T)
        r_t = jnp.take(r, rel_idx, axis=1)
        # x_new = (M_obj.T @ (x_t * r_t)).T -> scatter-add over object entities
        prod = (x_t * r_t).T  # (N_T, B)
        x_new = jax.ops.segment_sum(prod, obj_idx, num_segments=n_e).T  # (B, N_E)
        return x_new

    r = q @ W1.T + b1
    x = jnp.where(1 <= n_hop, one_step(x, r), x)
    r = q @ W2.T + b2
    x = jnp.where(2 <= n_hop, one_step(x, r), x)
    r = q @ W3.T + b3
    x = jnp.where(3 <= n_hop, one_step(x, r), x)
    return x

if __name__ == "__main__":
    import jax
    _d = setup_inputs()
    print(jax.jit(kernel)(*tuple(_d.values())))

</pallas_src>

<mosaic_0001>
#map = affine_map<(d0, d1) -> (0, 0)>
module attributes {stable_mosaic.version = 14 : i64} {
  func.func @hop(%arg0: i32, %arg1: i32, %arg2: memref<100096x16xf32, #tpu.memory_space<hbm>>, %arg3: memref<512x16xf32, #tpu.memory_space<hbm>>, %arg4: memref<12544x128xi32, #tpu.memory_space<hbm>>, %arg5: memref<12544x128xi32, #tpu.memory_space<hbm>>, %arg6: memref<12544x128xi32, #tpu.memory_space<hbm>>, %arg7: memref<6256x16xf32, #tpu.memory_space<hbm>>, %arg8: memref<100096x16xf32, #tpu.memory_space<hbm>>, %arg9: memref<100096x16xf32, #tpu.memory_space<hbm>>, %arg10: memref<100096x16xf32, #tpu.memory_space<vmem_shared>>, %arg11: memref<4x128xi32, #tpu.memory_space<vmem>>, %arg12: memref<4x128xi32, #tpu.memory_space<vmem>>, %arg13: memref<4x128xi32, #tpu.memory_space<vmem>>, %arg14: memref<512x16xf32, #tpu.memory_space<vmem>>, %arg15: memref<512x16xf32, #tpu.memory_space<vmem>>, %arg16: memref<!tpu.dma_semaphore, #tpu.memory_space<semaphore_mem>>) attributes {dimension_semantics = [#tpu.dimension_semantics<core_parallel>, #tpu.dimension_semantics<subcore_parallel>], iteration_bounds = array<i64: 2, 16>, scalar_prefetch = 0 : i64, scratch_operands = 7 : i64, tpu.core_type = #tpu.core_type<sc_vector_subcore>, window_params = [{transform_indices = #map}, {transform_indices = #map}, {transform_indices = #map}, {transform_indices = #map}, {transform_indices = #map}, {transform_indices = #map}, {transform_indices = #map}, {transform_indices = #map}]} {
    %mul3A = arith.constant 16 : i32
    %mul3A_0 = arith.muli %arg0, %mul3A : i32
    %add3A = arith.addi %mul3A_0, %arg1 : i32
    %mul3A_1 = arith.constant 6256 : i32
    %mul3A_2 = arith.muli %arg1, %mul3A_1 : i32
    "tpu.region"() ({
      %run_scoped3A = tpu.sem_alloc : memref<!tpu.dma_semaphore, #tpu.memory_space<semaphore_mem>>
      %dma_start3A = arith.constant 0 : i32
      %dma_start3A_16 = tpu.memref_slice %arg10[%mul3A_2, %dma_start3A] : memref<100096x16xf32, #tpu.memory_space<vmem_shared>> -> memref<6256x16xf32, #tpu.memory_space<vmem_shared>>
      tpu.enqueue_dma source(%arg7 : memref<6256x16xf32, #tpu.memory_space<hbm>>) target(%dma_start3A_16 : memref<6256x16xf32, #tpu.memory_space<vmem_shared>>) target_semaphore(%run_scoped3A : memref<!tpu.dma_semaphore, #tpu.memory_space<semaphore_mem>>)
      %dma_wait3A = arith.constant 0 : i32
      %dma_wait3A_17 = tpu.memref_slice %arg10[%mul3A_2, %dma_wait3A] : memref<100096x16xf32, #tpu.memory_space<vmem_shared>> -> memref<6256x16xf32, #tpu.memory_space<vmem_shared>>
      tpu.wait_dma2 semaphore(%run_scoped3A : memref<!tpu.dma_semaphore, #tpu.memory_space<semaphore_mem>>) src(%arg7 : memref<6256x16xf32, #tpu.memory_space<hbm>>) dst(%dma_wait3A_17 : memref<6256x16xf32, #tpu.memory_space<vmem_shared>>)
      tpu.yield
    }) : () -> ()
    %barrier3A = arith.constant 0 : index
    tpu.barrier barrier_id(%barrier3A)
    %scan3A = arith.constant 0 : i32
    %scan3A_3 = arith.constant 0 : i32
    %scan3A_4 = arith.constant 98 : i32
    %scan3A_5 = arith.addi %scan3A_3, %scan3A_4 : i32
    %scan3A_6 = arith.constant 1 : i32
    scf.for %scan3A_16 = %scan3A_3 to %scan3A_5 step %scan3A_6  : i32 {
      %mul3A_17 = arith.constant 392 : i32
      %mul3A_18 = arith.muli %add3A, %mul3A_17 : i32
      %mul3A_19 = arith.constant 4 : i32
      %mul3A_20 = arith.muli %scan3A_16, %mul3A_19 : i32
      %add3A_21 = arith.addi %mul3A_18, %mul3A_20 : i32
      "tpu.region"() ({
        %run_scoped3A_189 = tpu.sem_alloc : memref<!tpu.dma_semaphore, #tpu.memory_space<semaphore_mem>>
        %dma_start3A_190 = arith.constant 0 : i32
        %dma_start3A_191 = tpu.memref_slice %arg4[%add3A_21, %dma_start3A_190] : memref<12544x128xi32, #tpu.memory_space<hbm>> -> memref<4x128xi32, #tpu.memory_space<hbm>>
        %dma_start3A_192 = arith.constant 0 : i32
        %dma_start3A_193 = tpu.memref_slice %arg4[%add3A_21, %dma_start3A_192] : memref<12544x128xi32, #tpu.memory_space<hbm>> -> memref<4x128xi32, #tpu.memory_space<hbm>>
        tpu.enqueue_dma source(%dma_start3A_193 : memref<4x128xi32, #tpu.memory_space<hbm>>) target(%arg11 : memref<4x128xi32, #tpu.memory_space<vmem>>) target_semaphore(%run_scoped3A_189 : memref<!tpu.dma_semaphore, #tpu.memory_space<semaphore_mem>>)
        %dma_wait3A_194 = arith.constant 0 : i32
        %dma_wait3A_195 = tpu.memref_slice %arg4[%add3A_21, %dma_wait3A_194] : memref<12544x128xi32, #tpu.memory_space<hbm>> -> memref<4x128xi32, #tpu.memory_space<hbm>>
        %dma_wait3A_196 = arith.constant 0 : i32
        %dma_wait3A_197 = tpu.memref_slice %arg4[%add3A_21, %dma_wait3A_196] : memref<12544x128xi32, #tpu.memory_space<hbm>> -> memref<4x128xi32, #tpu.memory_space<hbm>>
        tpu.wait_dma2 semaphore(%run_scoped3A_189 : memref<!tpu.dma_semaphore, #tpu.memory_space<semaphore_mem>>) src(%dma_wait3A_197 : memref<4x128xi32, #tpu.memory_space<hbm>>) dst(%arg11 : memref<4x128xi32, #tpu.memory_space<vmem>>)
        tpu.yield
      }) : () -> ()
      "tpu.region"() ({
        %run_scoped3A_189 = tpu.sem_alloc : memref<!tpu.dma_semaphore, #tpu.memory_space<semaphore_mem>>
        %dma_start3A_190 = arith.constant 0 : i32
        %dma_start3A_191 = tpu.memref_slice %arg5[%add3A_21, %dma_start3A_190] : memref<12544x128xi32, #tpu.memory_space<hbm>> -> memref<4x128xi32, #tpu.memory_space<hbm>>
        %dma_start3A_192 = arith.constant 0 : i32
        %dma_start3A_193 = tpu.memref_slice %arg5[%add3A_21, %dma_start3A_192] : memref<12544x128xi32, #tpu.memory_space<hbm>> -> memref<4x128xi32, #tpu.memory_space<hbm>>
        tpu.enqueue_dma source(%dma_start3A_193 : memref<4x128xi32, #tpu.memory_space<hbm>>) target(%arg12 : memref<4x128xi32, #tpu.memory_space<vmem>>) target_semaphore(%run_scoped3A_189 : memref<!tpu.dma_semaphore, #tpu.memory_space<semaphore_mem>>)
        %dma_wait3A_194 = arith.constant 0 : i32
        %dma_wait3A_195 = tpu.memref_slice %arg5[%add3A_21, %dma_wait3A_194] : memref<12544x128xi32, #tpu.memory_space<hbm>> -> memref<4x128xi32, #tpu.memory_space<hbm>>
        %dma_wait3A_196 = arith.constant 0 : i32
        %dma_wait3A_197 = tpu.memref_slice %arg5[%add3A_21, %dma_wait3A_196] : memref<12544x128xi32, #tpu.memory_space<hbm>> -> memref<4x128xi32, #tpu.memory_space<hbm>>
        tpu.wait_dma2 semaphore(%run_scoped3A_189 : memref<!tpu.dma_semaphore, #tpu.memory_space<semaphore_mem>>) src(%dma_wait3A_197 : memref<4x128xi32, #tpu.memory_space<hbm>>) dst(%arg12 : memref<4x128xi32, #tpu.memory_space<vmem>>)
        tpu.yield
      }) : () -> ()
      "tpu.region"() ({
        %run_scoped3A_189 = tpu.sem_alloc : memref<!tpu.dma_semaphore, #tpu.memory_space<semaphore_mem>>
        %dma_start3A_190 = arith.constant 0 : i32
        %dma_start3A_191 = tpu.memref_slice %arg6[%add3A_21, %dma_start3A_190] : memref<12544x128xi32, #tpu.memory_space<hbm>> -> memref<4x128xi32, #tpu.memory_space<hbm>>
        %dma_start3A_192 = arith.constant 0 : i32
        %dma_start3A_193 = tpu.memref_slice %arg6[%add3A_21, %dma_start3A_192] : memref<12544x128xi32, #tpu.memory_space<hbm>> -> memref<4x128xi32, #tpu.memory_space<hbm>>
        tpu.enqueue_dma source(%dma_start3A_193 : memref<4x128xi32, #tpu.memory_space<hbm>>) target(%arg13 : memref<4x128xi32, #tpu.memory_space<vmem>>) target_semaphore(%run_scoped3A_189 : memref<!tpu.dma_semaphore, #tpu.memory_space<semaphore_mem>>)
        %dma_wait3A_194 = arith.constant 0 : i32
        %dma_wait3A_195 = tpu.memref_slice %arg6[%add3A_21, %dma_wait3A_194] : memref<12544x128xi32, #tpu.memory_space<hbm>> -> memref<4x128xi32, #tpu.memory_space<hbm>>
        %dma_wait3A_196 = arith.constant 0 : i32
        %dma_wait3A_197 = tpu.memref_slice %arg6[%add3A_21, %dma_wait3A_196] : memref<12544x128xi32, #tpu.memory_space<hbm>> -> memref<4x128xi32, #tpu.memory_space<hbm>>
        tpu.wait_dma2 semaphore(%run_scoped3A_189 : memref<!tpu.dma_semaphore, #tpu.memory_space<semaphore_mem>>) src(%dma_wait3A_197 : memref<4x128xi32, #tpu.memory_space<hbm>>) dst(%arg13 : memref<4x128xi32, #tpu.memory_space<vmem>>)
        tpu.yield
      }) : () -> ()
      %dma_start3A = arith.constant 0 : i32
      %dma_start3A_22 = arith.constant 0 : i32
      %dma_start3A_23 = arith.constant 0 : i32
      %dma_start3A_24 = tpu.memref_slice %arg14[%dma_start3A_22, %dma_start3A_23] : memref<512x16xf32, #tpu.memory_space<vmem>> -> memref<128x16xf32, #tpu.memory_space<vmem>>
      %dma_start3A_25 = arith.constant 0 : i32
      %dma_start3A_26 = tpu.memref_slice %arg11[%dma_start3A, %dma_start3A_25] : memref<4x128xi32, #tpu.memory_space<vmem>> -> memref<1x128xi32, #tpu.memory_space<vmem>>
      %dma_start3A_27 = tpu.memref_squeeze %dma_start3A_26 : memref<1x128xi32, #tpu.memory_space<vmem>> -> memref<128xi32, #tpu.memory_space<vmem>>
      %dma_start3A_28 = arith.constant 0 : i32
      %dma_start3A_29 = arith.constant 0 : i32
      %dma_start3A_30 = tpu.memref_slice %arg2[%dma_start3A_28, %dma_start3A_29] : memref<100096x16xf32, #tpu.memory_space<hbm>> -> memref<100096x16xf32, #tpu.memory_space<hbm>>
      tpu.enqueue_indirect_dma source(%dma_start3A_30 : memref<100096x16xf32, #tpu.memory_space<hbm>>) target(%dma_start3A_24 : memref<128x16xf32, #tpu.memory_space<vmem>>) offsets(%dma_start3A_27 : memref<128xi32, #tpu.memory_space<vmem>>) semaphore(%arg16 : memref<!tpu.dma_semaphore, #tpu.memory_space<semaphore_mem>>)
      %dma_start3A_31 = arith.constant 0 : i32
      %dma_start3A_32 = arith.constant 0 : i32
      %dma_start3A_33 = arith.constant 0 : i32
      %dma_start3A_34 = tpu.memref_slice %arg15[%dma_start3A_32, %dma_start3A_33] : memref<512x16xf32, #tpu.memory_space<vmem>> -> memref<128x16xf32, #tpu.memory_space<vmem>>
      %dma_start3A_35 = arith.constant 0 : i32
      %dma_start3A_36 = tpu.memref_slice %arg12[%dma_start3A_31, %dma_start3A_35] : memref<4x128xi32, #tpu.memory_space<vmem>> -> memref<1x128xi32, #tpu.memory_space<vmem>>
      %dma_start3A_37 = tpu.memref_squeeze %dma_start3A_36 : memref<1x128xi32, #tpu.memory_space<vmem>> -> memref<128xi32, #tpu.memory_space<vmem>>
      %dma_start3A_38 = arith.constant 0 : i32
      %dma_start3A_39 = arith.constant 0 : i32
      %dma_start3A_40 = tpu.memref_slice %arg3[%dma_start3A_38, %dma_start3A_39] : memref<512x16xf32, #tpu.memory_space<hbm>> -> memref<512x16xf32, #tpu.memory_space<hbm>>
      tpu.enqueue_indirect_dma source(%dma_start3A_40 : memref<512x16xf32, #tpu.memory_space<hbm>>) target(%dma_start3A_34 : memref<128x16xf32, #tpu.memory_space<vmem>>) offsets(%dma_start3A_37 : memref<128xi32, #tpu.memory_space<vmem>>) semaphore(%arg16 : memref<!tpu.dma_semaphore, #tpu.memory_space<semaphore_mem>>)
      %dma_start3A_41 = arith.constant 1 : i32
      %dma_start3A_42 = arith.constant 128 : i32
      %dma_start3A_43 = arith.constant 0 : i32
      %dma_start3A_44 = tpu.memref_slice %arg14[%dma_start3A_42, %dma_start3A_43] : memref<512x16xf32, #tpu.memory_space<vmem>> -> memref<128x16xf32, #tpu.memory_space<vmem>>
      %dma_start3A_45 = arith.constant 0 : i32
      %dma_start3A_46 = tpu.memref_slice %arg11[%dma_start3A_41, %dma_start3A_45] : memref<4x128xi32, #tpu.memory_space<vmem>> -> memref<1x128xi32, #tpu.memory_space<vmem>>
      %dma_start3A_47 = tpu.memref_squeeze %dma_start3A_46 : memref<1x128xi32, #tpu.memory_space<vmem>> -> memref<128xi32, #tpu.memory_space<vmem>>
      %dma_start3A_48 = arith.constant 0 : i32
      %dma_start3A_49 = arith.constant 0 : i32
      %dma_start3A_50 = tpu.memref_slice %arg2[%dma_start3A_48, %dma_start3A_49] : memref<100096x16xf32, #tpu.memory_space<hbm>> -> memref<100096x16xf32, #tpu.memory_space<hbm>>
      tpu.enqueue_indirect_dma source(%dma_start3A_50 : memref<100096x16xf32, #tpu.memory_space<hbm>>) target(%dma_start3A_44 : memref<128x16xf32, #tpu.memory_space<vmem>>) offsets(%dma_start3A_47 : memref<128xi32, #tpu.memory_space<vmem>>) semaphore(%arg16 : memref<!tpu.dma_semaphore, #tpu.memory_space<semaphore_mem>>)
      %dma_start3A_51 = arith.constant 1 : i32
      %dma_start3A_52 = arith.constant 128 : i32
      %dma_start3A_53 = arith.constant 0 : i32
      %dma_start3A_54 = tpu.memref_slice %arg15[%dma_start3A_52, %dma_start3A_53] : memref<512x16xf32, #tpu.memory_space<vmem>> -> memref<128x16xf32, #tpu.memory_space<vmem>>
      %dma_start3A_55 = arith.constant 0 : i32
      %dma_start3A_56 = tpu.memref_slice %arg12[%dma_start3A_51, %dma_start3A_55] : memref<4x128xi32, #tpu.memory_space<vmem>> -> memref<1x128xi32, #tpu.memory_space<vmem>>
      %dma_start3A_57 = tpu.memref_squeeze %dma_start3A_56 : memref<1x128xi32, #tpu.memory_space<vmem>> -> memref<128xi32, #tpu.memory_space<vmem>>
      %dma_start3A_58 = arith.constant 0 : i32
      %dma_start3A_59 = arith.constant 0 : i32
      %dma_start3A_60 = tpu.memref_slice %arg3[%dma_start3A_58, %dma_start3A_59] : memref<512x16xf32, #tpu.memory_space<hbm>> -> memref<512x16xf32, #tpu.memory_space<hbm>>
      tpu.enqueue_indirect_dma source(%dma_start3A_60 : memref<512x16xf32, #tpu.memory_space<hbm>>) target(%dma_start3A_54 : memref<128x16xf32, #tpu.memory_space<vmem>>) offsets(%dma_start3A_57 : memref<128xi32, #tpu.memory_space<vmem>>) semaphore(%arg16 : memref<!tpu.dma_semaphore, #tpu.memory_space<semaphore_mem>>)
      %dma_start3A_61 = arith.constant 2 : i32
      %dma_start3A_62 = arith.constant 256 : i32
      %dma_start3A_63 = arith.constant 0 : i32
      %dma_start3A_64 = tpu.memref_slice %arg14[%dma_start3A_62, %dma_start3A_63] : memref<512x16xf32, #tpu.memory_space<vmem>> -> memref<128x16xf32, #tpu.memory_space<vmem>>
      %dma_start3A_65 = arith.constant 0 : i32
      %dma_start3A_66 = tpu.memref_slice %arg11[%dma_start3A_61, %dma_start3A_65] : memref<4x128xi32, #tpu.memory_space<vmem>> -> memref<1x128xi32, #tpu.memory_space<vmem>>
      %dma_start3A_67 = tpu.memref_squeeze %dma_start3A_66 : memref<1x128xi32, #tpu.memory_space<vmem>> -> memref<128xi32, #tpu.memory_space<vmem>>
      %dma_start3A_68 = arith.constant 0 : i32
      %dma_start3A_69 = arith.constant 0 : i32
      %dma_start3A_70 = tpu.memref_slice %arg2[%dma_start3A_68, %dma_start3A_69] : memref<100096x16xf32, #tpu.memory_space<hbm>> -> memref<100096x16xf32, #tpu.memory_space<hbm>>
      tpu.enqueue_indirect_dma source(%dma_start3A_70 : memref<100096x16xf32, #tpu.memory_space<hbm>>) target(%dma_start3A_64 : memref<128x16xf32, #tpu.memory_space<vmem>>) offsets(%dma_start3A_67 : memref<128xi32, #tpu.memory_space<vmem>>) semaphore(%arg16 : memref<!tpu.dma_semaphore, #tpu.memory_space<semaphore_mem>>)
      %dma_start3A_71 = arith.constant 2 : i32
      %dma_start3A_72 = arith.constant 256 : i32
      %dma_start3A_73 = arith.constant 0 : i32
      %dma_start3A_74 = tpu.memref_slice %arg15[%dma_start3A_72, %dma_start3A_73] : memref<512x16xf32, #tpu.memory_space<vmem>> -> memref<128x16xf32, #tpu.memory_space<vmem>>
      %dma_start3A_75 = arith.constant 0 : i32
      %dma_start3A_76 = tpu.memref_slice %arg12[%dma_start3A_71, %dma_start3A_75] : memref<4x128xi32, #tpu.memory_space<vmem>> -> memref<1x128xi32, #tpu.memory_space<vmem>>
      %dma_start3A_77 = tpu.memref_squeeze %dma_start3A_76 : memref<1x128xi32, #tpu.memory_space<vmem>> -> memref<128xi32, #tpu.memory_space<vmem>>
      %dma_start3A_78 = arith.constant 0 : i32
      %dma_start3A_79 = arith.constant 0 : i32
      %dma_start3A_80 = tpu.memref_slice %arg3[%dma_start3A_78, %dma_start3A_79] : memref<512x16xf32, #tpu.memory_space<hbm>> -> memref<512x16xf32, #tpu.memory_space<hbm>>
      tpu.enqueue_indirect_dma source(%dma_start3A_80 : memref<512x16xf32, #tpu.memory_space<hbm>>) target(%dma_start3A_74 : memref<128x16xf32, #tpu.memory_space<vmem>>) offsets(%dma_start3A_77 : memref<128xi32, #tpu.memory_space<vmem>>) semaphore(%arg16 : memref<!tpu.dma_semaphore, #tpu.memory_space<semaphore_mem>>)
      %dma_start3A_81 = arith.constant 3 : i32
      %dma_start3A_82 = arith.constant 384 : i32
      %dma_start3A_83 = arith.constant 0 : i32
      %dma_start3A_84 = tpu.memref_slice %arg14[%dma_start3A_82, %dma_start3A_83] : memref<512x16xf32, #tpu.memory_space<vmem>> -> memref<128x16xf32, #tpu.memory_space<vmem>>
      %dma_start3A_85 = arith.constant 0 : i32
      %dma_start3A_86 = tpu.memref_slice %arg11[%dma_start3A_81, %dma_start3A_85] : memref<4x128xi32, #tpu.memory_space<vmem>> -> memref<1x128xi32, #tpu.memory_space<vmem>>
      %dma_start3A_87 = tpu.memref_squeeze %dma_start3A_86 : memref<1x128xi32, #tpu.memory_space<vmem>> -> memref<128xi32, #tpu.memory_space<vmem>>
      %dma_start3A_88 = arith.constant 0 : i32
      %dma_start3A_89 = arith.constant 0 : i32
      %dma_start3A_90 = tpu.memref_slice %arg2[%dma_start3A_88, %dma_start3A_89] : memref<100096x16xf32, #tpu.memory_space<hbm>> -> memref<100096x16xf32, #tpu.memory_space<hbm>>
      tpu.enqueue_indirect_dma source(%dma_start3A_90 : memref<100096x16xf32, #tpu.memory_space<hbm>>) target(%dma_start3A_84 : memref<128x16xf32, #tpu.memory_space<vmem>>) offsets(%dma_start3A_87 : memref<128xi32, #tpu.memory_space<vmem>>) semaphore(%arg16 : memref<!tpu.dma_semaphore, #tpu.memory_space<semaphore_mem>>)
      %dma_start3A_91 = arith.constant 3 : i32
      %dma_start3A_92 = arith.constant 384 : i32
      %dma_start3A_93 = arith.constant 0 : i32
      %dma_start3A_94 = tpu.memref_slice %arg15[%dma_start3A_92, %dma_start3A_93] : memref<512x16xf32, #tpu.memory_space<vmem>> -> memref<128x16xf32, #tpu.memory_space<vmem>>
      %dma_start3A_95 = arith.constant 0 : i32
      %dma_start3A_96 = tpu.memref_slice %arg12[%dma_start3A_91, %dma_start3A_95] : memref<4x128xi32, #tpu.memory_space<vmem>> -> memref<1x128xi32, #tpu.memory_space<vmem>>
      %dma_start3A_97 = tpu.memref_squeeze %dma_start3A_96 : memref<1x128xi32, #tpu.memory_space<vmem>> -> memref<128xi32, #tpu.memory_space<vmem>>
      %dma_start3A_98 = arith.constant 0 : i32
      %dma_start3A_99 = arith.constant 0 : i32
      %dma_start3A_100 = tpu.memref_slice %arg3[%dma_start3A_98, %dma_start3A_99] : memref<512x16xf32, #tpu.memory_space<hbm>> -> memref<512x16xf32, #tpu.memory_space<hbm>>
      tpu.enqueue_indirect_dma source(%dma_start3A_100 : memref<512x16xf32, #tpu.memory_space<hbm>>) target(%dma_start3A_94 : memref<128x16xf32, #tpu.memory_space<vmem>>) offsets(%dma_start3A_97 : memref<128xi32, #tpu.memory_space<vmem>>) semaphore(%arg16 : memref<!tpu.dma_semaphore, #tpu.memory_space<semaphore_mem>>)
      %dma_wait3A = arith.constant 0 : i32
      %dma_wait3A_101 = arith.constant 0 : i32
      %dma_wait3A_102 = arith.constant 0 : i32
      %dma_wait3A_103 = tpu.memref_slice %arg14[%dma_wait3A_101, %dma_wait3A_102] : memref<512x16xf32, #tpu.memory_space<vmem>> -> memref<128x16xf32, #tpu.memory_space<vmem>>
      %dma_wait3A_104 = arith.constant 0 : i32
      %dma_wait3A_105 = tpu.memref_slice %arg11[%dma_wait3A, %dma_wait3A_104] : memref<4x128xi32, #tpu.memory_space<vmem>> -> memref<1x128xi32, #tpu.memory_space<vmem>>
      %dma_wait3A_106 = tpu.memref_squeeze %dma_wait3A_105 : memref<1x128xi32, #tpu.memory_space<vmem>> -> memref<128xi32, #tpu.memory_space<vmem>>
      %dma_wait3A_107 = arith.constant 0 : i32
      %dma_wait3A_108 = arith.constant 0 : i32
      %dma_wait3A_109 = tpu.memref_slice %arg2[%dma_wait3A_107, %dma_wait3A_108] : memref<100096x16xf32, #tpu.memory_space<hbm>> -> memref<100096x16xf32, #tpu.memory_space<hbm>>
      tpu.wait_indirect_dma semaphore(%arg16 : memref<!tpu.dma_semaphore, #tpu.memory_space<semaphore_mem>>) src(%dma_wait3A_109 : memref<100096x16xf32, #tpu.memory_space<hbm>>) dst(%dma_wait3A_103 : memref<128x16xf32, #tpu.memory_space<vmem>>)
      %dma_wait3A_110 = arith.constant 0 : i32
      %dma_wait3A_111 = arith.constant 0 : i32
      %dma_wait3A_112 = arith.constant 0 : i32
      %dma_wait3A_113 = tpu.memref_slice %arg15[%dma_wait3A_111, %dma_wait3A_112] : memref<512x16xf32, #tpu.memory_space<vmem>> -> memref<128x16xf32, #tpu.memory_space<vmem>>
      %dma_wait3A_114 = arith.constant 0 : i32
      %dma_wait3A_115 = tpu.memref_slice %arg12[%dma_wait3A_110, %dma_wait3A_114] : memref<4x128xi32, #tpu.memory_space<vmem>> -> memref<1x128xi32, #tpu.memory_space<vmem>>
      %dma_wait3A_116 = tpu.memref_squeeze %dma_wait3A_115 : memref<1x128xi32, #tpu.memory_space<vmem>> -> memref<128xi32, #tpu.memory_space<vmem>>
      %dma_wait3A_117 = arith.constant 0 : i32
      %dma_wait3A_118 = arith.constant 0 : i32
      %dma_wait3A_119 = tpu.memref_slice %arg3[%dma_wait3A_117, %dma_wait3A_118] : memref<512x16xf32, #tpu.memory_space<hbm>> -> memref<512x16xf32, #tpu.memory_space<hbm>>
      tpu.wait_indirect_dma semaphore(%arg16 : memref<!tpu.dma_semaphore, #tpu.memory_space<semaphore_mem>>) src(%dma_wait3A_119 : memref<512x16xf32, #tpu.memory_space<hbm>>) dst(%dma_wait3A_113 : memref<128x16xf32, #tpu.memory_space<vmem>>)
      %dma_wait3A_120 = arith.constant 1 : i32
      %dma_wait3A_121 = arith.constant 128 : i32
      %dma_wait3A_122 = arith.constant 0 : i32
      %dma_wait3A_123 = tpu.memref_slice %arg14[%dma_wait3A_121, %dma_wait3A_122] : memref<512x16xf32, #tpu.memory_space<vmem>> -> memref<128x16xf32, #tpu.memory_space<vmem>>
      %dma_wait3A_124 = arith.constant 0 : i32
      %dma_wait3A_125 = tpu.memref_slice %arg11[%dma_wait3A_120, %dma_wait3A_124] : memref<4x128xi32, #tpu.memory_space<vmem>> -> memref<1x128xi32, #tpu.memory_space<vmem>>
      %dma_wait3A_126 = tpu.memref_squeeze %dma_wait3A_125 : memref<1x128xi32, #tpu.memory_space<vmem>> -> memref<128xi32, #tpu.memory_space<vmem>>
      %dma_wait3A_127 = arith.constant 0 : i32
      %dma_wait3A_128 = arith.constant 0 : i32
      %dma_wait3A_129 = tpu.memref_slice %arg2[%dma_wait3A_127, %dma_wait3A_128] : memref<100096x16xf32, #tpu.memory_space<hbm>> -> memref<100096x16xf32, #tpu.memory_space<hbm>>
      tpu.wait_indirect_dma semaphore(%arg16 : memref<!tpu.dma_semaphore, #tpu.memory_space<semaphore_mem>>) src(%dma_wait3A_129 : memref<100096x16xf32, #tpu.memory_space<hbm>>) dst(%dma_wait3A_123 : memref<128x16xf32, #tpu.memory_space<vmem>>)
      %dma_wait3A_130 = arith.constant 1 : i32
      %dma_wait3A_131 = arith.constant 128 : i32
      %dma_wait3A_132 = arith.constant 0 : i32
      %dma_wait3A_133 = tpu.memref_slice %arg15[%dma_wait3A_131, %dma_wait3A_132] : memref<512x16xf32, #tpu.memory_space<vmem>> -> memref<128x16xf32, #tpu.memory_space<vmem>>
      %dma_wait3A_134 = arith.constant 0 : i32
      %dma_wait3A_135 = tpu.memref_slice %arg12[%dma_wait3A_130, %dma_wait3A_134] : memref<4x128xi32, #tpu.memory_space<vmem>> -> memref<1x128xi32, #tpu.memory_space<vmem>>
      %dma_wait3A_136 = tpu.memref_squeeze %dma_wait3A_135 : memref<1x128xi32, #tpu.memory_space<vmem>> -> memref<128xi32, #tpu.memory_space<vmem>>
      %dma_wait3A_137 = arith.constant 0 : i32
      %dma_wait3A_138 = arith.constant 0 : i32
      %dma_wait3A_139 = tpu.memref_slice %arg3[%dma_wait3A_137, %dma_wait3A_138] : memref<512x16xf32, #tpu.memory_space<hbm>> -> memref<512x16xf32, #tpu.memory_space<hbm>>
      tpu.wait_indirect_dma semaphore(%arg16 : memref<!tpu.dma_semaphore, #tpu.memory_space<semaphore_mem>>) src(%dma_wait3A_139 : memref<512x16xf32, #tpu.memory_space<hbm>>) dst(%dma_wait3A_133 : memref<128x16xf32, #tpu.memory_space<vmem>>)
      %dma_wait3A_140 = arith.constant 2 : i32
      %dma_wait3A_141 = arith.constant 256 : i32
      %dma_wait3A_142 = arith.constant 0 : i32
      %dma_wait3A_143 = tpu.memref_slice %arg14[%dma_wait3A_141, %dma_wait3A_142] : memref<512x16xf32, #tpu.memory_space<vmem>> -> memref<128x16xf32, #tpu.memory_space<vmem>>
      %dma_wait3A_144 = arith.constant 0 : i32
      %dma_wait3A_145 = tpu.memref_slice %arg11[%dma_wait3A_140, %dma_wait3A_144] : memref<4x128xi32, #tpu.memory_space<vmem>> -> memref<1x128xi32, #tpu.memory_space<vmem>>
      %dma_wait3A_146 = tpu.memref_squeeze %dma_wait3A_145 : memref<1x128xi32, #tpu.memory_space<vmem>> -> memref<128xi32, #tpu.memory_space<vmem>>
      %dma_wait3A_147 = arith.constant 0 : i32
      %dma_wait3A_148 = arith.constant 0 : i32
      %dma_wait3A_149 = tpu.memref_slice %arg2[%dma_wait3A_147, %dma_wait3A_148] : memref<100096x16xf32, #tpu.memory_space<hbm>> -> memref<100096x16xf32, #tpu.memory_space<hbm>>
      tpu.wait_indirect_dma semaphore(%arg16 : memref<!tpu.dma_semaphore, #tpu.memory_space<semaphore_mem>>) src(%dma_wait3A_149 : memref<100096x16xf32, #tpu.memory_space<hbm>>) dst(%dma_wait3A_143 : memref<128x16xf32, #tpu.memory_space<vmem>>)
      %dma_wait3A_150 = arith.constant 2 : i32
      %dma_wait3A_151 = arith.constant 256 : i32
      %dma_wait3A_152 = arith.constant 0 : i32
      %dma_wait3A_153 = tpu.memref_slice %arg15[%dma_wait3A_151, %dma_wait3A_152] : memref<512x16xf32, #tpu.memory_space<vmem>> -> memref<128x16xf32, #tpu.memory_space<vmem>>
      %dma_wait3A_154 = arith.constant 0 : i32
      %dma_wait3A_155 = tpu.memref_slice %arg12[%dma_wait3A_150, %dma_wait3A_154] : memref<4x128xi32, #tpu.memory_space<vmem>> -> memref<1x128xi32, #tpu.memory_space<vmem>>
      %dma_wait3A_156 = tpu.memref_squeeze %dma_wait3A_155 : memref<1x128xi32, #tpu.memory_space<vmem>> -> memref<128xi32, #tpu.memory_space<vmem>>
      %dma_wait3A_157 = arith.constant 0 : i32
      %dma_wait3A_158 = arith.constant 0 : i32
      %dma_wait3A_159 = tpu.memref_slice %arg3[%dma_wait3A_157, %dma_wait3A_158] : memref<512x16xf32, #tpu.memory_space<hbm>> -> memref<512x16xf32, #tpu.memory_space<hbm>>
      tpu.wait_indirect_dma semaphore(%arg16 : memref<!tpu.dma_semaphore, #tpu.memory_space<semaphore_mem>>) src(%dma_wait3A_159 : memref<512x16xf32, #tpu.memory_space<hbm>>) dst(%dma_wait3A_153 : memref<128x16xf32, #tpu.memory_space<vmem>>)
      %dma_wait3A_160 = arith.constant 3 : i32
      %dma_wait3A_161 = arith.constant 384 : i32
      %dma_wait3A_162 = arith.constant 0 : i32
      %dma_wait3A_163 = tpu.memref_slice %arg14[%dma_wait3A_161, %dma_wait3A_162] : memref<512x16xf32, #tpu.memory_space<vmem>> -> memref<128x16xf32, #tpu.memory_space<vmem>>
      %dma_wait3A_164 = arith.constant 0 : i32
      %dma_wait3A_165 = tpu.memref_slice %arg11[%dma_wait3A_160, %dma_wait3A_164] : memref<4x128xi32, #tpu.memory_space<vmem>> -> memref<1x128xi32, #tpu.memory_space<vmem>>
      %dma_wait3A_166 = tpu.memref_squeeze %dma_wait3A_165 : memref<1x128xi32, #tpu.memory_space<vmem>> -> memref<128xi32, #tpu.memory_space<vmem>>
      %dma_wait3A_167 = arith.constant 0 : i32
      %dma_wait3A_168 = arith.constant 0 : i32
      %dma_wait3A_169 = tpu.memref_slice %arg2[%dma_wait3A_167, %dma_wait3A_168] : memref<100096x16xf32, #tpu.memory_space<hbm>> -> memref<100096x16xf32, #tpu.memory_space<hbm>>
      tpu.wait_indirect_dma semaphore(%arg16 : memref<!tpu.dma_semaphore, #tpu.memory_space<semaphore_mem>>) src(%dma_wait3A_169 : memref<100096x16xf32, #tpu.memory_space<hbm>>) dst(%dma_wait3A_163 : memref<128x16xf32, #tpu.memory_space<vmem>>)
      %dma_wait3A_170 = arith.constant 3 : i32
      %dma_wait3A_171 = arith.constant 384 : i32
      %dma_wait3A_172 = arith.constant 0 : i32
      %dma_wait3A_173 = tpu.memref_slice %arg15[%dma_wait3A_171, %dma_wait3A_172] : memref<512x16xf32, #tpu.memory_space<vmem>> -> memref<128x16xf32, #tpu.memory_space<vmem>>
      %dma_wait3A_174 = arith.constant 0 : i32
      %dma_wait3A_175 = tpu.memref_slice %arg12[%dma_wait3A_170, %dma_wait3A_174] : memref<4x128xi32, #tpu.memory_space<vmem>> -> memref<1x128xi32, #tpu.memory_space<vmem>>
      %dma_wait3A_176 = tpu.memref_squeeze %dma_wait3A_175 : memref<1x128xi32, #tpu.memory_space<vmem>> -> memref<128xi32, #tpu.memory_space<vmem>>
      %dma_wait3A_177 = arith.constant 0 : i32
      %dma_wait3A_178 = arith.constant 0 : i32
      %dma_wait3A_179 = tpu.memref_slice %arg3[%dma_wait3A_177, %dma_wait3A_178] : memref<512x16xf32, #tpu.memory_space<hbm>> -> memref<512x16xf32, #tpu.memory_space<hbm>>
      tpu.wait_indirect_dma semaphore(%arg16 : memref<!tpu.dma_semaphore, #tpu.memory_space<semaphore_mem>>) src(%dma_wait3A_179 : memref<512x16xf32, #tpu.memory_space<hbm>>) dst(%dma_wait3A_173 : memref<128x16xf32, #tpu.memory_space<vmem>>)
      %scan3A_180 = arith.constant 0 : i32
      %scan3A_181 = arith.constant 0 : i32
      %scan3A_182 = arith.constant 64 : i32
      %scan3A_183 = arith.addi %scan3A_181, %scan3A_182 : i32
      %scan3A_184 = arith.constant 1 : i32
      scf.for %scan3A_189 = %scan3A_181 to %scan3A_183 step %scan3A_184  : i32 {
        %mul3A_190 = arith.constant 8 : i32
        %mul3A_191 = arith.muli %scan3A_189, %mul3A_190 : i32
        %add3A_192 = arith.constant 0 : i32
        %add3A_193 = arith.addi %mul3A_191, %add3A_192 : i32
        %get3A = arith.index_cast %add3A_193 : i32 to index
        %get3A_194 = arith.constant 0 : index
        %get3A_195 = tpu.vector_load %arg14[%get3A, %get3A_194] {strides = array<i32>} : memref<512x16xf32, #tpu.memory_space<vmem>>, vector<1x16xf32>,
        %get3A_196 = vector.shape_cast %get3A_195 : vector<1x16xf32> to vector<16xf32>
        %add3A_197 = arith.constant 0 : i32
        %add3A_198 = arith.addi %mul3A_191, %add3A_197 : i32
        %get3A_199 = arith.index_cast %add3A_198 : i32 to index
        %get3A_200 = arith.constant 0 : index
        %get3A_201 = tpu.vector_load %arg15[%get3A_199, %get3A_200] {strides = array<i32>} : memref<512x16xf32, #tpu.memory_space<vmem>>, vector<1x16xf32>,
        %get3A_202 = vector.shape_cast %get3A_201 : vector<1x16xf32> to vector<16xf32>
        %mul3A_203 = arith.mulf %get3A_196, %get3A_202 : vector<16xf32>
        %add3A_204 = arith.constant 0 : i32
        %add3A_205 = arith.addi %mul3A_191, %add3A_204 : i32
        %swap3A = arith.index_cast %add3A_205 : i32 to index
        %swap3A_206 = arith.constant 0 : index
        %swap3A_207 = tpu.vector_load %arg14[%swap3A, %swap3A_206] {strides = array<i32>} : memref<512x16xf32, #tpu.memory_space<vmem>>, vector<1x16xf32>,
        %swap3A_208 = vector.shape_cast %swap3A_207 : vector<1x16xf32> to vector<16xf32>
        %swap3A_209 = vector.shape_cast %mul3A_203 : vector<16xf32> to vector<1x16xf32>
        tpu.vector_store %arg14[%swap3A, %swap3A_206], %swap3A_209 {strides = array<i32>} : memref<512x16xf32, #tpu.memory_space<vmem>>, vector<1x16xf32>,
        %add3A_210 = arith.constant 1 : i32
        %add3A_211 = arith.addi %mul3A_191, %add3A_210 : i32
        %get3A_212 = arith.index_cast %add3A_211 : i32 to index
        %get3A_213 = arith.constant 0 : index
        %get3A_214 = tpu.vector_load %arg14[%get3A_212, %get3A_213] {strides = array<i32>} : memref<512x16xf32, #tpu.memory_space<vmem>>, vector<1x16xf32>,
        %get3A_215 = vector.shape_cast %get3A_214 : vector<1x16xf32> to vector<16xf32>
        %add3A_216 = arith.constant 1 : i32
        %add3A_217 = arith.addi %mul3A_191, %add3A_216 : i32
        %get3A_218 = arith.index_cast %add3A_217 : i32 to index
        %get3A_219 = arith.constant 0 : index
        %get3A_220 = tpu.vector_load %arg15[%get3A_218, %get3A_219] {strides = array<i32>} : memref<512x16xf32, #tpu.memory_space<vmem>>, vector<1x16xf32>,
        %get3A_221 = vector.shape_cast %get3A_220 : vector<1x16xf32> to vector<16xf32>
        %mul3A_222 = arith.mulf %get3A_215, %get3A_221 : vector<16xf32>
        %add3A_223 = arith.constant 1 : i32
        %add3A_224 = arith.addi %mul3A_191, %add3A_223 : i32
        %swap3A_225 = arith.index_cast %add3A_224 : i32 to index
        %swap3A_226 = arith.constant 0 : index
        %swap3A_227 = tpu.vector_load %arg14[%swap3A_225, %swap3A_226] {strides = array<i32>} : memref<512x16xf32, #tpu.memory_space<vmem>>, vector<1x16xf32>,
        %swap3A_228 = vector.shape_cast %swap3A_227 : vector<1x16xf32> to vector<16xf32>
        %swap3A_229 = vector.shape_cast %mul3A_222 : vector<16xf32> to vector<1x16xf32>
        tpu.vector_store %arg14[%swap3A_225, %swap3A_226], %swap3A_229 {strides = array<i32>} : memref<512x16xf32, #tpu.memory_space<vmem>>, vector<1x16xf32>,
        %add3A_230 = arith.constant 2 : i32
        %add3A_231 = arith.addi %mul3A_191, %add3A_230 : i32
        %get3A_232 = arith.index_cast %add3A_231 : i32 to index
        %get3A_233 = arith.constant 0 : index
        %get3A_234 = tpu.vector_load %arg14[%get3A_232, %get3A_233] {strides = array<i32>} : memref<512x16xf32, #tpu.memory_space<vmem>>, vector<1x16xf32>,
        %get3A_235 = vector.shape_cast %get3A_234 : vector<1x16xf32> to vector<16xf32>
        %add3A_236 = arith.constant 2 : i32
        %add3A_237 = arith.addi %mul3A_191, %add3A_236 : i32
        %get3A_238 = arith.index_cast %add3A_237 : i32 to index
        %get3A_239 = arith.constant 0 : index
        %get3A_240 = tpu.vector_load %arg15[%get3A_238, %get3A_239] {strides = array<i32>} : memref<512x16xf32, #tpu.memory_space<vmem>>, vector<1x16xf32>,
        %get3A_241 = vector.shape_cast %get3A_240 : vector<1x16xf32> to vector<16xf32>
        %mul3A_242 = arith.mulf %get3A_235, %get3A_241 : vector<16xf32>
        %add3A_243 = arith.constant 2 : i32
        %add3A_244 = arith.addi %mul3A_191, %add3A_243 : i32
        %swap3A_245 = arith.index_cast %add3A_244 : i32 to index
        %swap3A_246 = arith.constant 0 : index
        %swap3A_247 = tpu.vector_load %arg14[%swap3A_245, %swap3A_246] {strides = array<i32>} : memref<512x16xf32, #tpu.memory_space<vmem>>, vector<1x16xf32>,
        %swap3A_248 = vector.shape_cast %swap3A_247 : vector<1x16xf32> to vector<16xf32>
        %swap3A_249 = vector.shape_cast %mul3A_242 : vector<16xf32> to vector<1x16xf32>
        tpu.vector_store %arg14[%swap3A_245, %swap3A_246], %swap3A_249 {strides = array<i32>} : memref<512x16xf32, #tpu.memory_space<vmem>>, vector<1x16xf32>,
        %add3A_250 = arith.constant 3 : i32
        %add3A_251 = arith.addi %mul3A_191, %add3A_250 : i32
        %get3A_252 = arith.index_cast %add3A_251 : i32 to index
        %get3A_253 = arith.constant 0 : index
        %get3A_254 = tpu.vector_load %arg14[%get3A_252, %get3A_253] {strides = array<i32>} : memref<512x16xf32, #tpu.memory_space<vmem>>, vector<1x16xf32>,
        %get3A_255 = vector.shape_cast %get3A_254 : vector<1x16xf32> to vector<16xf32>
        %add3A_256 = arith.constant 3 : i32
        %add3A_257 = arith.addi %mul3A_191, %add3A_256 : i32
        %get3A_258 = arith.index_cast %add3A_257 : i32 to index
        %get3A_259 = arith.constant 0 : index
        %get3A_260 = tpu.vector_load %arg15[%get3A_258, %get3A_259] {strides = array<i32>} : memref<512x16xf32, #tpu.memory_space<vmem>>, vector<1x16xf32>,
        %get3A_261 = vector.shape_cast %get3A_260 : vector<1x16xf32> to vector<16xf32>
        %mul3A_262 = arith.mulf %get3A_255, %get3A_261 : vector<16xf32>
        %add3A_263 = arith.constant 3 : i32
        %add3A_264 = arith.addi %mul3A_191, %add3A_263 : i32
        %swap3A_265 = arith.index_cast %add3A_264 : i32 to index
        %swap3A_266 = arith.constant 0 : index
        %swap3A_267 = tpu.vector_load %arg14[%swap3A_265, %swap3A_266] {strides = array<i32>} : memref<512x16xf32, #tpu.memory_space<vmem>>, vector<1x16xf32>,
        %swap3A_268 = vector.shape_cast %swap3A_267 : vector<1x16xf32> to vector<16xf32>
        %swap3A_269 = vector.shape_cast %mul3A_262 : vector<16xf32> to vector<1x16xf32>
        tpu.vector_store %arg14[%swap3A_265, %swap3A_266], %swap3A_269 {strides = array<i32>} : memref<512x16xf32, #tpu.memory_space<vmem>>, vector<1x16xf32>,
        %add3A_270 = arith.constant 4 : i32
        %add3A_271 = arith.addi %mul3A_191, %add3A_270 : i32
        %get3A_272 = arith.index_cast %add3A_271 : i32 to index
        %get3A_273 = arith.constant 0 : index
        %get3A_274 = tpu.vector_load %arg14[%get3A_272, %get3A_273] {strides = array<i32>} : memref<512x16xf32, #tpu.memory_space<vmem>>, vector<1x16xf32>,
        %get3A_275 = vector.shape_cast %get3A_274 : vector<1x16xf32> to vector<16xf32>
        %add3A_276 = arith.constant 4 : i32
        %add3A_277 = arith.addi %mul3A_191, %add3A_276 : i32
        %get3A_278 = arith.index_cast %add3A_277 : i32 to index
        %get3A_279 = arith.constant 0 : index
        %get3A_280 = tpu.vector_load %arg15[%get3A_278, %get3A_279] {strides = array<i32>} : memref<512x16xf32, #tpu.memory_space<vmem>>, vector<1x16xf32>,
        %get3A_281 = vector.shape_cast %get3A_280 : vector<1x16xf32> to vector<16xf32>
        %mul3A_282 = arith.mulf %get3A_275, %get3A_281 : vector<16xf32>
        %add3A_283 = arith.constant 4 : i32
        %add3A_284 = arith.addi %mul3A_191, %add3A_283 : i32
        %swap3A_285 = arith.index_cast %add3A_284 : i32 to index
        %swap3A_286 = arith.constant 0 : index
        %swap3A_287 = tpu.vector_load %arg14[%swap3A_285, %swap3A_286] {strides = array<i32>} : memref<512x16xf32, #tpu.memory_space<vmem>>, vector<1x16xf32>,
        %swap3A_288 = vector.shape_cast %swap3A_287 : vector<1x16xf32> to vector<16xf32>
        %swap3A_289 = vector.shape_cast %mul3A_282 : vector<16xf32> to vector<1x16xf32>
        tpu.vector_store %arg14[%swap3A_285, %swap3A_286], %swap3A_289 {strides = array<i32>} : memref<512x16xf32, #tpu.memory_space<vmem>>, vector<1x16xf32>,
        %add3A_290 = arith.constant 5 : i32
        %add3A_291 = arith.addi %mul3A_191, %add3A_290 : i32
        %get3A_292 = arith.index_cast %add3A_291 : i32 to index
        %get3A_293 = arith.constant 0 : index
        %get3A_294 = tpu.vector_load %arg14[%get3A_292, %get3A_293] {strides = array<i32>} : memref<512x16xf32, #tpu.memory_space<vmem>>, vector<1x16xf32>,
        %get3A_295 = vector.shape_cast %get3A_294 : vector<1x16xf32> to vector<16xf32>
        %add3A_296 = arith.constant 5 : i32
        %add3A_297 = arith.addi %mul3A_191, %add3A_296 : i32
        %get3A_298 = arith.index_cast %add3A_297 : i32 to index
        %get3A_299 = arith.constant 0 : index
        %get3A_300 = tpu.vector_load %arg15[%get3A_298, %get3A_299] {strides = array<i32>} : memref<512x16xf32, #tpu.memory_space<vmem>>, vector<1x16xf32>,
        %get3A_301 = vector.shape_cast %get3A_300 : vector<1x16xf32> to vector<16xf32>
        %mul3A_302 = arith.mulf %get3A_295, %get3A_301 : vector<16xf32>
        %add3A_303 = arith.constant 5 : i32
        %add3A_304 = arith.addi %mul3A_191, %add3A_303 : i32
        %swap3A_305 = arith.index_cast %add3A_304 : i32 to index
        %swap3A_306 = arith.constant 0 : index
        %swap3A_307 = tpu.vector_load %arg14[%swap3A_305, %swap3A_306] {strides = array<i32>} : memref<512x16xf32, #tpu.memory_space<vmem>>, vector<1x16xf32>,
        %swap3A_308 = vector.shape_cast %swap3A_307 : vector<1x16xf32> to vector<16xf32>
        %swap3A_309 = vector.shape_cast %mul3A_302 : vector<16xf32> to vector<1x16xf32>
        tpu.vector_store %arg14[%swap3A_305, %swap3A_306], %swap3A_309 {strides = array<i32>} : memref<512x16xf32, #tpu.memory_space<vmem>>, vector<1x16xf32>,
        %add3A_310 = arith.constant 6 : i32
        %add3A_311 = arith.addi %mul3A_191, %add3A_310 : i32
        %get3A_312 = arith.index_cast %add3A_311 : i32 to index
        %get3A_313 = arith.constant 0 : index
        %get3A_314 = tpu.vector_load %arg14[%get3A_312, %get3A_313] {strides = array<i32>} : memref<512x16xf32, #tpu.memory_space<vmem>>, vector<1x16xf32>,
        %get3A_315 = vector.shape_cast %get3A_314 : vector<1x16xf32> to vector<16xf32>
        %add3A_316 = arith.constant 6 : i32
        %add3A_317 = arith.addi %mul3A_191, %add3A_316 : i32
        %get3A_318 = arith.index_cast %add3A_317 : i32 to index
        %get3A_319 = arith.constant 0 : index
        %get3A_320 = tpu.vector_load %arg15[%get3A_318, %get3A_319] {strides = array<i32>} : memref<512x16xf32, #tpu.memory_space<vmem>>, vector<1x16xf32>,
        %get3A_321 = vector.shape_cast %get3A_320 : vector<1x16xf32> to vector<16xf32>
        %mul3A_322 = arith.mulf %get3A_315, %get3A_321 : vector<16xf32>
        %add3A_323 = arith.constant 6 : i32
        %add3A_324 = arith.addi %mul3A_191, %add3A_323 : i32
        %swap3A_325 = arith.index_cast %add3A_324 : i32 to index
        %swap3A_326 = arith.constant 0 : index
        %swap3A_327 = tpu.vector_load %arg14[%swap3A_325, %swap3A_326] {strides = array<i32>} : memref<512x16xf32, #tpu.memory_space<vmem>>, vector<1x16xf32>,
        %swap3A_328 = vector.shape_cast %swap3A_327 : vector<1x16xf32> to vector<16xf32>
        %swap3A_329 = vector.shape_cast %mul3A_322 : vector<16xf32> to vector<1x16xf32>
        tpu.vector_store %arg14[%swap3A_325, %swap3A_326], %swap3A_329 {strides = array<i32>} : memref<512x16xf32, #tpu.memory_space<vmem>>, vector<1x16xf32>,
        %add3A_330 = arith.constant 7 : i32
        %add3A_331 = arith.addi %mul3A_191, %add3A_330 : i32
        %get3A_332 = arith.index_cast %add3A_331 : i32 to index
        %get3A_333 = arith.constant 0 : index
        %get3A_334 = tpu.vector_load %arg14[%get3A_332, %get3A_333] {strides = array<i32>} : memref<512x16xf32, #tpu.memory_space<vmem>>, vector<1x16xf32>,
        %get3A_335 = vector.shape_cast %get3A_334 : vector<1x16xf32> to vector<16xf32>
        %add3A_336 = arith.constant 7 : i32
        %add3A_337 = arith.addi %mul3A_191, %add3A_336 : i32
        %get3A_338 = arith.index_cast %add3A_337 : i32 to index
        %get3A_339 = arith.constant 0 : index
        %get3A_340 = tpu.vector_load %arg15[%get3A_338, %get3A_339] {strides = array<i32>} : memref<512x16xf32, #tpu.memory_space<vmem>>, vector<1x16xf32>,
        %get3A_341 = vector.shape_cast %get3A_340 : vector<1x16xf32> to vector<16xf32>
        %mul3A_342 = arith.mulf %get3A_335, %get3A_341 : vector<16xf32>
        %add3A_343 = arith.constant 7 : i32
        %add3A_344 = arith.addi %mul3A_191, %add3A_343 : i32
        %swap3A_345 = arith.index_cast %add3A_344 : i32 to index
        %swap3A_346 = arith.constant 0 : index
        %swap3A_347 = tpu.vector_load %arg14[%swap3A_345, %swap3A_346] {strides = array<i32>} : memref<512x16xf32, #tpu.memory_space<vmem>>, vector<1x16xf32>,
        %swap3A_348 = vector.shape_cast %swap3A_347 : vector<1x16xf32> to vector<16xf32>
        %swap3A_349 = vector.shape_cast %mul3A_342 : vector<16xf32> to vector<1x16xf32>
        tpu.vector_store %arg14[%swap3A_345, %swap3A_346], %swap3A_349 {strides = array<i32>} : memref<512x16xf32, #tpu.memory_space<vmem>>, vector<1x16xf32>,
      }
      %scan3A_185 = arith.constant 64 : i32
      %run_scoped3A = arith.constant 0 : i32
      "tpu.region"() ({
        %run_scoped3A_189 = tpu.sem_alloc : memref<!tpu.dma_semaphore, #tpu.memory_space<semaphore_mem>>
        %dma_start3A_190 = arith.constant 0 : i32
        %dma_start3A_191 = arith.constant 0 : i32
        %dma_start3A_192 = tpu.memref_slice %arg14[%dma_start3A_190, %dma_start3A_191] : memref<512x16xf32, #tpu.memory_space<vmem>> -> memref<128x16xf32, #tpu.memory_space<vmem>>
        %dma_start3A_193 = arith.constant 0 : i32
        %dma_start3A_194 = tpu.memref_slice %arg13[%run_scoped3A, %dma_start3A_193] : memref<4x128xi32, #tpu.memory_space<vmem>> -> memref<1x128xi32, #tpu.memory_space<vmem>>
        %dma_start3A_195 = tpu.memref_squeeze %dma_start3A_194 : memref<1x128xi32, #tpu.memory_space<vmem>> -> memref<128xi32, #tpu.memory_space<vmem>>
        %dma_start3A_196 = arith.constant 0 : i32
        %dma_start3A_197 = arith.constant 0 : i32
        %dma_start3A_198 = tpu.memref_slice %arg10[%dma_start3A_196, %dma_start3A_197] : memref<100096x16xf32, #tpu.memory_space<vmem_shared>> -> memref<100096x16xf32, #tpu.memory_space<vmem_shared>>
        tpu.enqueue_indirect_dma source(%dma_start3A_192 : memref<128x16xf32, #tpu.memory_space<vmem>>) target(%dma_start3A_198 : memref<100096x16xf32, #tpu.memory_space<vmem_shared>>) offsets(%dma_start3A_195 : memref<128xi32, #tpu.memory_space<vmem>>) semaphore(%run_scoped3A_189 : memref<!tpu.dma_semaphore, #tpu.memory_space<semaphore_mem>>) {add = true}
        %dma_wait3A_199 = arith.constant 0 : i32
        %dma_wait3A_200 = arith.constant 0 : i32
        %dma_wait3A_201 = tpu.memref_slice %arg14[%dma_wait3A_199, %dma_wait3A_200] : memref<512x16xf32, #tpu.memory_space<vmem>> -> memref<128x16xf32, #tpu.memory_space<vmem>>
        %dma_wait3A_202 = arith.constant 0 : i32
        %dma_wait3A_203 = tpu.memref_slice %arg13[%run_scoped3A, %dma_wait3A_202] : memref<4x128xi32, #tpu.memory_space<vmem>> -> memref<1x128xi32, #tpu.memory_space<vmem>>
        %dma_wait3A_204 = tpu.memref_squeeze %dma_wait3A_203 : memref<1x128xi32, #tpu.memory_space<vmem>> -> memref<128xi32, #tpu.memory_space<vmem>>
        %dma_wait3A_205 = arith.constant 0 : i32
        %dma_wait3A_206 = arith.constant 0 : i32
        %dma_wait3A_207 = tpu.memref_slice %arg10[%dma_wait3A_205, %dma_wait3A_206] : memref<100096x16xf32, #tpu.memory_space<vmem_shared>> -> memref<100096x16xf32, #tpu.memory_space<vmem_shared>>
        tpu.wait_indirect_dma semaphore(%run_scoped3A_189 : memref<!tpu.dma_semaphore, #tpu.memory_space<semaphore_mem>>) src(%dma_wait3A_201 : memref<128x16xf32, #tpu.memory_space<vmem>>) dst(%dma_wait3A_207 : memref<100096x16xf32, #tpu.memory_space<vmem_shared>>)
        tpu.yield
      }) : () -> ()
      %run_scoped3A_186 = arith.constant 1 : i32
      "tpu.region"() ({
        %run_scoped3A_189 = tpu.sem_alloc : memref<!tpu.dma_semaphore, #tpu.memory_space<semaphore_mem>>
        %dma_start3A_190 = arith.constant 128 : i32
        %dma_start3A_191 = arith.constant 0 : i32
        %dma_start3A_192 = tpu.memref_slice %arg14[%dma_start3A_190, %dma_start3A_191] : memref<512x16xf32, #tpu.memory_space<vmem>> -> memref<128x16xf32, #tpu.memory_space<vmem>>
        %dma_start3A_193 = arith.constant 0 : i32
        %dma_start3A_194 = tpu.memref_slice %arg13[%run_scoped3A_186, %dma_start3A_193] : memref<4x128xi32, #tpu.memory_space<vmem>> -> memref<1x128xi32, #tpu.memory_space<vmem>>
        %dma_start3A_195 = tpu.memref_squeeze %dma_start3A_194 : memref<1x128xi32, #tpu.memory_space<vmem>> -> memref<128xi32, #tpu.memory_space<vmem>>
        %dma_start3A_196 = arith.constant 0 : i32
        %dma_start3A_197 = arith.constant 0 : i32
        %dma_start3A_198 = tpu.memref_slice %arg10[%dma_start3A_196, %dma_start3A_197] : memref<100096x16xf32, #tpu.memory_space<vmem_shared>> -> memref<100096x16xf32, #tpu.memory_space<vmem_shared>>
        tpu.enqueue_indirect_dma source(%dma_start3A_192 : memref<128x16xf32, #tpu.memory_space<vmem>>) target(%dma_start3A_198 : memref<100096x16xf32, #tpu.memory_space<vmem_shared>>) offsets(%dma_start3A_195 : memref<128xi32, #tpu.memory_space<vmem>>) semaphore(%run_scoped3A_189 : memref<!tpu.dma_semaphore, #tpu.memory_space<semaphore_mem>>) {add = true}
        %dma_wait3A_199 = arith.constant 128 : i32
        %dma_wait3A_200 = arith.constant 0 : i32
        %dma_wait3A_201 = tpu.memref_slice %arg14[%dma_wait3A_199, %dma_wait3A_200] : memref<512x16xf32, #tpu.memory_space<vmem>> -> memref<128x16xf32, #tpu.memory_space<vmem>>
        %dma_wait3A_202 = arith.constant 0 : i32
        %dma_wait3A_203 = tpu.memref_slice %arg13[%run_scoped3A_186, %dma_wait3A_202] : memref<4x128xi32, #tpu.memory_space<vmem>> -> memref<1x128xi32, #tpu.memory_space<vmem>>
        %dma_wait3A_204 = tpu.memref_squeeze %dma_wait3A_203 : memref<1x128xi32, #tpu.memory_space<vmem>> -> memref<128xi32, #tpu.memory_space<vmem>>
        %dma_wait3A_205 = arith.constant 0 : i32
        %dma_wait3A_206 = arith.constant 0 : i32
        %dma_wait3A_207 = tpu.memref_slice %arg10[%dma_wait3A_205, %dma_wait3A_206] : memref<100096x16xf32, #tpu.memory_space<vmem_shared>> -> memref<100096x16xf32, #tpu.memory_space<vmem_shared>>
        tpu.wait_indirect_dma semaphore(%run_scoped3A_189 : memref<!tpu.dma_semaphore, #tpu.memory_space<semaphore_mem>>) src(%dma_wait3A_201 : memref<128x16xf32, #tpu.memory_space<vmem>>) dst(%dma_wait3A_207 : memref<100096x16xf32, #tpu.memory_space<vmem_shared>>)
        tpu.yield
      }) : () -> ()
      %run_scoped3A_187 = arith.constant 2 : i32
      "tpu.region"() ({
        %run_scoped3A_189 = tpu.sem_alloc : memref<!tpu.dma_semaphore, #tpu.memory_space<semaphore_mem>>
        %dma_start3A_190 = arith.constant 256 : i32
        %dma_start3A_191 = arith.constant 0 : i32
        %dma_start3A_192 = tpu.memref_slice %arg14[%dma_start3A_190, %dma_start3A_191] : memref<512x16xf32, #tpu.memory_space<vmem>> -> memref<128x16xf32, #tpu.memory_space<vmem>>
        %dma_start3A_193 = arith.constant 0 : i32
        %dma_start3A_194 = tpu.memref_slice %arg13[%run_scoped3A_187, %dma_start3A_193] : memref<4x128xi32, #tpu.memory_space<vmem>> -> memref<1x128xi32, #tpu.memory_space<vmem>>
        %dma_start3A_195 = tpu.memref_squeeze %dma_start3A_194 : memref<1x128xi32, #tpu.memory_space<vmem>> -> memref<128xi32, #tpu.memory_space<vmem>>
        %dma_start3A_196 = arith.constant 0 : i32
        %dma_start3A_197 = arith.constant 0 : i32
        %dma_start3A_198 = tpu.memref_slice %arg10[%dma_start3A_196, %dma_start3A_197] : memref<100096x16xf32, #tpu.memory_space<vmem_shared>> -> memref<100096x16xf32, #tpu.memory_space<vmem_shared>>
        tpu.enqueue_indirect_dma source(%dma_start3A_192 : memref<128x16xf32, #tpu.memory_space<vmem>>) target(%dma_start3A_198 : memref<100096x16xf32, #tpu.memory_space<vmem_shared>>) offsets(%dma_start3A_195 : memref<128xi32, #tpu.memory_space<vmem>>) semaphore(%run_scoped3A_189 : memref<!tpu.dma_semaphore, #tpu.memory_space<semaphore_mem>>) {add = true}
        %dma_wait3A_199 = arith.constant 256 : i32
        %dma_wait3A_200 = arith.constant 0 : i32
        %dma_wait3A_201 = tpu.memref_slice %arg14[%dma_wait3A_199, %dma_wait3A_200] : memref<512x16xf32, #tpu.memory_space<vmem>> -> memref<128x16xf32, #tpu.memory_space<vmem>>
        %dma_wait3A_202 = arith.constant 0 : i32
        %dma_wait3A_203 = tpu.memref_slice %arg13[%run_scoped3A_187, %dma_wait3A_202] : memref<4x128xi32, #tpu.memory_space<vmem>> -> memref<1x128xi32, #tpu.memory_space<vmem>>
        %dma_wait3A_204 = tpu.memref_squeeze %dma_wait3A_203 : memref<1x128xi32, #tpu.memory_space<vmem>> -> memref<128xi32, #tpu.memory_space<vmem>>
        %dma_wait3A_205 = arith.constant 0 : i32
        %dma_wait3A_206 = arith.constant 0 : i32
        %dma_wait3A_207 = tpu.memref_slice %arg10[%dma_wait3A_205, %dma_wait3A_206] : memref<100096x16xf32, #tpu.memory_space<vmem_shared>> -> memref<100096x16xf32, #tpu.memory_space<vmem_shared>>
        tpu.wait_indirect_dma semaphore(%run_scoped3A_189 : memref<!tpu.dma_semaphore, #tpu.memory_space<semaphore_mem>>) src(%dma_wait3A_201 : memref<128x16xf32, #tpu.memory_space<vmem>>) dst(%dma_wait3A_207 : memref<100096x16xf32, #tpu.memory_space<vmem_shared>>)
        tpu.yield
      }) : () -> ()
      %run_scoped3A_188 = arith.constant 3 : i32
      "tpu.region"() ({
        %run_scoped3A_189 = tpu.sem_alloc : memref<!tpu.dma_semaphore, #tpu.memory_space<semaphore_mem>>
        %dma_start3A_190 = arith.constant 384 : i32
        %dma_start3A_191 = arith.constant 0 : i32
        %dma_start3A_192 = tpu.memref_slice %arg14[%dma_start3A_190, %dma_start3A_191] : memref<512x16xf32, #tpu.memory_space<vmem>> -> memref<128x16xf32, #tpu.memory_space<vmem>>
        %dma_start3A_193 = arith.constant 0 : i32
        %dma_start3A_194 = tpu.memref_slice %arg13[%run_scoped3A_188, %dma_start3A_193] : memref<4x128xi32, #tpu.memory_space<vmem>> -> memref<1x128xi32, #tpu.memory_space<vmem>>
        %dma_start3A_195 = tpu.memref_squeeze %dma_start3A_194 : memref<1x128xi32, #tpu.memory_space<vmem>> -> memref<128xi32, #tpu.memory_space<vmem>>
        %dma_start3A_196 = arith.constant 0 : i32
        %dma_start3A_197 = arith.constant 0 : i32
        %dma_start3A_198 = tpu.memref_slice %arg10[%dma_start3A_196, %dma_start3A_197] : memref<100096x16xf32, #tpu.memory_space<vmem_shared>> -> memref<100096x16xf32, #tpu.memory_space<vmem_shared>>
        tpu.enqueue_indirect_dma source(%dma_start3A_192 : memref<128x16xf32, #tpu.memory_space<vmem>>) target(%dma_start3A_198 : memref<100096x16xf32, #tpu.memory_space<vmem_shared>>) offsets(%dma_start3A_195 : memref<128xi32, #tpu.memory_space<vmem>>) semaphore(%run_scoped3A_189 : memref<!tpu.dma_semaphore, #tpu.memory_space<semaphore_mem>>) {add = true}
        %dma_wait3A_199 = arith.constant 384 : i32
        %dma_wait3A_200 = arith.constant 0 : i32
        %dma_wait3A_201 = tpu.memref_slice %arg14[%dma_wait3A_199, %dma_wait3A_200] : memref<512x16xf32, #tpu.memory_space<vmem>> -> memref<128x16xf32, #tpu.memory_space<vmem>>
        %dma_wait3A_202 = arith.constant 0 : i32
        %dma_wait3A_203 = tpu.memref_slice %arg13[%run_scoped3A_188, %dma_wait3A_202] : memref<4x128xi32, #tpu.memory_space<vmem>> -> memref<1x128xi32, #tpu.memory_space<vmem>>
        %dma_wait3A_204 = tpu.memref_squeeze %dma_wait3A_203 : memref<1x128xi32, #tpu.memory_space<vmem>> -> memref<128xi32, #tpu.memory_space<vmem>>
        %dma_wait3A_205 = arith.constant 0 : i32
        %dma_wait3A_206 = arith.constant 0 : i32
        %dma_wait3A_207 = tpu.memref_slice %arg10[%dma_wait3A_205, %dma_wait3A_206] : memref<100096x16xf32, #tpu.memory_space<vmem_shared>> -> memref<100096x16xf32, #tpu.memory_space<vmem_shared>>
        tpu.wait_indirect_dma semaphore(%run_scoped3A_189 : memref<!tpu.dma_semaphore, #tpu.memory_space<semaphore_mem>>) src(%dma_wait3A_201 : memref<128x16xf32, #tpu.memory_space<vmem>>) dst(%dma_wait3A_207 : memref<100096x16xf32, #tpu.memory_space<vmem_shared>>)
        tpu.yield
      }) : () -> ()
    }
    %scan3A_7 = arith.constant 98 : i32
    %barrier3A_8 = arith.constant 0 : index
    tpu.barrier barrier_id(%barrier3A_8)
    %eq3A = arith.constant 0 : i32
    %eq3A_9 = arith.cmpi eq, %arg0, %eq3A : i32
    %convert_element_type3A = arith.extui %eq3A_9 : i1 to i32
    %cond3A = arith.constant 0 : i32
    %cond3A_10 = arith.cmpi ne, %convert_element_type3A, %cond3A : i32
    scf.if %cond3A_10 {
      %mul3A_16 = arith.constant 6256 : i32
      %mul3A_17 = arith.muli %arg1, %mul3A_16 : i32
      %mul3A_18 = arith.constant 6256 : i32
      %mul3A_19 = arith.muli %arg1, %mul3A_18 : i32
      "tpu.region"() ({
        %run_scoped3A = tpu.sem_alloc : memref<!tpu.dma_semaphore, #tpu.memory_space<semaphore_mem>>
        %dma_start3A = arith.constant 0 : i32
        %dma_start3A_20 = tpu.memref_slice %arg8[%mul3A_19, %dma_start3A] : memref<100096x16xf32, #tpu.memory_space<hbm>> -> memref<6256x16xf32, #tpu.memory_space<hbm>>
        %dma_start3A_21 = arith.constant 0 : i32
        %dma_start3A_22 = tpu.memref_slice %arg10[%mul3A_17, %dma_start3A_21] : memref<100096x16xf32, #tpu.memory_space<vmem_shared>> -> memref<6256x16xf32, #tpu.memory_space<vmem_shared>>
        tpu.enqueue_dma source(%dma_start3A_22 : memref<6256x16xf32, #tpu.memory_space<vmem_shared>>) target(%dma_start3A_20 : memref<6256x16xf32, #tpu.memory_space<hbm>>) target_semaphore(%run_scoped3A : memref<!tpu.dma_semaphore, #tpu.memory_space<semaphore_mem>>)
        %dma_wait3A = arith.constant 0 : i32
        %dma_wait3A_23 = tpu.memref_slice %arg8[%mul3A_19, %dma_wait3A] : memref<100096x16xf32, #tpu.memory_space<hbm>> -> memref<6256x16xf32, #tpu.memory_space<hbm>>
        %dma_wait3A_24 = arith.constant 0 : i32
        %dma_wait3A_25 = tpu.memref_slice %arg10[%mul3A_17, %dma_wait3A_24] : memref<100096x16xf32, #tpu.memory_space<vmem_shared>> -> memref<6256x16xf32, #tpu.memory_space<vmem_shared>>
        tpu.wait_dma2 semaphore(%run_scoped3A : memref<!tpu.dma_semaphore, #tpu.memory_space<semaphore_mem>>) src(%dma_wait3A_25 : memref<6256x16xf32, #tpu.memory_space<vmem_shared>>) dst(%dma_wait3A_23 : memref<6256x16xf32, #tpu.memory_space<hbm>>)
        tpu.yield
      }) : () -> ()
    } else {
    }
    %eq3A_11 = arith.constant 1 : i32
    %eq3A_12 = arith.cmpi eq, %arg0, %eq3A_11 : i32
    %convert_element_type3A_13 = arith.extui %eq3A_12 : i1 to i32
    %cond3A_14 = arith.constant 0 : i32
    %cond3A_15 = arith.cmpi ne, %convert_element_type3A_13, %cond3A_14 : i32
    scf.if %cond3A_15 {
      %mul3A_16 = arith.constant 6256 : i32
      %mul3A_17 = arith.muli %arg1, %mul3A_16 : i32
      %mul3A_18 = arith.constant 6256 : i32
      %mul3A_19 = arith.muli %arg1, %mul3A_18 : i32
      "tpu.region"() ({
        %run_scoped3A = tpu.sem_alloc : memref<!tpu.dma_semaphore, #tpu.memory_space<semaphore_mem>>
        %dma_start3A = arith.constant 0 : i32
        %dma_start3A_20 = tpu.memref_slice %arg9[%mul3A_19, %dma_start3A] : memref<100096x16xf32, #tpu.memory_space<hbm>> -> memref<6256x16xf32, #tpu.memory_space<hbm>>
        %dma_start3A_21 = arith.constant 0 : i32
        %dma_start3A_22 = tpu.memref_slice %arg10[%mul3A_17, %dma_start3A_21] : memref<100096x16xf32, #tpu.memory_space<vmem_shared>> -> memref<6256x16xf32, #tpu.memory_space<vmem_shared>>
        tpu.enqueue_dma source(%dma_start3A_22 : memref<6256x16xf32, #tpu.memory_space<vmem_shared>>) target(%dma_start3A_20 : memref<6256x16xf32, #tpu.memory_space<hbm>>) target_semaphore(%run_scoped3A : memref<!tpu.dma_semaphore, #tpu.memory_space<semaphore_mem>>)
        %dma_wait3A = arith.constant 0 : i32
        %dma_wait3A_23 = tpu.memref_slice %arg9[%mul3A_19, %dma_wait3A] : memref<100096x16xf32, #tpu.memory_space<hbm>> -> memref<6256x16xf32, #tpu.memory_space<hbm>>
        %dma_wait3A_24 = arith.constant 0 : i32
        %dma_wait3A_25 = tpu.memref_slice %arg10[%mul3A_17, %dma_wait3A_24] : memref<100096x16xf32, #tpu.memory_space<vmem_shared>> -> memref<6256x16xf32, #tpu.memory_space<vmem_shared>>
        tpu.wait_dma2 semaphore(%run_scoped3A : memref<!tpu.dma_semaphore, #tpu.memory_space<semaphore_mem>>) src(%dma_wait3A_25 : memref<6256x16xf32, #tpu.memory_space<vmem_shared>>) dst(%dma_wait3A_23 : memref<6256x16xf32, #tpu.memory_space<hbm>>)
        tpu.yield
      }) : () -> ()
    } else {
    }
    return
  }
}

#map = affine_map<(d0, d1) -> (0, 0)>
module attributes {stable_mosaic.version = 14 : i64} {
  func.func @hop(%arg0: i32, %arg1: i32, %arg2: memref<100096x16xf32, #tpu.memory_space<hbm>>, %arg3: memref<512x16xf32, #tpu.memory_space<hbm>>, %arg4: memref<12544x128xi32, #tpu.memory_space<hbm>>, %arg5: memref<12544x128xi32, #tpu.memory_space<hbm>>, %arg6: memref<12544x128xi32, #tpu.memory_space<hbm>>, %arg7: memref<6256x16xf32, #tpu.memory_space<hbm>>, %arg8: memref<100096x16xf32, #tpu.memory_space<hbm>>, %arg9: memref<100096x16xf32, #tpu.memory_space<hbm>>, %arg10: memref<100096x16xf32, #tpu.memory_space<vmem_shared>>, %arg11: memref<4x128xi32, #tpu.memory_space<vmem>>, %arg12: memref<4x128xi32, #tpu.memory_space<vmem>>, %arg13: memref<4x128xi32, #tpu.memory_space<vmem>>, %arg14: memref<512x16xf32, #tpu.memory_space<vmem>>, %arg15: memref<512x16xf32, #tpu.memory_space<vmem>>, %arg16: memref<!tpu.dma_semaphore, #tpu.memory_space<semaphore_mem>>) attributes {dimension_semantics = [#tpu.dimension_semantics<core_parallel>, #tpu.dimension_semantics<subcore_parallel>], iteration_bounds = array<i64: 2, 16>, scalar_prefetch = 0 : i64, scratch_operands = 7 : i64, tpu.core_type = #tpu.core_type<sc_vector_subcore>, window_params = [{transform_indices = #map}, {transform_indices = #map}, {transform_indices = #map}, {transform_indices = #map}, {transform_indices = #map}, {transform_indices = #map}, {transform_indices = #map}, {transform_indices = #map}]} {
    %mul3A = arith.constant 16 : i32
    %mul3A_0 = arith.muli %arg0, %mul3A : i32
    %add3A = arith.addi %mul3A_0, %arg1 : i32
    %mul3A_1 = arith.constant 6256 : i32
    %mul3A_2 = arith.muli %arg1, %mul3A_1 : i32
    "tpu.region"() ({
      %run_scoped3A = tpu.sem_alloc : memref<!tpu.dma_semaphore, #tpu.memory_space<semaphore_mem>>
      %dma_start3A = arith.constant 0 : i32
      %dma_start3A_16 = tpu.memref_slice %arg10[%mul3A_2, %dma_start3A] : memref<100096x16xf32, #tpu.memory_space<vmem_shared>> -> memref<6256x16xf32, #tpu.memory_space<vmem_shared>>
      tpu.enqueue_dma source(%arg7 : memref<6256x16xf32, #tpu.memory_space<hbm>>) target(%dma_start3A_16 : memref<6256x16xf32, #tpu.memory_space<vmem_shared>>) target_semaphore(%run_scoped3A : memref<!tpu.dma_semaphore, #tpu.memory_space<semaphore_mem>>)
      %dma_wait3A = arith.constant 0 : i32
      %dma_wait3A_17 = tpu.memref_slice %arg10[%mul3A_2, %dma_wait3A] : memref<100096x16xf32, #tpu.memory_space<vmem_shared>> -> memref<6256x16xf32, #tpu.memory_space<vmem_shared>>
      tpu.wait_dma2 semaphore(%run_scoped3A : memref<!tpu.dma_semaphore, #tpu.memory_space<semaphore_mem>>) src(%arg7 : memref<6256x16xf32, #tpu.memory_space<hbm>>) dst(%dma_wait3A_17 : memref<6256x16xf32, #tpu.memory_space<vmem_shared>>)
      tpu.yield
    }) : () -> ()
    %barrier3A = arith.constant 0 : index
    tpu.barrier barrier_id(%barrier3A)
    %scan3A = arith.constant 0 : i32
    %scan3A_3 = arith.constant 0 : i32
    %scan3A_4 = arith.constant 98 : i32
    %scan3A_5 = arith.addi %scan3A_3, %scan3A_4 : i32
    %scan3A_6 = arith.constant 1 : i32
    scf.for %scan3A_16 = %scan3A_3 to %scan3A_5 step %scan3A_6  : i32 {
      %mul3A_17 = arith.constant 392 : i32
      %mul3A_18 = arith.muli %add3A, %mul3A_17 : i32
      %mul3A_19 = arith.constant 4 : i32
      %mul3A_20 = arith.muli %scan3A_16, %mul3A_19 : i32
      %add3A_21 = arith.addi %mul3A_18, %mul3A_20 : i32
      "tpu.region"() ({
        %run_scoped3A_189 = tpu.sem_alloc : memref<!tpu.dma_semaphore, #tpu.memory_space<semaphore_mem>>
        %dma_start3A_190 = arith.constant 0 : i32
        %dma_start3A_191 = tpu.memref_slice %arg4[%add3A_21, %dma_start3A_190] : memref<12544x128xi32, #tpu.memory_space<hbm>> -> memref<4x128xi32, #tpu.memory_space<hbm>>
        %dma_start3A_192 = arith.constant 0 : i32
        %dma_start3A_193 = tpu.memref_slice %arg4[%add3A_21, %dma_start3A_192] : memref<12544x128xi32, #tpu.memory_space<hbm>> -> memref<4x128xi32, #tpu.memory_space<hbm>>
        tpu.enqueue_dma source(%dma_start3A_193 : memref<4x128xi32, #tpu.memory_space<hbm>>) target(%arg11 : memref<4x128xi32, #tpu.memory_space<vmem>>) target_semaphore(%run_scoped3A_189 : memref<!tpu.dma_semaphore, #tpu.memory_space<semaphore_mem>>)
        %dma_wait3A_194 = arith.constant 0 : i32
        %dma_wait3A_195 = tpu.memref_slice %arg4[%add3A_21, %dma_wait3A_194] : memref<12544x128xi32, #tpu.memory_space<hbm>> -> memref<4x128xi32, #tpu.memory_space<hbm>>
        %dma_wait3A_196 = arith.constant 0 : i32
        %dma_wait3A_197 = tpu.memref_slice %arg4[%add3A_21, %dma_wait3A_196] : memref<12544x128xi32, #tpu.memory_space<hbm>> -> memref<4x128xi32, #tpu.memory_space<hbm>>
        tpu.wait_dma2 semaphore(%run_scoped3A_189 : memref<!tpu.dma_semaphore, #tpu.memory_space<semaphore_mem>>) src(%dma_wait3A_197 : memref<4x128xi32, #tpu.memory_space<hbm>>) dst(%arg11 : memref<4x128xi32, #tpu.memory_space<vmem>>)
        tpu.yield
      }) : () -> ()
      "tpu.region"() ({
        %run_scoped3A_189 = tpu.sem_alloc : memref<!tpu.dma_semaphore, #tpu.memory_space<semaphore_mem>>
        %dma_start3A_190 = arith.constant 0 : i32
        %dma_start3A_191 = tpu.memref_slice %arg5[%add3A_21, %dma_start3A_190] : memref<12544x128xi32, #tpu.memory_space<hbm>> -> memref<4x128xi32, #tpu.memory_space<hbm>>
        %dma_start3A_192 = arith.constant 0 : i32
        %dma_start3A_193 = tpu.memref_slice %arg5[%add3A_21, %dma_start3A_192] : memref<12544x128xi32, #tpu.memory_space<hbm>> -> memref<4x128xi32, #tpu.memory_space<hbm>>
        tpu.enqueue_dma source(%dma_start3A_193 : memref<4x128xi32, #tpu.memory_space<hbm>>) target(%arg12 : memref<4x128xi32, #tpu.memory_space<vmem>>) target_semaphore(%run_scoped3A_189 : memref<!tpu.dma_semaphore, #tpu.memory_space<semaphore_mem>>)
        %dma_wait3A_194 = arith.constant 0 : i32
        %dma_wait3A_195 = tpu.memref_slice %arg5[%add3A_21, %dma_wait3A_194] : memref<12544x128xi32, #tpu.memory_space<hbm>> -> memref<4x128xi32, #tpu.memory_space<hbm>>
        %dma_wait3A_196 = arith.constant 0 : i32
        %dma_wait3A_197 = tpu.memref_slice %arg5[%add3A_21, %dma_wait3A_196] : memref<12544x128xi32, #tpu.memory_space<hbm>> -> memref<4x128xi32, #tpu.memory_space<hbm>>
        tpu.wait_dma2 semaphore(%run_scoped3A_189 : memref<!tpu.dma_semaphore, #tpu.memory_space<semaphore_mem>>) src(%dma_wait3A_197 : memref<4x128xi32, #tpu.memory_space<hbm>>) dst(%arg12 : memref<4x128xi32, #tpu.memory_space<vmem>>)
        tpu.yield
      }) : () -> ()
      "tpu.region"() ({
        %run_scoped3A_189 = tpu.sem_alloc : memref<!tpu.dma_semaphore, #tpu.memory_space<semaphore_mem>>
        %dma_start3A_190 = arith.constant 0 : i32
        %dma_start3A_191 = tpu.memref_slice %arg6[%add3A_21, %dma_start3A_190] : memref<12544x128xi32, #tpu.memory_space<hbm>> -> memref<4x128xi32, #tpu.memory_space<hbm>>
        %dma_start3A_192 = arith.constant 0 : i32
        %dma_start3A_193 = tpu.memref_slice %arg6[%add3A_21, %dma_start3A_192] : memref<12544x128xi32, #tpu.memory_space<hbm>> -> memref<4x128xi32, #tpu.memory_space<hbm>>
        tpu.enqueue_dma source(%dma_start3A_193 : memref<4x128xi32, #tpu.memory_space<hbm>>) target(%arg13 : memref<4x128xi32, #tpu.memory_space<vmem>>) target_semaphore(%run_scoped3A_189 : memref<!tpu.dma_semaphore, #tpu.memory_space<semaphore_mem>>)
        %dma_wait3A_194 = arith.constant 0 : i32
        %dma_wait3A_195 = tpu.memref_slice %arg6[%add3A_21, %dma_wait3A_194] : memref<12544x128xi32, #tpu.memory_space<hbm>> -> memref<4x128xi32, #tpu.memory_space<hbm>>
        %dma_wait3A_196 = arith.constant 0 : i32
        %dma_wait3A_197 = tpu.memref_slice %arg6[%add3A_21, %dma_wait3A_196] : memref<12544x128xi32, #tpu.memory_space<hbm>> -> memref<4x128xi32, #tpu.memory_space<hbm>>
        tpu.wait_dma2 semaphore(%run_scoped3A_189 : memref<!tpu.dma_semaphore, #tpu.memory_space<semaphore_mem>>) src(%dma_wait3A_197 : memref<4x128xi32, #tpu.memory_space<hbm>>) dst(%arg13 : memref<4x128xi32, #tpu.memory_space<vmem>>)
        tpu.yield
      }) : () -> ()
      %dma_start3A = arith.constant 0 : i32
      %dma_start3A_22 = arith.constant 0 : i32
      %dma_start3A_23 = arith.constant 0 : i32
      %dma_start3A_24 = tpu.memref_slice %arg14[%dma_start3A_22, %dma_start3A_23] : memref<512x16xf32, #tpu.memory_space<vmem>> -> memref<128x16xf32, #tpu.memory_space<vmem>>
      %dma_start3A_25 = arith.constant 0 : i32
      %dma_start3A_26 = tpu.memref_slice %arg11[%dma_start3A, %dma_start3A_25] : memref<4x128xi32, #tpu.memory_space<vmem>> -> memref<1x128xi32, #tpu.memory_space<vmem>>
      %dma_start3A_27 = tpu.memref_squeeze %dma_start3A_26 : memref<1x128xi32, #tpu.memory_space<vmem>> -> memref<128xi32, #tpu.memory_space<vmem>>
      %dma_start3A_28 = arith.constant 0 : i32
      %dma_start3A_29 = arith.constant 0 : i32
      %dma_start3A_30 = tpu.memref_slice %arg2[%dma_start3A_28, %dma_start3A_29] : memref<100096x16xf32, #tpu.memory_space<hbm>> -> memref<100096x16xf32, #tpu.memory_space<hbm>>
      tpu.enqueue_indirect_dma source(%dma_start3A_30 : memref<100096x16xf32, #tpu.memory_space<hbm>>) target(%dma_start3A_24 : memref<128x16xf32, #tpu.memory_space<vmem>>) offsets(%dma_start3A_27 : memref<128xi32, #tpu.memory_space<vmem>>) semaphore(%arg16 : memref<!tpu.dma_semaphore, #tpu.memory_space<semaphore_mem>>)
      %dma_start3A_31 = arith.constant 0 : i32
      %dma_start3A_32 = arith.constant 0 : i32
      %dma_start3A_33 = arith.constant 0 : i32
      %dma_start3A_34 = tpu.memref_slice %arg15[%dma_start3A_32, %dma_start3A_33] : memref<512x16xf32, #tpu.memory_space<vmem>> -> memref<128x16xf32, #tpu.memory_space<vmem>>
      %dma_start3A_35 = arith.constant 0 : i32
      %dma_start3A_36 = tpu.memref_slice %arg12[%dma_start3A_31, %dma_start3A_35] : memref<4x128xi32, #tpu.memory_space<vmem>> -> memref<1x128xi32, #tpu.memory_space<vmem>>
      %dma_start3A_37 = tpu.memref_squeeze %dma_start3A_36 : memref<1x128xi32, #tpu.memory_space<vmem>> -> memref<128xi32, #tpu.memory_space<vmem>>
      %dma_start3A_38 = arith.constant 0 : i32
      %dma_start3A_39 = arith.constant 0 : i32
      %dma_start3A_40 = tpu.memref_slice %arg3[%dma_start3A_38, %dma_start3A_39] : memref<512x16xf32, #tpu.memory_space<hbm>> -> memref<512x16xf32, #tpu.memory_space<hbm>>
      tpu.enqueue_indirect_dma source(%dma_start3A_40 : memref<512x16xf32, #tpu.memory_space<hbm>>) target(%dma_start3A_34 : memref<128x16xf32, #tpu.memory_space<vmem>>) offsets(%dma_start3A_37 : memref<128xi32, #tpu.memory_space<vmem>>) semaphore(%arg16 : memref<!tpu.dma_semaphore, #tpu.memory_space<semaphore_mem>>)
      %dma_start3A_41 = arith.constant 1 : i32
      %dma_start3A_42 = arith.constant 128 : i32
      %dma_start3A_43 = arith.constant 0 : i32
      %dma_start3A_44 = tpu.memref_slice %arg14[%dma_start3A_42, %dma_start3A_43] : memref<512x16xf32, #tpu.memory_space<vmem>> -> memref<128x16xf32, #tpu.memory_space<vmem>>
      %dma_start3A_45 = arith.constant 0 : i32
      %dma_start3A_46 = tpu.memref_slice %arg11[%dma_start3A_41, %dma_start3A_45] : memref<4x128xi32, #tpu.memory_space<vmem>> -> memref<1x128xi32, #tpu.memory_space<vmem>>
      %dma_start3A_47 = tpu.memref_squeeze %dma_start3A_46 : memref<1x128xi32, #tpu.memory_space<vmem>> -> memref<128xi32, #tpu.memory_space<vmem>>
      %dma_start3A_48 = arith.constant 0 : i32
      %dma_start3A_49 = arith.constant 0 : i32
      %dma_start3A_50 = tpu.memref_slice %arg2[%dma_start3A_48, %dma_start3A_49] : memref<100096x16xf32, #tpu.memory_space<hbm>> -> memref<100096x16xf32, #tpu.memory_space<hbm>>
      tpu.enqueue_indirect_dma source(%dma_start3A_50 : memref<100096x16xf32, #tpu.memory_space<hbm>>) target(%dma_start3A_44 : memref<128x16xf32, #tpu.memory_space<vmem>>) offsets(%dma_start3A_47 : memref<128xi32, #tpu.memory_space<vmem>>) semaphore(%arg16 : memref<!tpu.dma_semaphore, #tpu.memory_space<semaphore_mem>>)
      %dma_start3A_51 = arith.constant 1 : i32
      %dma_start3A_52 = arith.constant 128 : i32
      %dma_start3A_53 = arith.constant 0 : i32
      %dma_start3A_54 = tpu.memref_slice %arg15[%dma_start3A_52, %dma_start3A_53] : memref<512x16xf32, #tpu.memory_space<vmem>> -> memref<128x16xf32, #tpu.memory_space<vmem>>
      %dma_start3A_55 = arith.constant 0 : i32
      %dma_start3A_56 = tpu.memref_slice %arg12[%dma_start3A_51, %dma_start3A_55] : memref<4x128xi32, #tpu.memory_space<vmem>> -> memref<1x128xi32, #tpu.memory_space<vmem>>
      %dma_start3A_57 = tpu.memref_squeeze %dma_start3A_56 : memref<1x128xi32, #tpu.memory_space<vmem>> -> memref<128xi32, #tpu.memory_space<vmem>>
      %dma_start3A_58 = arith.constant 0 : i32
      %dma_start3A_59 = arith.constant 0 : i32
      %dma_start3A_60 = tpu.memref_slice %arg3[%dma_start3A_58, %dma_start3A_59] : memref<512x16xf32, #tpu.memory_space<hbm>> -> memref<512x16xf32, #tpu.memory_space<hbm>>
      tpu.enqueue_indirect_dma source(%dma_start3A_60 : memref<512x16xf32, #tpu.memory_space<hbm>>) target(%dma_start3A_54 : memref<128x16xf32, #tpu.memory_space<vmem>>) offsets(%dma_start3A_57 : memref<128xi32, #tpu.memory_space<vmem>>) semaphore(%arg16 : memref<!tpu.dma_semaphore, #tpu.memory_space<semaphore_mem>>)
      %dma_start3A_61 = arith.constant 2 : i32
      %dma_start3A_62 = arith.constant 256 : i32
      %dma_start3A_63 = arith.constant 0 : i32
      %dma_start3A_64 = tpu.memref_slice %arg14[%dma_start3A_62, %dma_start3A_63] : memref<512x16xf32, #tpu.memory_space<vmem>> -> memref<128x16xf32, #tpu.memory_space<vmem>>
      %dma_start3A_65 = arith.constant 0 : i32
      %dma_start3A_66 = tpu.memref_slice %arg11[%dma_start3A_61, %dma_start3A_65] : memref<4x128xi32, #tpu.memory_space<vmem>> -> memref<1x128xi32, #tpu.memory_space<vmem>>
      %dma_start3A_67 = tpu.memref_squeeze %dma_start3A_66 : memref<1x128xi32, #tpu.memory_space<vmem>> -> memref<128xi32, #tpu.memory_space<vmem>>
      %dma_start3A_68 = arith.constant 0 : i32
      %dma_start3A_69 = arith.constant 0 : i32
      %dma_start3A_70 = tpu.memref_slice %arg2[%dma_start3A_68, %dma_start3A_69] : memref<100096x16xf32, #tpu.memory_space<hbm>> -> memref<100096x16xf32, #tpu.memory_space<hbm>>
      tpu.enqueue_indirect_dma source(%dma_start3A_70 : memref<100096x16xf32, #tpu.memory_space<hbm>>) target(%dma_start3A_64 : memref<128x16xf32, #tpu.memory_space<vmem>>) offsets(%dma_start3A_67 : memref<128xi32, #tpu.memory_space<vmem>>) semaphore(%arg16 : memref<!tpu.dma_semaphore, #tpu.memory_space<semaphore_mem>>)
      %dma_start3A_71 = arith.constant 2 : i32
      %dma_start3A_72 = arith.constant 256 : i32
      %dma_start3A_73 = arith.constant 0 : i32
      %dma_start3A_74 = tpu.memref_slice %arg15[%dma_start3A_72, %dma_start3A_73] : memref<512x16xf32, #tpu.memory_space<vmem>> -> memref<128x16xf32, #tpu.memory_space<vmem>>
      %dma_start3A_75 = arith.constant 0 : i32
      %dma_start3A_76 = tpu.memref_slice %arg12[%dma_start3A_71, %dma_start3A_75] : memref<4x128xi32, #tpu.memory_space<vmem>> -> memref<1x128xi32, #tpu.memory_space<vmem>>
      %dma_start3A_77 = tpu.memref_squeeze %dma_start3A_76 : memref<1x128xi32, #tpu.memory_space<vmem>> -> memref<128xi32, #tpu.memory_space<vmem>>
      %dma_start3A_78 = arith.constant 0 : i32
      %dma_start3A_79 = arith.constant 0 : i32
      %dma_start3A_80 = tpu.memref_slice %arg3[%dma_start3A_78, %dma_start3A_79] : memref<512x16xf32, #tpu.memory_space<hbm>> -> memref<512x16xf32, #tpu.memory_space<hbm>>
      tpu.enqueue_indirect_dma source(%dma_start3A_80 : memref<512x16xf32, #tpu.memory_space<hbm>>) target(%dma_start3A_74 : memref<128x16xf32, #tpu.memory_space<vmem>>) offsets(%dma_start3A_77 : memref<128xi32, #tpu.memory_space<vmem>>) semaphore(%arg16 : memref<!tpu.dma_semaphore, #tpu.memory_space<semaphore_mem>>)
      %dma_start3A_81 = arith.constant 3 : i32
      %dma_start3A_82 = arith.constant 384 : i32
      %dma_start3A_83 = arith.constant 0 : i32
      %dma_start3A_84 = tpu.memref_slice %arg14[%dma_start3A_82, %dma_start3A_83] : memref<512x16xf32, #tpu.memory_space<vmem>> -> memref<128x16xf32, #tpu.memory_space<vmem>>
      %dma_start3A_85 = arith.constant 0 : i32
      %dma_start3A_86 = tpu.memref_slice %arg11[%dma_start3A_81, %dma_start3A_85] : memref<4x128xi32, #tpu.memory_space<vmem>> -> memref<1x128xi32, #tpu.memory_space<vmem>>
      %dma_start3A_87 = tpu.memref_squeeze %dma_start3A_86 : memref<1x128xi32, #tpu.memory_space<vmem>> -> memref<128xi32, #tpu.memory_space<vmem>>
      %dma_start3A_88 = arith.constant 0 : i32
      %dma_start3A_89 = arith.constant 0 : i32
      %dma_start3A_90 = tpu.memref_slice %arg2[%dma_start3A_88, %dma_start3A_89] : memref<100096x16xf32, #tpu.memory_space<hbm>> -> memref<100096x16xf32, #tpu.memory_space<hbm>>
      tpu.enqueue_indirect_dma source(%dma_start3A_90 : memref<100096x16xf32, #tpu.memory_space<hbm>>) target(%dma_start3A_84 : memref<128x16xf32, #tpu.memory_space<vmem>>) offsets(%dma_start3A_87 : memref<128xi32, #tpu.memory_space<vmem>>) semaphore(%arg16 : memref<!tpu.dma_semaphore, #tpu.memory_space<semaphore_mem>>)
      %dma_start3A_91 = arith.constant 3 : i32
      %dma_start3A_92 = arith.constant 384 : i32
      %dma_start3A_93 = arith.constant 0 : i32
      %dma_start3A_94 = tpu.memref_slice %arg15[%dma_start3A_92, %dma_start3A_93] : memref<512x16xf32, #tpu.memory_space<vmem>> -> memref<128x16xf32, #tpu.memory_space<vmem>>
      %dma_start3A_95 = arith.constant 0 : i32
      %dma_start3A_96 = tpu.memref_slice %arg12[%dma_start3A_91, %dma_start3A_95] : memref<4x128xi32, #tpu.memory_space<vmem>> -> memref<1x128xi32, #tpu.memory_space<vmem>>
      %dma_start3A_97 = tpu.memref_squeeze %dma_start3A_96 : memref<1x128xi32, #tpu.memory_space<vmem>> -> memref<128xi32, #tpu.memory_space<vmem>>
      %dma_start3A_98 = arith.constant 0 : i32
      %dma_start3A_99 = arith.constant 0 : i32
      %dma_start3A_100 = tpu.memref_slice %arg3[%dma_start3A_98, %dma_start3A_99] : memref<512x16xf32, #tpu.memory_space<hbm>> -> memref<512x16xf32, #tpu.memory_space<hbm>>
      tpu.enqueue_indirect_dma source(%dma_start3A_100 : memref<512x16xf32, #tpu.memory_space<hbm>>) target(%dma_start3A_94 : memref<128x16xf32, #tpu.memory_space<vmem>>) offsets(%dma_start3A_97 : memref<128xi32, #tpu.memory_space<vmem>>) semaphore(%arg16 : memref<!tpu.dma_semaphore, #tpu.memory_space<semaphore_mem>>)
      %dma_wait3A = arith.constant 0 : i32
      %dma_wait3A_101 = arith.constant 0 : i32
      %dma_wait3A_102 = arith.constant 0 : i32
      %dma_wait3A_103 = tpu.memref_slice %arg14[%dma_wait3A_101, %dma_wait3A_102] : memref<512x16xf32, #tpu.memory_space<vmem>> -> memref<128x16xf32, #tpu.memory_space<vmem>>
      %dma_wait3A_104 = arith.constant 0 : i32
      %dma_wait3A_105 = tpu.memref_slice %arg11[%dma_wait3A, %dma_wait3A_104] : memref<4x128xi32, #tpu.memory_space<vmem>> -> memref<1x128xi32, #tpu.memory_space<vmem>>
      %dma_wait3A_106 = tpu.memref_squeeze %dma_wait3A_105 : memref<1x128xi32, #tpu.memory_space<vmem>> -> memref<128xi32, #tpu.memory_space<vmem>>
      %dma_wait3A_107 = arith.constant 0 : i32
      %dma_wait3A_108 = arith.constant 0 : i32
      %dma_wait3A_109 = tpu.memref_slice %arg2[%dma_wait3A_107, %dma_wait3A_108] : memref<100096x16xf32, #tpu.memory_space<hbm>> -> memref<100096x16xf32, #tpu.memory_space<hbm>>
      tpu.wait_indirect_dma semaphore(%arg16 : memref<!tpu.dma_semaphore, #tpu.memory_space<semaphore_mem>>) src(%dma_wait3A_109 : memref<100096x16xf32, #tpu.memory_space<hbm>>) dst(%dma_wait3A_103 : memref<128x16xf32, #tpu.memory_space<vmem>>)
      %dma_wait3A_110 = arith.constant 0 : i32
      %dma_wait3A_111 = arith.constant 0 : i32
      %dma_wait3A_112 = arith.constant 0 : i32
      %dma_wait3A_113 = tpu.memref_slice %arg15[%dma_wait3A_111, %dma_wait3A_112] : memref<512x16xf32, #tpu.memory_space<vmem>> -> memref<128x16xf32, #tpu.memory_space<vmem>>
      %dma_wait3A_114 = arith.constant 0 : i32
      %dma_wait3A_115 = tpu.memref_slice %arg12[%dma_wait3A_110, %dma_wait3A_114] : memref<4x128xi32, #tpu.memory_space<vmem>> -> memref<1x128xi32, #tpu.memory_space<vmem>>
      %dma_wait3A_116 = tpu.memref_squeeze %dma_wait3A_115 : memref<1x128xi32, #tpu.memory_space<vmem>> -> memref<128xi32, #tpu.memory_space<vmem>>
      %dma_wait3A_117 = arith.constant 0 : i32
      %dma_wait3A_118 = arith.constant 0 : i32
      %dma_wait3A_119 = tpu.memref_slice %arg3[%dma_wait3A_117, %dma_wait3A_118] : memref<512x16xf32, #tpu.memory_space<hbm>> -> memref<512x16xf32, #tpu.memory_space<hbm>>
      tpu.wait_indirect_dma semaphore(%arg16 : memref<!tpu.dma_semaphore, #tpu.memory_space<semaphore_mem>>) src(%dma_wait3A_119 : memref<512x16xf32, #tpu.memory_space<hbm>>) dst(%dma_wait3A_113 : memref<128x16xf32, #tpu.memory_space<vmem>>)
      %dma_wait3A_120 = arith.constant 1 : i32
      %dma_wait3A_121 = arith.constant 128 : i32
      %dma_wait3A_122 = arith.constant 0 : i32
      %dma_wait3A_123 = tpu.memref_slice %arg14[%dma_wait3A_121, %dma_wait3A_122] : memref<512x16xf32, #tpu.memory_space<vmem>> -> memref<128x16xf32, #tpu.memory_space<vmem>>
      %dma_wait3A_124 = arith.constant 0 : i32
      %dma_wait3A_125 = tpu.memref_slice %arg11[%dma_wait3A_120, %dma_wait3A_124] : memref<4x128xi32, #tpu.memory_space<vmem>> -> memref<1x128xi32, #tpu.memory_space<vmem>>
      %dma_wait3A_126 = tpu.memref_squeeze %dma_wait3A_125 : memref<1x128xi32, #tpu.memory_space<vmem>> -> memref<128xi32, #tpu.memory_space<vmem>>
      %dma_wait3A_127 = arith.constant 0 : i32
      %dma_wait3A_128 = arith.constant 0 : i32
      %dma_wait3A_129 = tpu.memref_slice %arg2[%dma_wait3A_127, %dma_wait3A_128] : memref<100096x16xf32, #tpu.memory_space<hbm>> -> memref<100096x16xf32, #tpu.memory_space<hbm>>
      tpu.wait_indirect_dma semaphore(%arg16 : memref<!tpu.dma_semaphore, #tpu.memory_space<semaphore_mem>>) src(%dma_wait3A_129 : memref<100096x16xf32, #tpu.memory_space<hbm>>) dst(%dma_wait3A_123 : memref<128x16xf32, #tpu.memory_space<vmem>>)
      %dma_wait3A_130 = arith.constant 1 : i32
      %dma_wait3A_131 = arith.constant 128 : i32
      %dma_wait3A_132 = arith.constant 0 : i32
      %dma_wait3A_133 = tpu.memref_slice %arg15[%dma_wait3A_131, %dma_wait3A_132] : memref<512x16xf32, #tpu.memory_space<vmem>> -> memref<128x16xf32, #tpu.memory_space<vmem>>
      %dma_wait3A_134 = arith.constant 0 : i32
      %dma_wait3A_135 = tpu.memref_slice %arg12[%dma_wait3A_130, %dma_wait3A_134] : memref<4x128xi32, #tpu.memory_space<vmem>> -> memref<1x128xi32, #tpu.memory_space<vmem>>
      %dma_wait3A_136 = tpu.memref_squeeze %dma_wait3A_135 : memref<1x128xi32, #tpu.memory_space<vmem>> -> memref<128xi32, #tpu.memory_space<vmem>>
      %dma_wait3A_137 = arith.constant 0 : i32
      %dma_wait3A_138 = arith.constant 0 : i32
      %dma_wait3A_139 = tpu.memref_slice %arg3[%dma_wait3A_137, %dma_wait3A_138] : memref<512x16xf32, #tpu.memory_space<hbm>> -> memref<512x16xf32, #tpu.memory_space<hbm>>
      tpu.wait_indirect_dma semaphore(%arg16 : memref<!tpu.dma_semaphore, #tpu.memory_space<semaphore_mem>>) src(%dma_wait3A_139 : memref<512x16xf32, #tpu.memory_space<hbm>>) dst(%dma_wait3A_133 : memref<128x16xf32, #tpu.memory_space<vmem>>)
      %dma_wait3A_140 = arith.constant 2 : i32
      %dma_wait3A_141 = arith.constant 256 : i32
      %dma_wait3A_142 = arith.constant 0 : i32
      %dma_wait3A_143 = tpu.memref_slice %arg14[%dma_wait3A_141, %dma_wait3A_142] : memref<512x16xf32, #tpu.memory_space<vmem>> -> memref<128x16xf32, #tpu.memory_space<vmem>>
      %dma_wait3A_144 = arith.constant 0 : i32
      %dma_wait3A_145 = tpu.memref_slice %arg11[%dma_wait3A_140, %dma_wait3A_144] : memref<4x128xi32, #tpu.memory_space<vmem>> -> memref<1x128xi32, #tpu.memory_space<vmem>>
      %dma_wait3A_146 = tpu.memref_squeeze %dma_wait3A_145 : memref<1x128xi32, #tpu.memory_space<vmem>> -> memref<128xi32, #tpu.memory_space<vmem>>
      %dma_wait3A_147 = arith.constant 0 : i32
      %dma_wait3A_148 = arith.constant 0 : i32
      %dma_wait3A_149 = tpu.memref_slice %arg2[%dma_wait3A_147, %dma_wait3A_148] : memref<100096x16xf32, #tpu.memory_space<hbm>> -> memref<100096x16xf32, #tpu.memory_space<hbm>>
      tpu.wait_indirect_dma semaphore(%arg16 : memref<!tpu.dma_semaphore, #tpu.memory_space<semaphore_mem>>) src(%dma_wait3A_149 : memref<100096x16xf32, #tpu.memory_space<hbm>>) dst(%dma_wait3A_143 : memref<128x16xf32, #tpu.memory_space<vmem>>)
      %dma_wait3A_150 = arith.constant 2 : i32
      %dma_wait3A_151 = arith.constant 256 : i32
      %dma_wait3A_152 = arith.constant 0 : i32
      %dma_wait3A_153 = tpu.memref_slice %arg15[%dma_wait3A_151, %dma_wait3A_152] : memref<512x16xf32, #tpu.memory_space<vmem>> -> memref<128x16xf32, #tpu.memory_space<vmem>>
      %dma_wait3A_154 = arith.constant 0 : i32
      %dma_wait3A_155 = tpu.memref_slice %arg12[%dma_wait3A_150, %dma_wait3A_154] : memref<4x128xi32, #tpu.memory_space<vmem>> -> memref<1x128xi32, #tpu.memory_space<vmem>>
      %dma_wait3A_156 = tpu.memref_squeeze %dma_wait3A_155 : memref<1x128xi32, #tpu.memory_space<vmem>> -> memref<128xi32, #tpu.memory_space<vmem>>
      %dma_wait3A_157 = arith.constant 0 : i32
      %dma_wait3A_158 = arith.constant 0 : i32
      %dma_wait3A_159 = tpu.memref_slice %arg3[%dma_wait3A_157, %dma_wait3A_158] : memref<512x16xf32, #tpu.memory_space<hbm>> -> memref<512x16xf32, #tpu.memory_space<hbm>>
      tpu.wait_indirect_dma semaphore(%arg16 : memref<!tpu.dma_semaphore, #tpu.memory_space<semaphore_mem>>) src(%dma_wait3A_159 : memref<512x16xf32, #tpu.memory_space<hbm>>) dst(%dma_wait3A_153 : memref<128x16xf32, #tpu.memory_space<vmem>>)
      %dma_wait3A_160 = arith.constant 3 : i32
      %dma_wait3A_161 = arith.constant 384 : i32
      %dma_wait3A_162 = arith.constant 0 : i32
      %dma_wait3A_163 = tpu.memref_slice %arg14[%dma_wait3A_161, %dma_wait3A_162] : memref<512x16xf32, #tpu.memory_space<vmem>> -> memref<128x16xf32, #tpu.memory_space<vmem>>
      %dma_wait3A_164 = arith.constant 0 : i32
      %dma_wait3A_165 = tpu.memref_slice %arg11[%dma_wait3A_160, %dma_wait3A_164] : memref<4x128xi32, #tpu.memory_space<vmem>> -> memref<1x128xi32, #tpu.memory_space<vmem>>
      %dma_wait3A_166 = tpu.memref_squeeze %dma_wait3A_165 : memref<1x128xi32, #tpu.memory_space<vmem>> -> memref<128xi32, #tpu.memory_space<vmem>>
      %dma_wait3A_167 = arith.constant 0 : i32
      %dma_wait3A_168 = arith.constant 0 : i32
      %dma_wait3A_169 = tpu.memref_slice %arg2[%dma_wait3A_167, %dma_wait3A_168] : memref<100096x16xf32, #tpu.memory_space<hbm>> -> memref<100096x16xf32, #tpu.memory_space<hbm>>
      tpu.wait_indirect_dma semaphore(%arg16 : memref<!tpu.dma_semaphore, #tpu.memory_space<semaphore_mem>>) src(%dma_wait3A_169 : memref<100096x16xf32, #tpu.memory_space<hbm>>) dst(%dma_wait3A_163 : memref<128x16xf32, #tpu.memory_space<vmem>>)
      %dma_wait3A_170 = arith.constant 3 : i32
      %dma_wait3A_171 = arith.constant 384 : i32
      %dma_wait3A_172 = arith.constant 0 : i32
      %dma_wait3A_173 = tpu.memref_slice %arg15[%dma_wait3A_171, %dma_wait3A_172] : memref<512x16xf32, #tpu.memory_space<vmem>> -> memref<128x16xf32, #tpu.memory_space<vmem>>
      %dma_wait3A_174 = arith.constant 0 : i32
      %dma_wait3A_175 = tpu.memref_slice %arg12[%dma_wait3A_170, %dma_wait3A_174] : memref<4x128xi32, #tpu.memory_space<vmem>> -> memref<1x128xi32, #tpu.memory_space<vmem>>
      %dma_wait3A_176 = tpu.memref_squeeze %dma_wait3A_175 : memref<1x128xi32, #tpu.memory_space<vmem>> -> memref<128xi32, #tpu.memory_space<vmem>>
      %dma_wait3A_177 = arith.constant 0 : i32
      %dma_wait3A_178 = arith.constant 0 : i32
      %dma_wait3A_179 = tpu.memref_slice %arg3[%dma_wait3A_177, %dma_wait3A_178] : memref<512x16xf32, #tpu.memory_space<hbm>> -> memref<512x16xf32, #tpu.memory_space<hbm>>
      tpu.wait_indirect_dma semaphore(%arg16 : memref<!tpu.dma_semaphore, #tpu.memory_space<semaphore_mem>>) src(%dma_wait3A_179 : memref<512x16xf32, #tpu.memory_space<hbm>>) dst(%dma_wait3A_173 : memref<128x16xf32, #tpu.memory_space<vmem>>)
      %scan3A_180 = arith.constant 0 : i32
      %scan3A_181 = arith.constant 0 : i32
      %scan3A_182 = arith.constant 64 : i32
      %scan3A_183 = arith.addi %scan3A_181, %scan3A_182 : i32
      %scan3A_184 = arith.constant 1 : i32
      scf.for %scan3A_189 = %scan3A_181 to %scan3A_183 step %scan3A_184  : i32 {
        %mul3A_190 = arith.constant 8 : i32
        %mul3A_191 = arith.muli %scan3A_189, %mul3A_190 : i32
        %add3A_192 = arith.constant 0 : i32
        %add3A_193 = arith.addi %mul3A_191, %add3A_192 : i32
        %get3A = arith.index_cast %add3A_193 : i32 to index
        %get3A_194 = arith.constant 0 : index
        %get3A_195 = tpu.vector_load %arg14[%get3A, %get3A_194] {strides = array<i32>} : memref<512x16xf32, #tpu.memory_space<vmem>>, vector<1x16xf32>,
        %get3A_196 = vector.shape_cast %get3A_195 : vector<1x16xf32> to vector<16xf32>
        %add3A_197 = arith.constant 0 : i32
        %add3A_198 = arith.addi %mul3A_191, %add3A_197 : i32
        %get3A_199 = arith.index_cast %add3A_198 : i32 to index
        %get3A_200 = arith.constant 0 : index
        %get3A_201 = tpu.vector_load %arg15[%get3A_199, %get3A_200] {strides = array<i32>} : memref<512x16xf32, #tpu.memory_space<vmem>>, vector<1x16xf32>,
        %get3A_202 = vector.shape_cast %get3A_201 : vector<1x16xf32> to vector<16xf32>
        %mul3A_203 = arith.mulf %get3A_196, %get3A_202 : vector<16xf32>
        %add3A_204 = arith.constant 0 : i32
        %add3A_205 = arith.addi %mul3A_191, %add3A_204 : i32
        %swap3A = arith.index_cast %add3A_205 : i32 to index
        %swap3A_206 = arith.constant 0 : index
        %swap3A_207 = tpu.vector_load %arg14[%swap3A, %swap3A_206] {strides = array<i32>} : memref<512x16xf32, #tpu.memory_space<vmem>>, vector<1x16xf32>,
        %swap3A_208 = vector.shape_cast %swap3A_207 : vector<1x16xf32> to vector<16xf32>
        %swap3A_209 = vector.shape_cast %mul3A_203 : vector<16xf32> to vector<1x16xf32>
        tpu.vector_store %arg14[%swap3A, %swap3A_206], %swap3A_209 {strides = array<i32>} : memref<512x16xf32, #tpu.memory_space<vmem>>, vector<1x16xf32>,
        %add3A_210 = arith.constant 1 : i32
        %add3A_211 = arith.addi %mul3A_191, %add3A_210 : i32
        %get3A_212 = arith.index_cast %add3A_211 : i32 to index
        %get3A_213 = arith.constant 0 : index
        %get3A_214 = tpu.vector_load %arg14[%get3A_212, %get3A_213] {strides = array<i32>} : memref<512x16xf32, #tpu.memory_space<vmem>>, vector<1x16xf32>,
        %get3A_215 = vector.shape_cast %get3A_214 : vector<1x16xf32> to vector<16xf32>
        %add3A_216 = arith.constant 1 : i32
        %add3A_217 = arith.addi %mul3A_191, %add3A_216 : i32
        %get3A_218 = arith.index_cast %add3A_217 : i32 to index
        %get3A_219 = arith.constant 0 : index
        %get3A_220 = tpu.vector_load %arg15[%get3A_218, %get3A_219] {strides = array<i32>} : memref<512x16xf32, #tpu.memory_space<vmem>>, vector<1x16xf32>,
        %get3A_221 = vector.shape_cast %get3A_220 : vector<1x16xf32> to vector<16xf32>
        %mul3A_222 = arith.mulf %get3A_215, %get3A_221 : vector<16xf32>
        %add3A_223 = arith.constant 1 : i32
        %add3A_224 = arith.addi %mul3A_191, %add3A_223 : i32
        %swap3A_225 = arith.index_cast %add3A_224 : i32 to index
        %swap3A_226 = arith.constant 0 : index
        %swap3A_227 = tpu.vector_load %arg14[%swap3A_225, %swap3A_226] {strides = array<i32>} : memref<512x16xf32, #tpu.memory_space<vmem>>, vector<1x16xf32>,
        %swap3A_228 = vector.shape_cast %swap3A_227 : vector<1x16xf32> to vector<16xf32>
        %swap3A_229 = vector.shape_cast %mul3A_222 : vector<16xf32> to vector<1x16xf32>
        tpu.vector_store %arg14[%swap3A_225, %swap3A_226], %swap3A_229 {strides = array<i32>} : memref<512x16xf32, #tpu.memory_space<vmem>>, vector<1x16xf32>,
        %add3A_230 = arith.constant 2 : i32
        %add3A_231 = arith.addi %mul3A_191, %add3A_230 : i32
        %get3A_232 = arith.index_cast %add3A_231 : i32 to index
        %get3A_233 = arith.constant 0 : index
        %get3A_234 = tpu.vector_load %arg14[%get3A_232, %get3A_233] {strides = array<i32>} : memref<512x16xf32, #tpu.memory_space<vmem>>, vector<1x16xf32>,
        %get3A_235 = vector.shape_cast %get3A_234 : vector<1x16xf32> to vector<16xf32>
        %add3A_236 = arith.constant 2 : i32
        %add3A_237 = arith.addi %mul3A_191, %add3A_236 : i32
        %get3A_238 = arith.index_cast %add3A_237 : i32 to index
        %get3A_239 = arith.constant 0 : index
        %get3A_240 = tpu.vector_load %arg15[%get3A_238, %get3A_239] {strides = array<i32>} : memref<512x16xf32, #tpu.memory_space<vmem>>, vector<1x16xf32>,
        %get3A_241 = vector.shape_cast %get3A_240 : vector<1x16xf32> to vector<16xf32>
        %mul3A_242 = arith.mulf %get3A_235, %get3A_241 : vector<16xf32>
        %add3A_243 = arith.constant 2 : i32
        %add3A_244 = arith.addi %mul3A_191, %add3A_243 : i32
        %swap3A_245 = arith.index_cast %add3A_244 : i32 to index
        %swap3A_246 = arith.constant 0 : index
        %swap3A_247 = tpu.vector_load %arg14[%swap3A_245, %swap3A_246] {strides = array<i32>} : memref<512x16xf32, #tpu.memory_space<vmem>>, vector<1x16xf32>,
        %swap3A_248 = vector.shape_cast %swap3A_247 : vector<1x16xf32> to vector<16xf32>
        %swap3A_249 = vector.shape_cast %mul3A_242 : vector<16xf32> to vector<1x16xf32>
        tpu.vector_store %arg14[%swap3A_245, %swap3A_246], %swap3A_249 {strides = array<i32>} : memref<512x16xf32, #tpu.memory_space<vmem>>, vector<1x16xf32>,
        %add3A_250 = arith.constant 3 : i32
        %add3A_251 = arith.addi %mul3A_191, %add3A_250 : i32
        %get3A_252 = arith.index_cast %add3A_251 : i32 to index
        %get3A_253 = arith.constant 0 : index
        %get3A_254 = tpu.vector_load %arg14[%get3A_252, %get3A_253] {strides = array<i32>} : memref<512x16xf32, #tpu.memory_space<vmem>>, vector<1x16xf32>,
        %get3A_255 = vector.shape_cast %get3A_254 : vector<1x16xf32> to vector<16xf32>
        %add3A_256 = arith.constant 3 : i32
        %add3A_257 = arith.addi %mul3A_191, %add3A_256 : i32
        %get3A_258 = arith.index_cast %add3A_257 : i32 to index
        %get3A_259 = arith.constant 0 : index
        %get3A_260 = tpu.vector_load %arg15[%get3A_258, %get3A_259] {strides = array<i32>} : memref<512x16xf32, #tpu.memory_space<vmem>>, vector<1x16xf32>,
        %get3A_261 = vector.shape_cast %get3A_260 : vector<1x16xf32> to vector<16xf32>
        %mul3A_262 = arith.mulf %get3A_255, %get3A_261 : vector<16xf32>
        %add3A_263 = arith.constant 3 : i32
        %add3A_264 = arith.addi %mul3A_191, %add3A_263 : i32
        %swap3A_265 = arith.index_cast %add3A_264 : i32 to index
        %swap3A_266 = arith.constant 0 : index
        %swap3A_267 = tpu.vector_load %arg14[%swap3A_265, %swap3A_266] {strides = array<i32>} : memref<512x16xf32, #tpu.memory_space<vmem>>, vector<1x16xf32>,
        %swap3A_268 = vector.shape_cast %swap3A_267 : vector<1x16xf32> to vector<16xf32>
        %swap3A_269 = vector.shape_cast %mul3A_262 : vector<16xf32> to vector<1x16xf32>
        tpu.vector_store %arg14[%swap3A_265, %swap3A_266], %swap3A_269 {strides = array<i32>} : memref<512x16xf32, #tpu.memory_space<vmem>>, vector<1x16xf32>,
        %add3A_270 = arith.constant 4 : i32
        %add3A_271 = arith.addi %mul3A_191, %add3A_270 : i32
        %get3A_272 = arith.index_cast %add3A_271 : i32 to index
        %get3A_273 = arith.constant 0 : index
        %get3A_274 = tpu.vector_load %arg14[%get3A_272, %get3A_273] {strides = array<i32>} : memref<512x16xf32, #tpu.memory_space<vmem>>, vector<1x16xf32>,
        %get3A_275 = vector.shape_cast %get3A_274 : vector<1x16xf32> to vector<16xf32>
        %add3A_276 = arith.constant 4 : i32
        %add3A_277 = arith.addi %mul3A_191, %add3A_276 : i32
        %get3A_278 = arith.index_cast %add3A_277 : i32 to index
        %get3A_279 = arith.constant 0 : index
        %get3A_280 = tpu.vector_load %arg15[%get3A_278, %get3A_279] {strides = array<i32>} : memref<512x16xf32, #tpu.memory_space<vmem>>, vector<1x16xf32>,
        %get3A_281 = vector.shape_cast %get3A_280 : vector<1x16xf32> to vector<16xf32>
        %mul3A_282 = arith.mulf %get3A_275, %get3A_281 : vector<16xf32>
        %add3A_283 = arith.constant 4 : i32
        %add3A_284 = arith.addi %mul3A_191, %add3A_283 : i32
        %swap3A_285 = arith.index_cast %add3A_284 : i32 to index
        %swap3A_286 = arith.constant 0 : index
        %swap3A_287 = tpu.vector_load %arg14[%swap3A_285, %swap3A_286] {strides = array<i32>} : memref<512x16xf32, #tpu.memory_space<vmem>>, vector<1x16xf32>,
        %swap3A_288 = vector.shape_cast %swap3A_287 : vector<1x16xf32> to vector<16xf32>
        %swap3A_289 = vector.shape_cast %mul3A_282 : vector<16xf32> to vector<1x16xf32>
        tpu.vector_store %arg14[%swap3A_285, %swap3A_286], %swap3A_289 {strides = array<i32>} : memref<512x16xf32, #tpu.memory_space<vmem>>, vector<1x16xf32>,
        %add3A_290 = arith.constant 5 : i32
        %add3A_291 = arith.addi %mul3A_191, %add3A_290 : i32
        %get3A_292 = arith.index_cast %add3A_291 : i32 to index
        %get3A_293 = arith.constant 0 : index
        %get3A_294 = tpu.vector_load %arg14[%get3A_292, %get3A_293] {strides = array<i32>} : memref<512x16xf32, #tpu.memory_space<vmem>>, vector<1x16xf32>,
        %get3A_295 = vector.shape_cast %get3A_294 : vector<1x16xf32> to vector<16xf32>
        %add3A_296 = arith.constant 5 : i32
        %add3A_297 = arith.addi %mul3A_191, %add3A_296 : i32
        %get3A_298 = arith.index_cast %add3A_297 : i32 to index
        %get3A_299 = arith.constant 0 : index
        %get3A_300 = tpu.vector_load %arg15[%get3A_298, %get3A_299] {strides = array<i32>} : memref<512x16xf32, #tpu.memory_space<vmem>>, vector<1x16xf32>,
        %get3A_301 = vector.shape_cast %get3A_300 : vector<1x16xf32> to vector<16xf32>
        %mul3A_302 = arith.mulf %get3A_295, %get3A_301 : vector<16xf32>
        %add3A_303 = arith.constant 5 : i32
        %add3A_304 = arith.addi %mul3A_191, %add3A_303 : i32
        %swap3A_305 = arith.index_cast %add3A_304 : i32 to index
        %swap3A_306 = arith.constant 0 : index
        %swap3A_307 = tpu.vector_load %arg14[%swap3A_305, %swap3A_306] {strides = array<i32>} : memref<512x16xf32, #tpu.memory_space<vmem>>, vector<1x16xf32>,
        %swap3A_308 = vector.shape_cast %swap3A_307 : vector<1x16xf32> to vector<16xf32>
        %swap3A_309 = vector.shape_cast %mul3A_302 : vector<16xf32> to vector<1x16xf32>
        tpu.vector_store %arg14[%swap3A_305, %swap3A_306], %swap3A_309 {strides = array<i32>} : memref<512x16xf32, #tpu.memory_space<vmem>>, vector<1x16xf32>,
        %add3A_310 = arith.constant 6 : i32
        %add3A_311 = arith.addi %mul3A_191, %add3A_310 : i32
        %get3A_312 = arith.index_cast %add3A_311 : i32 to index
        %get3A_313 = arith.constant 0 : index
        %get3A_314 = tpu.vector_load %arg14[%get3A_312, %get3A_313] {strides = array<i32>} : memref<512x16xf32, #tpu.memory_space<vmem>>, vector<1x16xf32>,
        %get3A_315 = vector.shape_cast %get3A_314 : vector<1x16xf32> to vector<16xf32>
        %add3A_316 = arith.constant 6 : i32
        %add3A_317 = arith.addi %mul3A_191, %add3A_316 : i32
        %get3A_318 = arith.index_cast %add3A_317 : i32 to index
        %get3A_319 = arith.constant 0 : index
        %get3A_320 = tpu.vector_load %arg15[%get3A_318, %get3A_319] {strides = array<i32>} : memref<512x16xf32, #tpu.memory_space<vmem>>, vector<1x16xf32>,
        %get3A_321 = vector.shape_cast %get3A_320 : vector<1x16xf32> to vector<16xf32>
        %mul3A_322 = arith.mulf %get3A_315, %get3A_321 : vector<16xf32>
        %add3A_323 = arith.constant 6 : i32
        %add3A_324 = arith.addi %mul3A_191, %add3A_323 : i32
        %swap3A_325 = arith.index_cast %add3A_324 : i32 to index
        %swap3A_326 = arith.constant 0 : index
        %swap3A_327 = tpu.vector_load %arg14[%swap3A_325, %swap3A_326] {strides = array<i32>} : memref<512x16xf32, #tpu.memory_space<vmem>>, vector<1x16xf32>,
        %swap3A_328 = vector.shape_cast %swap3A_327 : vector<1x16xf32> to vector<16xf32>
        %swap3A_329 = vector.shape_cast %mul3A_322 : vector<16xf32> to vector<1x16xf32>
        tpu.vector_store %arg14[%swap3A_325, %swap3A_326], %swap3A_329 {strides = array<i32>} : memref<512x16xf32, #tpu.memory_space<vmem>>, vector<1x16xf32>,
        %add3A_330 = arith.constant 7 : i32
        %add3A_331 = arith.addi %mul3A_191, %add3A_330 : i32
        %get3A_332 = arith.index_cast %add3A_331 : i32 to index
        %get3A_333 = arith.constant 0 : index
        %get3A_334 = tpu.vector_load %arg14[%get3A_332, %get3A_333] {strides = array<i32>} : memref<512x16xf32, #tpu.memory_space<vmem>>, vector<1x16xf32>,
        %get3A_335 = vector.shape_cast %get3A_334 : vector<1x16xf32> to vector<16xf32>
        %add3A_336 = arith.constant 7 : i32
        %add3A_337 = arith.addi %mul3A_191, %add3A_336 : i32
        %get3A_338 = arith.index_cast %add3A_337 : i32 to index
        %get3A_339 = arith.constant 0 : index
        %get3A_340 = tpu.vector_load %arg15[%get3A_338, %get3A_339] {strides = array<i32>} : memref<512x16xf32, #tpu.memory_space<vmem>>, vector<1x16xf32>,
        %get3A_341 = vector.shape_cast %get3A_340 : vector<1x16xf32> to vector<16xf32>
        %mul3A_342 = arith.mulf %get3A_335, %get3A_341 : vector<16xf32>
        %add3A_343 = arith.constant 7 : i32
        %add3A_344 = arith.addi %mul3A_191, %add3A_343 : i32
        %swap3A_345 = arith.index_cast %add3A_344 : i32 to index
        %swap3A_346 = arith.constant 0 : index
        %swap3A_347 = tpu.vector_load %arg14[%swap3A_345, %swap3A_346] {strides = array<i32>} : memref<512x16xf32, #tpu.memory_space<vmem>>, vector<1x16xf32>,
        %swap3A_348 = vector.shape_cast %swap3A_347 : vector<1x16xf32> to vector<16xf32>
        %swap3A_349 = vector.shape_cast %mul3A_342 : vector<16xf32> to vector<1x16xf32>
        tpu.vector_store %arg14[%swap3A_345, %swap3A_346], %swap3A_349 {strides = array<i32>} : memref<512x16xf32, #tpu.memory_space<vmem>>, vector<1x16xf32>,
      }
      %scan3A_185 = arith.constant 64 : i32
      %run_scoped3A = arith.constant 0 : i32
      "tpu.region"() ({
        %run_scoped3A_189 = tpu.sem_alloc : memref<!tpu.dma_semaphore, #tpu.memory_space<semaphore_mem>>
        %dma_start3A_190 = arith.constant 0 : i32
        %dma_start3A_191 = arith.constant 0 : i32
        %dma_start3A_192 = tpu.memref_slice %arg14[%dma_start3A_190, %dma_start3A_191] : memref<512x16xf32, #tpu.memory_space<vmem>> -> memref<128x16xf32, #tpu.memory_space<vmem>>
        %dma_start3A_193 = arith.constant 0 : i32
        %dma_start3A_194 = tpu.memref_slice %arg13[%run_scoped3A, %dma_start3A_193] : memref<4x128xi32, #tpu.memory_space<vmem>> -> memref<1x128xi32, #tpu.memory_space<vmem>>
        %dma_start3A_195 = tpu.memref_squeeze %dma_start3A_194 : memref<1x128xi32, #tpu.memory_space<vmem>> -> memref<128xi32, #tpu.memory_space<vmem>>
        %dma_start3A_196 = arith.constant 0 : i32
        %dma_start3A_197 = arith.constant 0 : i32
        %dma_start3A_198 = tpu.memref_slice %arg10[%dma_start3A_196, %dma_start3A_197] : memref<100096x16xf32, #tpu.memory_space<vmem_shared>> -> memref<100096x16xf32, #tpu.memory_space<vmem_shared>>
        tpu.enqueue_indirect_dma source(%dma_start3A_192 : memref<128x16xf32, #tpu.memory_space<vmem>>) target(%dma_start3A_198 : memref<100096x16xf32, #tpu.memory_space<vmem_shared>>) offsets(%dma_start3A_195 : memref<128xi32, #tpu.memory_space<vmem>>) semaphore(%run_scoped3A_189 : memref<!tpu.dma_semaphore, #tpu.memory_space<semaphore_mem>>) {add = true}
        %dma_wait3A_199 = arith.constant 0 : i32
        %dma_wait3A_200 = arith.constant 0 : i32
        %dma_wait3A_201 = tpu.memref_slice %arg14[%dma_wait3A_199, %dma_wait3A_200] : memref<512x16xf32, #tpu.memory_space<vmem>> -> memref<128x16xf32, #tpu.memory_space<vmem>>
        %dma_wait3A_202 = arith.constant 0 : i32
        %dma_wait3A_203 = tpu.memref_slice %arg13[%run_scoped3A, %dma_wait3A_202] : memref<4x128xi32, #tpu.memory_space<vmem>> -> memref<1x128xi32, #tpu.memory_space<vmem>>
        %dma_wait3A_204 = tpu.memref_squeeze %dma_wait3A_203 : memref<1x128xi32, #tpu.memory_space<vmem>> -> memref<128xi32, #tpu.memory_space<vmem>>
        %dma_wait3A_205 = arith.constant 0 : i32
        %dma_wait3A_206 = arith.constant 0 : i32
        %dma_wait3A_207 = tpu.memref_slice %arg10[%dma_wait3A_205, %dma_wait3A_206] : memref<100096x16xf32, #tpu.memory_space<vmem_shared>> -> memref<100096x16xf32, #tpu.memory_space<vmem_shared>>
        tpu.wait_indirect_dma semaphore(%run_scoped3A_189 : memref<!tpu.dma_semaphore, #tpu.memory_space<semaphore_mem>>) src(%dma_wait3A_201 : memref<128x16xf32, #tpu.memory_space<vmem>>) dst(%dma_wait3A_207 : memref<100096x16xf32, #tpu.memory_space<vmem_shared>>)
        tpu.yield
      }) : () -> ()
      %run_scoped3A_186 = arith.constant 1 : i32
      "tpu.region"() ({
        %run_scoped3A_189 = tpu.sem_alloc : memref<!tpu.dma_semaphore, #tpu.memory_space<semaphore_mem>>
        %dma_start3A_190 = arith.constant 128 : i32
        %dma_start3A_191 = arith.constant 0 : i32
        %dma_start3A_192 = tpu.memref_slice %arg14[%dma_start3A_190, %dma_start3A_191] : memref<512x16xf32, #tpu.memory_space<vmem>> -> memref<128x16xf32, #tpu.memory_space<vmem>>
        %dma_start3A_193 = arith.constant 0 : i32
        %dma_start3A_194 = tpu.memref_slice %arg13[%run_scoped3A_186, %dma_start3A_193] : memref<4x128xi32, #tpu.memory_space<vmem>> -> memref<1x128xi32, #tpu.memory_space<vmem>>
        %dma_start3A_195 = tpu.memref_squeeze %dma_start3A_194 : memref<1x128xi32, #tpu.memory_space<vmem>> -> memref<128xi32, #tpu.memory_space<vmem>>
        %dma_start3A_196 = arith.constant 0 : i32
        %dma_start3A_197 = arith.constant 0 : i32
        %dma_start3A_198 = tpu.memref_slice %arg10[%dma_start3A_196, %dma_start3A_197] : memref<100096x16xf32, #tpu.memory_space<vmem_shared>> -> memref<100096x16xf32, #tpu.memory_space<vmem_shared>>
        tpu.enqueue_indirect_dma source(%dma_start3A_192 : memref<128x16xf32, #tpu.memory_space<vmem>>) target(%dma_start3A_198 : memref<100096x16xf32, #tpu.memory_space<vmem_shared>>) offsets(%dma_start3A_195 : memref<128xi32, #tpu.memory_space<vmem>>) semaphore(%run_scoped3A_189 : memref<!tpu.dma_semaphore, #tpu.memory_space<semaphore_mem>>) {add = true}
        %dma_wait3A_199 = arith.constant 128 : i32
        %dma_wait3A_200 = arith.constant 0 : i32
        %dma_wait3A_201 = tpu.memref_slice %arg14[%dma_wait3A_199, %dma_wait3A_200] : memref<512x16xf32, #tpu.memory_space<vmem>> -> memref<128x16xf32, #tpu.memory_space<vmem>>
        %dma_wait3A_202 = arith.constant 0 : i32
        %dma_wait3A_203 = tpu.memref_slice %arg13[%run_scoped3A_186, %dma_wait3A_202] : memref<4x128xi32, #tpu.memory_space<vmem>> -> memref<1x128xi32, #tpu.memory_space<vmem>>
        %dma_wait3A_204 = tpu.memref_squeeze %dma_wait3A_203 : memref<1x128xi32, #tpu.memory_space<vmem>> -> memref<128xi32, #tpu.memory_space<vmem>>
        %dma_wait3A_205 = arith.constant 0 : i32
        %dma_wait3A_206 = arith.constant 0 : i32
        %dma_wait3A_207 = tpu.memref_slice %arg10[%dma_wait3A_205, %dma_wait3A_206] : memref<100096x16xf32, #tpu.memory_space<vmem_shared>> -> memref<100096x16xf32, #tpu.memory_space<vmem_shared>>
        tpu.wait_indirect_dma semaphore(%run_scoped3A_189 : memref<!tpu.dma_semaphore, #tpu.memory_space<semaphore_mem>>) src(%dma_wait3A_201 : memref<128x16xf32, #tpu.memory_space<vmem>>) dst(%dma_wait3A_207 : memref<100096x16xf32, #tpu.memory_space<vmem_shared>>)
        tpu.yield
      }) : () -> ()
      %run_scoped3A_187 = arith.constant 2 : i32
      "tpu.region"() ({
        %run_scoped3A_189 = tpu.sem_alloc : memref<!tpu.dma_semaphore, #tpu.memory_space<semaphore_mem>>
        %dma_start3A_190 = arith.constant 256 : i32
        %dma_start3A_191 = arith.constant 0 : i32
        %dma_start3A_192 = tpu.memref_slice %arg14[%dma_start3A_190, %dma_start3A_191] : memref<512x16xf32, #tpu.memory_space<vmem>> -> memref<128x16xf32, #tpu.memory_space<vmem>>
        %dma_start3A_193 = arith.constant 0 : i32
        %dma_start3A_194 = tpu.memref_slice %arg13[%run_scoped3A_187, %dma_start3A_193] : memref<4x128xi32, #tpu.memory_space<vmem>> -> memref<1x128xi32, #tpu.memory_space<vmem>>
        %dma_start3A_195 = tpu.memref_squeeze %dma_start3A_194 : memref<1x128xi32, #tpu.memory_space<vmem>> -> memref<128xi32, #tpu.memory_space<vmem>>
        %dma_start3A_196 = arith.constant 0 : i32
        %dma_start3A_197 = arith.constant 0 : i32
        %dma_start3A_198 = tpu.memref_slice %arg10[%dma_start3A_196, %dma_start3A_197] : memref<100096x16xf32, #tpu.memory_space<vmem_shared>> -> memref<100096x16xf32, #tpu.memory_space<vmem_shared>>
        tpu.enqueue_indirect_dma source(%dma_start3A_192 : memref<128x16xf32, #tpu.memory_space<vmem>>) target(%dma_start3A_198 : memref<100096x16xf32, #tpu.memory_space<vmem_shared>>) offsets(%dma_start3A_195 : memref<128xi32, #tpu.memory_space<vmem>>) semaphore(%run_scoped3A_189 : memref<!tpu.dma_semaphore, #tpu.memory_space<semaphore_mem>>) {add = true}
        %dma_wait3A_199 = arith.constant 256 : i32
        %dma_wait3A_200 = arith.constant 0 : i32
        %dma_wait3A_201 = tpu.memref_slice %arg14[%dma_wait3A_199, %dma_wait3A_200] : memref<512x16xf32, #tpu.memory_space<vmem>> -> memref<128x16xf32, #tpu.memory_space<vmem>>
        %dma_wait3A_202 = arith.constant 0 : i32
        %dma_wait3A_203 = tpu.memref_slice %arg13[%run_scoped3A_187, %dma_wait3A_202] : memref<4x128xi32, #tpu.memory_space<vmem>> -> memref<1x128xi32, #tpu.memory_space<vmem>>
        %dma_wait3A_204 = tpu.memref_squeeze %dma_wait3A_203 : memref<1x128xi32, #tpu.memory_space<vmem>> -> memref<128xi32, #tpu.memory_space<vmem>>
        %dma_wait3A_205 = arith.constant 0 : i32
        %dma_wait3A_206 = arith.constant 0 : i32
        %dma_wait3A_207 = tpu.memref_slice %arg10[%dma_wait3A_205, %dma_wait3A_206] : memref<100096x16xf32, #tpu.memory_space<vmem_shared>> -> memref<100096x16xf32, #tpu.memory_space<vmem_shared>>
        tpu.wait_indirect_dma semaphore(%run_scoped3A_189 : memref<!tpu.dma_semaphore, #tpu.memory_space<semaphore_mem>>) src(%dma_wait3A_201 : memref<128x16xf32, #tpu.memory_space<vmem>>) dst(%dma_wait3A_207 : memref<100096x16xf32, #tpu.memory_space<vmem_shared>>)
        tpu.yield
      }) : () -> ()
      %run_scoped3A_188 = arith.constant 3 : i32
      "tpu.region"() ({
        %run_scoped3A_189 = tpu.sem_alloc : memref<!tpu.dma_semaphore, #tpu.memory_space<semaphore_mem>>
        %dma_start3A_190 = arith.constant 384 : i32
        %dma_start3A_191 = arith.constant 0 : i32
        %dma_start3A_192 = tpu.memref_slice %arg14[%dma_start3A_190, %dma_start3A_191] : memref<512x16xf32, #tpu.memory_space<vmem>> -> memref<128x16xf32, #tpu.memory_space<vmem>>
        %dma_start3A_193 = arith.constant 0 : i32
        %dma_start3A_194 = tpu.memref_slice %arg13[%run_scoped3A_188, %dma_start3A_193] : memref<4x128xi32, #tpu.memory_space<vmem>> -> memref<1x128xi32, #tpu.memory_space<vmem>>
        %dma_start3A_195 = tpu.memref_squeeze %dma_start3A_194 : memref<1x128xi32, #tpu.memory_space<vmem>> -> memref<128xi32, #tpu.memory_space<vmem>>
        %dma_start3A_196 = arith.constant 0 : i32
        %dma_start3A_197 = arith.constant 0 : i32
        %dma_start3A_198 = tpu.memref_slice %arg10[%dma_start3A_196, %dma_start3A_197] : memref<100096x16xf32, #tpu.memory_space<vmem_shared>> -> memref<100096x16xf32, #tpu.memory_space<vmem_shared>>
        tpu.enqueue_indirect_dma source(%dma_start3A_192 : memref<128x16xf32, #tpu.memory_space<vmem>>) target(%dma_start3A_198 : memref<100096x16xf32, #tpu.memory_space<vmem_shared>>) offsets(%dma_start3A_195 : memref<128xi32, #tpu.memory_space<vmem>>) semaphore(%run_scoped3A_189 : memref<!tpu.dma_semaphore, #tpu.memory_space<semaphore_mem>>) {add = true}
        %dma_wait3A_199 = arith.constant 384 : i32
        %dma_wait3A_200 = arith.constant 0 : i32
        %dma_wait3A_201 = tpu.memref_slice %arg14[%dma_wait3A_199, %dma_wait3A_200] : memref<512x16xf32, #tpu.memory_space<vmem>> -> memref<128x16xf32, #tpu.memory_space<vmem>>
        %dma_wait3A_202 = arith.constant 0 : i32
        %dma_wait3A_203 = tpu.memref_slice %arg13[%run_scoped3A_188, %dma_wait3A_202] : memref<4x128xi32, #tpu.memory_space<vmem>> -> memref<1x128xi32, #tpu.memory_space<vmem>>
        %dma_wait3A_204 = tpu.memref_squeeze %dma_wait3A_203 : memref<1x128xi32, #tpu.memory_space<vmem>> -> memref<128xi32, #tpu.memory_space<vmem>>
        %dma_wait3A_205 = arith.constant 0 : i32
        %dma_wait3A_206 = arith.constant 0 : i32
        %dma_wait3A_207 = tpu.memref_slice %arg10[%dma_wait3A_205, %dma_wait3A_206] : memref<100096x16xf32, #tpu.memory_space<vmem_shared>> -> memref<100096x16xf32, #tpu.memory_space<vmem_shared>>
        tpu.wait_indirect_dma semaphore(%run_scoped3A_189 : memref<!tpu.dma_semaphore, #tpu.memory_space<semaphore_mem>>) src(%dma_wait3A_201 : memref<128x16xf32, #tpu.memory_space<vmem>>) dst(%dma_wait3A_207 : memref<100096x16xf32, #tpu.memory_space<vmem_shared>>)
        tpu.yield
      }) : () -> ()
    }
    %scan3A_7 = arith.constant 98 : i32
    %barrier3A_8 = arith.constant 0 : index
    tpu.barrier barrier_id(%barrier3A_8)
    %eq3A = arith.constant 0 : i32
    %eq3A_9 = arith.cmpi eq, %arg0, %eq3A : i32
    %convert_element_type3A = arith.extui %eq3A_9 : i1 to i32
    %cond3A = arith.constant 0 : i32
    %cond3A_10 = arith.cmpi ne, %convert_element_type3A, %cond3A : i32
    scf.if %cond3A_10 {
      %mul3A_16 = arith.constant 6256 : i32
      %mul3A_17 = arith.muli %arg1, %mul3A_16 : i32
      %mul3A_18 = arith.constant 6256 : i32
      %mul3A_19 = arith.muli %arg1, %mul3A_18 : i32
      "tpu.region"() ({
        %run_scoped3A = tpu.sem_alloc : memref<!tpu.dma_semaphore, #tpu.memory_space<semaphore_mem>>
        %dma_start3A = arith.constant 0 : i32
        %dma_start3A_20 = tpu.memref_slice %arg8[%mul3A_19, %dma_start3A] : memref<100096x16xf32, #tpu.memory_space<hbm>> -> memref<6256x16xf32, #tpu.memory_space<hbm>>
        %dma_start3A_21 = arith.constant 0 : i32
        %dma_start3A_22 = tpu.memref_slice %arg10[%mul3A_17, %dma_start3A_21] : memref<100096x16xf32, #tpu.memory_space<vmem_shared>> -> memref<6256x16xf32, #tpu.memory_space<vmem_shared>>
        tpu.enqueue_dma source(%dma_start3A_22 : memref<6256x16xf32, #tpu.memory_space<vmem_shared>>) target(%dma_start3A_20 : memref<6256x16xf32, #tpu.memory_space<hbm>>) target_semaphore(%run_scoped3A : memref<!tpu.dma_semaphore, #tpu.memory_space<semaphore_mem>>)
        %dma_wait3A = arith.constant 0 : i32
        %dma_wait3A_23 = tpu.memref_slice %arg8[%mul3A_19, %dma_wait3A] : memref<100096x16xf32, #tpu.memory_space<hbm>> -> memref<6256x16xf32, #tpu.memory_space<hbm>>
        %dma_wait3A_24 = arith.constant 0 : i32
        %dma_wait3A_25 = tpu.memref_slice %arg10[%mul3A_17, %dma_wait3A_24] : memref<100096x16xf32, #tpu.memory_space<vmem_shared>> -> memref<6256x16xf32, #tpu.memory_space<vmem_shared>>
        tpu.wait_dma2 semaphore(%run_scoped3A : memref<!tpu.dma_semaphore, #tpu.memory_space<semaphore_mem>>) src(%dma_wait3A_25 : memref<6256x16xf32, #tpu.memory_space<vmem_shared>>) dst(%dma_wait3A_23 : memref<6256x16xf32, #tpu.memory_space<hbm>>)
        tpu.yield
      }) : () -> ()
    } else {
    }
    %eq3A_11 = arith.constant 1 : i32
    %eq3A_12 = arith.cmpi eq, %arg0, %eq3A_11 : i32
    %convert_element_type3A_13 = arith.extui %eq3A_12 : i1 to i32
    %cond3A_14 = arith.constant 0 : i32
    %cond3A_15 = arith.cmpi ne, %convert_element_type3A_13, %cond3A_14 : i32
    scf.if %cond3A_15 {
      %mul3A_16 = arith.constant 6256 : i32
      %mul3A_17 = arith.muli %arg1, %mul3A_16 : i32
      %mul3A_18 = arith.constant 6256 : i32
      %mul3A_19 = arith.muli %arg1, %mul3A_18 : i32
      "tpu.region"() ({
        %run_scoped3A = tpu.sem_alloc : memref<!tpu.dma_semaphore, #tpu.memory_space<semaphore_mem>>
        %dma_start3A = arith.constant 0 : i32
        %dma_start3A_20 = tpu.memref_slice %arg9[%mul3A_19, %dma_start3A] : memref<100096x16xf32, #tpu.memory_space<hbm>> -> memref<6256x16xf32, #tpu.memory_space<hbm>>
        %dma_start3A_21 = arith.constant 0 : i32
        %dma_start3A_22 = tpu.memref_slice %arg10[%mul3A_17, %dma_start3A_21] : memref<100096x16xf32, #tpu.memory_space<vmem_shared>> -> memref<6256x16xf32, #tpu.memory_space<vmem_shared>>
        tpu.enqueue_dma source(%dma_start3A_22 : memref<6256x16xf32, #tpu.memory_space<vmem_shared>>) target(%dma_start3A_20 : memref<6256x16xf32, #tpu.memory_space<hbm>>) target_semaphore(%run_scoped3A : memref<!tpu.dma_semaphore, #tpu.memory_space<semaphore_mem>>)
        %dma_wait3A = arith.constant 0 : i32
        %dma_wait3A_23 = tpu.memref_slice %arg9[%mul3A_19, %dma_wait3A] : memref<100096x16xf32, #tpu.memory_space<hbm>> -> memref<6256x16xf32, #tpu.memory_space<hbm>>
        %dma_wait3A_24 = arith.constant 0 : i32
        %dma_wait3A_25 = tpu.memref_slice %arg10[%mul3A_17, %dma_wait3A_24] : memref<100096x16xf32, #tpu.memory_space<vmem_shared>> -> memref<6256x16xf32, #tpu.memory_space<vmem_shared>>
        tpu.wait_dma2 semaphore(%run_scoped3A : memref<!tpu.dma_semaphore, #tpu.memory_space<semaphore_mem>>) src(%dma_wait3A_25 : memref<6256x16xf32, #tpu.memory_space<vmem_shared>>) dst(%dma_wait3A_23 : memref<6256x16xf32, #tpu.memory_space<hbm>>)
        tpu.yield
      }) : () -> ()
    } else {
    }
    return
  }
}

#map = affine_map<(d0, d1) -> (0, 0)>
module attributes {stable_mosaic.version = 14 : i64} {
  func.func @hop(%arg0: i32, %arg1: i32, %arg2: memref<100096x16xf32, #tpu.memory_space<hbm>>, %arg3: memref<512x16xf32, #tpu.memory_space<hbm>>, %arg4: memref<12544x128xi32, #tpu.memory_space<hbm>>, %arg5: memref<12544x128xi32, #tpu.memory_space<hbm>>, %arg6: memref<12544x128xi32, #tpu.memory_space<hbm>>, %arg7: memref<6256x16xf32, #tpu.memory_space<hbm>>, %arg8: memref<100096x16xf32, #tpu.memory_space<hbm>>, %arg9: memref<100096x16xf32, #tpu.memory_space<hbm>>, %arg10: memref<100096x16xf32, #tpu.memory_space<vmem_shared>>, %arg11: memref<4x128xi32, #tpu.memory_space<vmem>>, %arg12: memref<4x128xi32, #tpu.memory_space<vmem>>, %arg13: memref<4x128xi32, #tpu.memory_space<vmem>>, %arg14: memref<512x16xf32, #tpu.memory_space<vmem>>, %arg15: memref<512x16xf32, #tpu.memory_space<vmem>>, %arg16: memref<!tpu.dma_semaphore, #tpu.memory_space<semaphore_mem>>) attributes {dimension_semantics = [#tpu.dimension_semantics<core_parallel>, #tpu.dimension_semantics<subcore_parallel>], iteration_bounds = array<i64: 2, 16>, scalar_prefetch = 0 : i64, scratch_operands = 7 : i64, tpu.core_type = #tpu.core_type<sc_vector_subcore>, window_params = [{transform_indices = #map}, {transform_indices = #map}, {transform_indices = #map}, {transform_indices = #map}, {transform_indices = #map}, {transform_indices = #map}, {transform_indices = #map}, {transform_indices = #map}]} {
    %mul3A = arith.constant 16 : i32
    %mul3A_0 = arith.muli %arg0, %mul3A : i32
    %add3A = arith.addi %mul3A_0, %arg1 : i32
    %mul3A_1 = arith.constant 6256 : i32
    %mul3A_2 = arith.muli %arg1, %mul3A_1 : i32
    "tpu.region"() ({
      %run_scoped3A = tpu.sem_alloc : memref<!tpu.dma_semaphore, #tpu.memory_space<semaphore_mem>>
      %dma_start3A = arith.constant 0 : i32
      %dma_start3A_16 = tpu.memref_slice %arg10[%mul3A_2, %dma_start3A] : memref<100096x16xf32, #tpu.memory_space<vmem_shared>> -> memref<6256x16xf32, #tpu.memory_space<vmem_shared>>
      tpu.enqueue_dma source(%arg7 : memref<6256x16xf32, #tpu.memory_space<hbm>>) target(%dma_start3A_16 : memref<6256x16xf32, #tpu.memory_space<vmem_shared>>) target_semaphore(%run_scoped3A : memref<!tpu.dma_semaphore, #tpu.memory_space<semaphore_mem>>)
      %dma_wait3A = arith.constant 0 : i32
      %dma_wait3A_17 = tpu.memref_slice %arg10[%mul3A_2, %dma_wait3A] : memref<100096x16xf32, #tpu.memory_space<vmem_shared>> -> memref<6256x16xf32, #tpu.memory_space<vmem_shared>>
      tpu.wait_dma2 semaphore(%run_scoped3A : memref<!tpu.dma_semaphore, #tpu.memory_space<semaphore_mem>>) src(%arg7 : memref<6256x16xf32, #tpu.memory_space<hbm>>) dst(%dma_wait3A_17 : memref<6256x16xf32, #tpu.memory_space<vmem_shared>>)
      tpu.yield
    }) : () -> ()
    %barrier3A = arith.constant 0 : index
    tpu.barrier barrier_id(%barrier3A)
    %scan3A = arith.constant 0 : i32
    %scan3A_3 = arith.constant 0 : i32
    %scan3A_4 = arith.constant 98 : i32
    %scan3A_5 = arith.addi %scan3A_3, %scan3A_4 : i32
    %scan3A_6 = arith.constant 1 : i32
    scf.for %scan3A_16 = %scan3A_3 to %scan3A_5 step %scan3A_6  : i32 {
      %mul3A_17 = arith.constant 392 : i32
      %mul3A_18 = arith.muli %add3A, %mul3A_17 : i32
      %mul3A_19 = arith.constant 4 : i32
      %mul3A_20 = arith.muli %scan3A_16, %mul3A_19 : i32
      %add3A_21 = arith.addi %mul3A_18, %mul3A_20 : i32
      "tpu.region"() ({
        %run_scoped3A_189 = tpu.sem_alloc : memref<!tpu.dma_semaphore, #tpu.memory_space<semaphore_mem>>
        %dma_start3A_190 = arith.constant 0 : i32
        %dma_start3A_191 = tpu.memref_slice %arg4[%add3A_21, %dma_start3A_190] : memref<12544x128xi32, #tpu.memory_space<hbm>> -> memref<4x128xi32, #tpu.memory_space<hbm>>
        %dma_start3A_192 = arith.constant 0 : i32
        %dma_start3A_193 = tpu.memref_slice %arg4[%add3A_21, %dma_start3A_192] : memref<12544x128xi32, #tpu.memory_space<hbm>> -> memref<4x128xi32, #tpu.memory_space<hbm>>
        tpu.enqueue_dma source(%dma_start3A_193 : memref<4x128xi32, #tpu.memory_space<hbm>>) target(%arg11 : memref<4x128xi32, #tpu.memory_space<vmem>>) target_semaphore(%run_scoped3A_189 : memref<!tpu.dma_semaphore, #tpu.memory_space<semaphore_mem>>)
        %dma_wait3A_194 = arith.constant 0 : i32
        %dma_wait3A_195 = tpu.memref_slice %arg4[%add3A_21, %dma_wait3A_194] : memref<12544x128xi32, #tpu.memory_space<hbm>> -> memref<4x128xi32, #tpu.memory_space<hbm>>
        %dma_wait3A_196 = arith.constant 0 : i32
        %dma_wait3A_197 = tpu.memref_slice %arg4[%add3A_21, %dma_wait3A_196] : memref<12544x128xi32, #tpu.memory_space<hbm>> -> memref<4x128xi32, #tpu.memory_space<hbm>>
        tpu.wait_dma2 semaphore(%run_scoped3A_189 : memref<!tpu.dma_semaphore, #tpu.memory_space<semaphore_mem>>) src(%dma_wait3A_197 : memref<4x128xi32, #tpu.memory_space<hbm>>) dst(%arg11 : memref<4x128xi32, #tpu.memory_space<vmem>>)
        tpu.yield
      }) : () -> ()
      "tpu.region"() ({
        %run_scoped3A_189 = tpu.sem_alloc : memref<!tpu.dma_semaphore, #tpu.memory_space<semaphore_mem>>
        %dma_start3A_190 = arith.constant 0 : i32
        %dma_start3A_191 = tpu.memref_slice %arg5[%add3A_21, %dma_start3A_190] : memref<12544x128xi32, #tpu.memory_space<hbm>> -> memref<4x128xi32, #tpu.memory_space<hbm>>
        %dma_start3A_192 = arith.constant 0 : i32
        %dma_start3A_193 = tpu.memref_slice %arg5[%add3A_21, %dma_start3A_192] : memref<12544x128xi32, #tpu.memory_space<hbm>> -> memref<4x128xi32, #tpu.memory_space<hbm>>
        tpu.enqueue_dma source(%dma_start3A_193 : memref<4x128xi32, #tpu.memory_space<hbm>>) target(%arg12 : memref<4x128xi32, #tpu.memory_space<vmem>>) target_semaphore(%run_scoped3A_189 : memref<!tpu.dma_semaphore, #tpu.memory_space<semaphore_mem>>)
        %dma_wait3A_194 = arith.constant 0 : i32
        %dma_wait3A_195 = tpu.memref_slice %arg5[%add3A_21, %dma_wait3A_194] : memref<12544x128xi32, #tpu.memory_space<hbm>> -> memref<4x128xi32, #tpu.memory_space<hbm>>
        %dma_wait3A_196 = arith.constant 0 : i32
        %dma_wait3A_197 = tpu.memref_slice %arg5[%add3A_21, %dma_wait3A_196] : memref<12544x128xi32, #tpu.memory_space<hbm>> -> memref<4x128xi32, #tpu.memory_space<hbm>>
        tpu.wait_dma2 semaphore(%run_scoped3A_189 : memref<!tpu.dma_semaphore, #tpu.memory_space<semaphore_mem>>) src(%dma_wait3A_197 : memref<4x128xi32, #tpu.memory_space<hbm>>) dst(%arg12 : memref<4x128xi32, #tpu.memory_space<vmem>>)
        tpu.yield
      }) : () -> ()
      "tpu.region"() ({
        %run_scoped3A_189 = tpu.sem_alloc : memref<!tpu.dma_semaphore, #tpu.memory_space<semaphore_mem>>
        %dma_start3A_190 = arith.constant 0 : i32
        %dma_start3A_191 = tpu.memref_slice %arg6[%add3A_21, %dma_start3A_190] : memref<12544x128xi32, #tpu.memory_space<hbm>> -> memref<4x128xi32, #tpu.memory_space<hbm>>
        %dma_start3A_192 = arith.constant 0 : i32
        %dma_start3A_193 = tpu.memref_slice %arg6[%add3A_21, %dma_start3A_192] : memref<12544x128xi32, #tpu.memory_space<hbm>> -> memref<4x128xi32, #tpu.memory_space<hbm>>
        tpu.enqueue_dma source(%dma_start3A_193 : memref<4x128xi32, #tpu.memory_space<hbm>>) target(%arg13 : memref<4x128xi32, #tpu.memory_space<vmem>>) target_semaphore(%run_scoped3A_189 : memref<!tpu.dma_semaphore, #tpu.memory_space<semaphore_mem>>)
        %dma_wait3A_194 = arith.constant 0 : i32
        %dma_wait3A_195 = tpu.memref_slice %arg6[%add3A_21, %dma_wait3A_194] : memref<12544x128xi32, #tpu.memory_space<hbm>> -> memref<4x128xi32, #tpu.memory_space<hbm>>
        %dma_wait3A_196 = arith.constant 0 : i32
        %dma_wait3A_197 = tpu.memref_slice %arg6[%add3A_21, %dma_wait3A_196] : memref<12544x128xi32, #tpu.memory_space<hbm>> -> memref<4x128xi32, #tpu.memory_space<hbm>>
        tpu.wait_dma2 semaphore(%run_scoped3A_189 : memref<!tpu.dma_semaphore, #tpu.memory_space<semaphore_mem>>) src(%dma_wait3A_197 : memref<4x128xi32, #tpu.memory_space<hbm>>) dst(%arg13 : memref<4x128xi32, #tpu.memory_space<vmem>>)
        tpu.yield
      }) : () -> ()
      %dma_start3A = arith.constant 0 : i32
      %dma_start3A_22 = arith.constant 0 : i32
      %dma_start3A_23 = arith.constant 0 : i32
      %dma_start3A_24 = tpu.memref_slice %arg14[%dma_start3A_22, %dma_start3A_23] : memref<512x16xf32, #tpu.memory_space<vmem>> -> memref<128x16xf32, #tpu.memory_space<vmem>>
      %dma_start3A_25 = arith.constant 0 : i32
      %dma_start3A_26 = tpu.memref_slice %arg11[%dma_start3A, %dma_start3A_25] : memref<4x128xi32, #tpu.memory_space<vmem>> -> memref<1x128xi32, #tpu.memory_space<vmem>>
      %dma_start3A_27 = tpu.memref_squeeze %dma_start3A_26 : memref<1x128xi32, #tpu.memory_space<vmem>> -> memref<128xi32, #tpu.memory_space<vmem>>
      %dma_start3A_28 = arith.constant 0 : i32
      %dma_start3A_29 = arith.constant 0 : i32
      %dma_start3A_30 = tpu.memref_slice %arg2[%dma_start3A_28, %dma_start3A_29] : memref<100096x16xf32, #tpu.memory_space<hbm>> -> memref<100096x16xf32, #tpu.memory_space<hbm>>
      tpu.enqueue_indirect_dma source(%dma_start3A_30 : memref<100096x16xf32, #tpu.memory_space<hbm>>) target(%dma_start3A_24 : memref<128x16xf32, #tpu.memory_space<vmem>>) offsets(%dma_start3A_27 : memref<128xi32, #tpu.memory_space<vmem>>) semaphore(%arg16 : memref<!tpu.dma_semaphore, #tpu.memory_space<semaphore_mem>>)
      %dma_start3A_31 = arith.constant 0 : i32
      %dma_start3A_32 = arith.constant 0 : i32
      %dma_start3A_33 = arith.constant 0 : i32
      %dma_start3A_34 = tpu.memref_slice %arg15[%dma_start3A_32, %dma_start3A_33] : memref<512x16xf32, #tpu.memory_space<vmem>> -> memref<128x16xf32, #tpu.memory_space<vmem>>
      %dma_start3A_35 = arith.constant 0 : i32
      %dma_start3A_36 = tpu.memref_slice %arg12[%dma_start3A_31, %dma_start3A_35] : memref<4x128xi32, #tpu.memory_space<vmem>> -> memref<1x128xi32, #tpu.memory_space<vmem>>
      %dma_start3A_37 = tpu.memref_squeeze %dma_start3A_36 : memref<1x128xi32, #tpu.memory_space<vmem>> -> memref<128xi32, #tpu.memory_space<vmem>>
      %dma_start3A_38 = arith.constant 0 : i32
      %dma_start3A_39 = arith.constant 0 : i32
      %dma_start3A_40 = tpu.memref_slice %arg3[%dma_start3A_38, %dma_start3A_39] : memref<512x16xf32, #tpu.memory_space<hbm>> -> memref<512x16xf32, #tpu.memory_space<hbm>>
      tpu.enqueue_indirect_dma source(%dma_start3A_40 : memref<512x16xf32, #tpu.memory_space<hbm>>) target(%dma_start3A_34 : memref<128x16xf32, #tpu.memory_space<vmem>>) offsets(%dma_start3A_37 : memref<128xi32, #tpu.memory_space<vmem>>) semaphore(%arg16 : memref<!tpu.dma_semaphore, #tpu.memory_space<semaphore_mem>>)
      %dma_start3A_41 = arith.constant 1 : i32
      %dma_start3A_42 = arith.constant 128 : i32
      %dma_start3A_43 = arith.constant 0 : i32
      %dma_start3A_44 = tpu.memref_slice %arg14[%dma_start3A_42, %dma_start3A_43] : memref<512x16xf32, #tpu.memory_space<vmem>> -> memref<128x16xf32, #tpu.memory_space<vmem>>
      %dma_start3A_45 = arith.constant 0 : i32
      %dma_start3A_46 = tpu.memref_slice %arg11[%dma_start3A_41, %dma_start3A_45] : memref<4x128xi32, #tpu.memory_space<vmem>> -> memref<1x128xi32, #tpu.memory_space<vmem>>
      %dma_start3A_47 = tpu.memref_squeeze %dma_start3A_46 : memref<1x128xi32, #tpu.memory_space<vmem>> -> memref<128xi32, #tpu.memory_space<vmem>>
      %dma_start3A_48 = arith.constant 0 : i32
      %dma_start3A_49 = arith.constant 0 : i32
      %dma_start3A_50 = tpu.memref_slice %arg2[%dma_start3A_48, %dma_start3A_49] : memref<100096x16xf32, #tpu.memory_space<hbm>> -> memref<100096x16xf32, #tpu.memory_space<hbm>>
      tpu.enqueue_indirect_dma source(%dma_start3A_50 : memref<100096x16xf32, #tpu.memory_space<hbm>>) target(%dma_start3A_44 : memref<128x16xf32, #tpu.memory_space<vmem>>) offsets(%dma_start3A_47 : memref<128xi32, #tpu.memory_space<vmem>>) semaphore(%arg16 : memref<!tpu.dma_semaphore, #tpu.memory_space<semaphore_mem>>)
      %dma_start3A_51 = arith.constant 1 : i32
      %dma_start3A_52 = arith.constant 128 : i32
      %dma_start3A_53 = arith.constant 0 : i32
      %dma_start3A_54 = tpu.memref_slice %arg15[%dma_start3A_52, %dma_start3A_53] : memref<512x16xf32, #tpu.memory_space<vmem>> -> memref<128x16xf32, #tpu.memory_space<vmem>>
      %dma_start3A_55 = arith.constant 0 : i32
      %dma_start3A_56 = tpu.memref_slice %arg12[%dma_start3A_51, %dma_start3A_55] : memref<4x128xi32, #tpu.memory_space<vmem>> -> memref<1x128xi32, #tpu.memory_space<vmem>>
      %dma_start3A_57 = tpu.memref_squeeze %dma_start3A_56 : memref<1x128xi32, #tpu.memory_space<vmem>> -> memref<128xi32, #tpu.memory_space<vmem>>
      %dma_start3A_58 = arith.constant 0 : i32
      %dma_start3A_59 = arith.constant 0 : i32
      %dma_start3A_60 = tpu.memref_slice %arg3[%dma_start3A_58, %dma_start3A_59] : memref<512x16xf32, #tpu.memory_space<hbm>> -> memref<512x16xf32, #tpu.memory_space<hbm>>
      tpu.enqueue_indirect_dma source(%dma_start3A_60 : memref<512x16xf32, #tpu.memory_space<hbm>>) target(%dma_start3A_54 : memref<128x16xf32, #tpu.memory_space<vmem>>) offsets(%dma_start3A_57 : memref<128xi32, #tpu.memory_space<vmem>>) semaphore(%arg16 : memref<!tpu.dma_semaphore, #tpu.memory_space<semaphore_mem>>)
      %dma_start3A_61 = arith.constant 2 : i32
      %dma_start3A_62 = arith.constant 256 : i32
      %dma_start3A_63 = arith.constant 0 : i32
      %dma_start3A_64 = tpu.memref_slice %arg14[%dma_start3A_62, %dma_start3A_63] : memref<512x16xf32, #tpu.memory_space<vmem>> -> memref<128x16xf32, #tpu.memory_space<vmem>>
      %dma_start3A_65 = arith.constant 0 : i32
      %dma_start3A_66 = tpu.memref_slice %arg11[%dma_start3A_61, %dma_start3A_65] : memref<4x128xi32, #tpu.memory_space<vmem>> -> memref<1x128xi32, #tpu.memory_space<vmem>>
      %dma_start3A_67 = tpu.memref_squeeze %dma_start3A_66 : memref<1x128xi32, #tpu.memory_space<vmem>> -> memref<128xi32, #tpu.memory_space<vmem>>
      %dma_start3A_68 = arith.constant 0 : i32
      %dma_start3A_69 = arith.constant 0 : i32
      %dma_start3A_70 = tpu.memref_slice %arg2[%dma_start3A_68, %dma_start3A_69] : memref<100096x16xf32, #tpu.memory_space<hbm>> -> memref<100096x16xf32, #tpu.memory_space<hbm>>
      tpu.enqueue_indirect_dma source(%dma_start3A_70 : memref<100096x16xf32, #tpu.memory_space<hbm>>) target(%dma_start3A_64 : memref<128x16xf32, #tpu.memory_space<vmem>>) offsets(%dma_start3A_67 : memref<128xi32, #tpu.memory_space<vmem>>) semaphore(%arg16 : memref<!tpu.dma_semaphore, #tpu.memory_space<semaphore_mem>>)
      %dma_start3A_71 = arith.constant 2 : i32
      %dma_start3A_72 = arith.constant 256 : i32
      %dma_start3A_73 = arith.constant 0 : i32
      %dma_start3A_74 = tpu.memref_slice %arg15[%dma_start3A_72, %dma_start3A_73] : memref<512x16xf32, #tpu.memory_space<vmem>> -> memref<128x16xf32, #tpu.memory_space<vmem>>
      %dma_start3A_75 = arith.constant 0 : i32
      %dma_start3A_76 = tpu.memref_slice %arg12[%dma_start3A_71, %dma_start3A_75] : memref<4x128xi32, #tpu.memory_space<vmem>> -> memref<1x128xi32, #tpu.memory_space<vmem>>
      %dma_start3A_77 = tpu.memref_squeeze %dma_start3A_76 : memref<1x128xi32, #tpu.memory_space<vmem>> -> memref<128xi32, #tpu.memory_space<vmem>>
      %dma_start3A_78 = arith.constant 0 : i32
      %dma_start3A_79 = arith.constant 0 : i32
      %dma_start3A_80 = tpu.memref_slice %arg3[%dma_start3A_78, %dma_start3A_79] : memref<512x16xf32, #tpu.memory_space<hbm>> -> memref<512x16xf32, #tpu.memory_space<hbm>>
      tpu.enqueue_indirect_dma source(%dma_start3A_80 : memref<512x16xf32, #tpu.memory_space<hbm>>) target(%dma_start3A_74 : memref<128x16xf32, #tpu.memory_space<vmem>>) offsets(%dma_start3A_77 : memref<128xi32, #tpu.memory_space<vmem>>) semaphore(%arg16 : memref<!tpu.dma_semaphore, #tpu.memory_space<semaphore_mem>>)
      %dma_start3A_81 = arith.constant 3 : i32
      %dma_start3A_82 = arith.constant 384 : i32
      %dma_start3A_83 = arith.constant 0 : i32
      %dma_start3A_84 = tpu.memref_slice %arg14[%dma_start3A_82, %dma_start3A_83] : memref<512x16xf32, #tpu.memory_space<vmem>> -> memref<128x16xf32, #tpu.memory_space<vmem>>
      %dma_start3A_85 = arith.constant 0 : i32
      %dma_start3A_86 = tpu.memref_slice %arg11[%dma_start3A_81, %dma_start3A_85] : memref<4x128xi32, #tpu.memory_space<vmem>> -> memref<1x128xi32, #tpu.memory_space<vmem>>
      %dma_start3A_87 = tpu.memref_squeeze %dma_start3A_86 : memref<1x128xi32, #tpu.memory_space<vmem>> -> memref<128xi32, #tpu.memory_space<vmem>>
      %dma_start3A_88 = arith.constant 0 : i32
      %dma_start3A_89 = arith.constant 0 : i32
      %dma_start3A_90 = tpu.memref_slice %arg2[%dma_start3A_88, %dma_start3A_89] : memref<100096x16xf32, #tpu.memory_space<hbm>> -> memref<100096x16xf32, #tpu.memory_space<hbm>>
      tpu.enqueue_indirect_dma source(%dma_start3A_90 : memref<100096x16xf32, #tpu.memory_space<hbm>>) target(%dma_start3A_84 : memref<128x16xf32, #tpu.memory_space<vmem>>) offsets(%dma_start3A_87 : memref<128xi32, #tpu.memory_space<vmem>>) semaphore(%arg16 : memref<!tpu.dma_semaphore, #tpu.memory_space<semaphore_mem>>)
      %dma_start3A_91 = arith.constant 3 : i32
      %dma_start3A_92 = arith.constant 384 : i32
      %dma_start3A_93 = arith.constant 0 : i32
      %dma_start3A_94 = tpu.memref_slice %arg15[%dma_start3A_92, %dma_start3A_93] : memref<512x16xf32, #tpu.memory_space<vmem>> -> memref<128x16xf32, #tpu.memory_space<vmem>>
      %dma_start3A_95 = arith.constant 0 : i32
      %dma_start3A_96 = tpu.memref_slice %arg12[%dma_start3A_91, %dma_start3A_95] : memref<4x128xi32, #tpu.memory_space<vmem>> -> memref<1x128xi32, #tpu.memory_space<vmem>>
      %dma_start3A_97 = tpu.memref_squeeze %dma_start3A_96 : memref<1x128xi32, #tpu.memory_space<vmem>> -> memref<128xi32, #tpu.memory_space<vmem>>
      %dma_start3A_98 = arith.constant 0 : i32
      %dma_start3A_99 = arith.constant 0 : i32
      %dma_start3A_100 = tpu.memref_slice %arg3[%dma_start3A_98, %dma_start3A_99] : memref<512x16xf32, #tpu.memory_space<hbm>> -> memref<512x16xf32, #tpu.memory_space<hbm>>
      tpu.enqueue_indirect_dma source(%dma_start3A_100 : memref<512x16xf32, #tpu.memory_space<hbm>>) target(%dma_start3A_94 : memref<128x16xf32, #tpu.memory_space<vmem>>) offsets(%dma_start3A_97 : memref<128xi32, #tpu.memory_space<vmem>>) semaphore(%arg16 : memref<!tpu.dma_semaphore, #tpu.memory_space<semaphore_mem>>)
      %dma_wait3A = arith.constant 0 : i32
      %dma_wait3A_101 = arith.constant 0 : i32
      %dma_wait3A_102 = arith.constant 0 : i32
      %dma_wait3A_103 = tpu.memref_slice %arg14[%dma_wait3A_101, %dma_wait3A_102] : memref<512x16xf32, #tpu.memory_space<vmem>> -> memref<128x16xf32, #tpu.memory_space<vmem>>
      %dma_wait3A_104 = arith.constant 0 : i32
      %dma_wait3A_105 = tpu.memref_slice %arg11[%dma_wait3A, %dma_wait3A_104] : memref<4x128xi32, #tpu.memory_space<vmem>> -> memref<1x128xi32, #tpu.memory_space<vmem>>
      %dma_wait3A_106 = tpu.memref_squeeze %dma_wait3A_105 : memref<1x128xi32, #tpu.memory_space<vmem>> -> memref<128xi32, #tpu.memory_space<vmem>>
      %dma_wait3A_107 = arith.constant 0 : i32
      %dma_wait3A_108 = arith.constant 0 : i32
      %dma_wait3A_109 = tpu.memref_slice %arg2[%dma_wait3A_107, %dma_wait3A_108] : memref<100096x16xf32, #tpu.memory_space<hbm>> -> memref<100096x16xf32, #tpu.memory_space<hbm>>
      tpu.wait_indirect_dma semaphore(%arg16 : memref<!tpu.dma_semaphore, #tpu.memory_space<semaphore_mem>>) src(%dma_wait3A_109 : memref<100096x16xf32, #tpu.memory_space<hbm>>) dst(%dma_wait3A_103 : memref<128x16xf32, #tpu.memory_space<vmem>>)
      %dma_wait3A_110 = arith.constant 0 : i32
      %dma_wait3A_111 = arith.constant 0 : i32
      %dma_wait3A_112 = arith.constant 0 : i32
      %dma_wait3A_113 = tpu.memref_slice %arg15[%dma_wait3A_111, %dma_wait3A_112] : memref<512x16xf32, #tpu.memory_space<vmem>> -> memref<128x16xf32, #tpu.memory_space<vmem>>
      %dma_wait3A_114 = arith.constant 0 : i32
      %dma_wait3A_115 = tpu.memref_slice %arg12[%dma_wait3A_110, %dma_wait3A_114] : memref<4x128xi32, #tpu.memory_space<vmem>> -> memref<1x128xi32, #tpu.memory_space<vmem>>
      %dma_wait3A_116 = tpu.memref_squeeze %dma_wait3A_115 : memref<1x128xi32, #tpu.memory_space<vmem>> -> memref<128xi32, #tpu.memory_space<vmem>>
      %dma_wait3A_117 = arith.constant 0 : i32
      %dma_wait3A_118 = arith.constant 0 : i32
      %dma_wait3A_119 = tpu.memref_slice %arg3[%dma_wait3A_117, %dma_wait3A_118] : memref<512x16xf32, #tpu.memory_space<hbm>> -> memref<512x16xf32, #tpu.memory_space<hbm>>
      tpu.wait_indirect_dma semaphore(%arg16 : memref<!tpu.dma_semaphore, #tpu.memory_space<semaphore_mem>>) src(%dma_wait3A_119 : memref<512x16xf32, #tpu.memory_space<hbm>>) dst(%dma_wait3A_113 : memref<128x16xf32, #tpu.memory_space<vmem>>)
      %dma_wait3A_120 = arith.constant 1 : i32
      %dma_wait3A_121 = arith.constant 128 : i32
      %dma_wait3A_122 = arith.constant 0 : i32
      %dma_wait3A_123 = tpu.memref_slice %arg14[%dma_wait3A_121, %dma_wait3A_122] : memref<512x16xf32, #tpu.memory_space<vmem>> -> memref<128x16xf32, #tpu.memory_space<vmem>>
      %dma_wait3A_124 = arith.constant 0 : i32
      %dma_wait3A_125 = tpu.memref_slice %arg11[%dma_wait3A_120, %dma_wait3A_124] : memref<4x128xi32, #tpu.memory_space<vmem>> -> memref<1x128xi32, #tpu.memory_space<vmem>>
      %dma_wait3A_126 = tpu.memref_squeeze %dma_wait3A_125 : memref<1x128xi32, #tpu.memory_space<vmem>> -> memref<128xi32, #tpu.memory_space<vmem>>
      %dma_wait3A_127 = arith.constant 0 : i32
      %dma_wait3A_128 = arith.constant 0 : i32
      %dma_wait3A_129 = tpu.memref_slice %arg2[%dma_wait3A_127, %dma_wait3A_128] : memref<100096x16xf32, #tpu.memory_space<hbm>> -> memref<100096x16xf32, #tpu.memory_space<hbm>>
      tpu.wait_indirect_dma semaphore(%arg16 : memref<!tpu.dma_semaphore, #tpu.memory_space<semaphore_mem>>) src(%dma_wait3A_129 : memref<100096x16xf32, #tpu.memory_space<hbm>>) dst(%dma_wait3A_123 : memref<128x16xf32, #tpu.memory_space<vmem>>)
      %dma_wait3A_130 = arith.constant 1 : i32
      %dma_wait3A_131 = arith.constant 128 : i32
      %dma_wait3A_132 = arith.constant 0 : i32
      %dma_wait3A_133 = tpu.memref_slice %arg15[%dma_wait3A_131, %dma_wait3A_132] : memref<512x16xf32, #tpu.memory_space<vmem>> -> memref<128x16xf32, #tpu.memory_space<vmem>>
      %dma_wait3A_134 = arith.constant 0 : i32
      %dma_wait3A_135 = tpu.memref_slice %arg12[%dma_wait3A_130, %dma_wait3A_134] : memref<4x128xi32, #tpu.memory_space<vmem>> -> memref<1x128xi32, #tpu.memory_space<vmem>>
      %dma_wait3A_136 = tpu.memref_squeeze %dma_wait3A_135 : memref<1x128xi32, #tpu.memory_space<vmem>> -> memref<128xi32, #tpu.memory_space<vmem>>
      %dma_wait3A_137 = arith.constant 0 : i32
      %dma_wait3A_138 = arith.constant 0 : i32
      %dma_wait3A_139 = tpu.memref_slice %arg3[%dma_wait3A_137, %dma_wait3A_138] : memref<512x16xf32, #tpu.memory_space<hbm>> -> memref<512x16xf32, #tpu.memory_space<hbm>>
      tpu.wait_indirect_dma semaphore(%arg16 : memref<!tpu.dma_semaphore, #tpu.memory_space<semaphore_mem>>) src(%dma_wait3A_139 : memref<512x16xf32, #tpu.memory_space<hbm>>) dst(%dma_wait3A_133 : memref<128x16xf32, #tpu.memory_space<vmem>>)
      %dma_wait3A_140 = arith.constant 2 : i32
      %dma_wait3A_141 = arith.constant 256 : i32
      %dma_wait3A_142 = arith.constant 0 : i32
      %dma_wait3A_143 = tpu.memref_slice %arg14[%dma_wait3A_141, %dma_wait3A_142] : memref<512x16xf32, #tpu.memory_space<vmem>> -> memref<128x16xf32, #tpu.memory_space<vmem>>
      %dma_wait3A_144 = arith.constant 0 : i32
      %dma_wait3A_145 = tpu.memref_slice %arg11[%dma_wait3A_140, %dma_wait3A_144] : memref<4x128xi32, #tpu.memory_space<vmem>> -> memref<1x128xi32, #tpu.memory_space<vmem>>
      %dma_wait3A_146 = tpu.memref_squeeze %dma_wait3A_145 : memref<1x128xi32, #tpu.memory_space<vmem>> -> memref<128xi32, #tpu.memory_space<vmem>>
      %dma_wait3A_147 = arith.constant 0 : i32
      %dma_wait3A_148 = arith.constant 0 : i32
      %dma_wait3A_149 = tpu.memref_slice %arg2[%dma_wait3A_147, %dma_wait3A_148] : memref<100096x16xf32, #tpu.memory_space<hbm>> -> memref<100096x16xf32, #tpu.memory_space<hbm>>
      tpu.wait_indirect_dma semaphore(%arg16 : memref<!tpu.dma_semaphore, #tpu.memory_space<semaphore_mem>>) src(%dma_wait3A_149 : memref<100096x16xf32, #tpu.memory_space<hbm>>) dst(%dma_wait3A_143 : memref<128x16xf32, #tpu.memory_space<vmem>>)
      %dma_wait3A_150 = arith.constant 2 : i32
      %dma_wait3A_151 = arith.constant 256 : i32
      %dma_wait3A_152 = arith.constant 0 : i32
      %dma_wait3A_153 = tpu.memref_slice %arg15[%dma_wait3A_151, %dma_wait3A_152] : memref<512x16xf32, #tpu.memory_space<vmem>> -> memref<128x16xf32, #tpu.memory_space<vmem>>
      %dma_wait3A_154 = arith.constant 0 : i32
      %dma_wait3A_155 = tpu.memref_slice %arg12[%dma_wait3A_150, %dma_wait3A_154] : memref<4x128xi32, #tpu.memory_space<vmem>> -> memref<1x128xi32, #tpu.memory_space<vmem>>
      %dma_wait3A_156 = tpu.memref_squeeze %dma_wait3A_155 : memref<1x128xi32, #tpu.memory_space<vmem>> -> memref<128xi32, #tpu.memory_space<vmem>>
      %dma_wait3A_157 = arith.constant 0 : i32
      %dma_wait3A_158 = arith.constant 0 : i32
      %dma_wait3A_159 = tpu.memref_slice %arg3[%dma_wait3A_157, %dma_wait3A_158] : memref<512x16xf32, #tpu.memory_space<hbm>> -> memref<512x16xf32, #tpu.memory_space<hbm>>
      tpu.wait_indirect_dma semaphore(%arg16 : memref<!tpu.dma_semaphore, #tpu.memory_space<semaphore_mem>>) src(%dma_wait3A_159 : memref<512x16xf32, #tpu.memory_space<hbm>>) dst(%dma_wait3A_153 : memref<128x16xf32, #tpu.memory_space<vmem>>)
      %dma_wait3A_160 = arith.constant 3 : i32
      %dma_wait3A_161 = arith.constant 384 : i32
      %dma_wait3A_162 = arith.constant 0 : i32
      %dma_wait3A_163 = tpu.memref_slice %arg14[%dma_wait3A_161, %dma_wait3A_162] : memref<512x16xf32, #tpu.memory_space<vmem>> -> memref<128x16xf32, #tpu.memory_space<vmem>>
      %dma_wait3A_164 = arith.constant 0 : i32
      %dma_wait3A_165 = tpu.memref_slice %arg11[%dma_wait3A_160, %dma_wait3A_164] : memref<4x128xi32, #tpu.memory_space<vmem>> -> memref<1x128xi32, #tpu.memory_space<vmem>>
      %dma_wait3A_166 = tpu.memref_squeeze %dma_wait3A_165 : memref<1x128xi32, #tpu.memory_space<vmem>> -> memref<128xi32, #tpu.memory_space<vmem>>
      %dma_wait3A_167 = arith.constant 0 : i32
      %dma_wait3A_168 = arith.constant 0 : i32
      %dma_wait3A_169 = tpu.memref_slice %arg2[%dma_wait3A_167, %dma_wait3A_168] : memref<100096x16xf32, #tpu.memory_space<hbm>> -> memref<100096x16xf32, #tpu.memory_space<hbm>>
      tpu.wait_indirect_dma semaphore(%arg16 : memref<!tpu.dma_semaphore, #tpu.memory_space<semaphore_mem>>) src(%dma_wait3A_169 : memref<100096x16xf32, #tpu.memory_space<hbm>>) dst(%dma_wait3A_163 : memref<128x16xf32, #tpu.memory_space<vmem>>)
      %dma_wait3A_170 = arith.constant 3 : i32
      %dma_wait3A_171 = arith.constant 384 : i32
      %dma_wait3A_172 = arith.constant 0 : i32
      %dma_wait3A_173 = tpu.memref_slice %arg15[%dma_wait3A_171, %dma_wait3A_172] : memref<512x16xf32, #tpu.memory_space<vmem>> -> memref<128x16xf32, #tpu.memory_space<vmem>>
      %dma_wait3A_174 = arith.constant 0 : i32
      %dma_wait3A_175 = tpu.memref_slice %arg12[%dma_wait3A_170, %dma_wait3A_174] : memref<4x128xi32, #tpu.memory_space<vmem>> -> memref<1x128xi32, #tpu.memory_space<vmem>>
      %dma_wait3A_176 = tpu.memref_squeeze %dma_wait3A_175 : memref<1x128xi32, #tpu.memory_space<vmem>> -> memref<128xi32, #tpu.memory_space<vmem>>
      %dma_wait3A_177 = arith.constant 0 : i32
      %dma_wait3A_178 = arith.constant 0 : i32
      %dma_wait3A_179 = tpu.memref_slice %arg3[%dma_wait3A_177, %dma_wait3A_178] : memref<512x16xf32, #tpu.memory_space<hbm>> -> memref<512x16xf32, #tpu.memory_space<hbm>>
      tpu.wait_indirect_dma semaphore(%arg16 : memref<!tpu.dma_semaphore, #tpu.memory_space<semaphore_mem>>) src(%dma_wait3A_179 : memref<512x16xf32, #tpu.memory_space<hbm>>) dst(%dma_wait3A_173 : memref<128x16xf32, #tpu.memory_space<vmem>>)
      %scan3A_180 = arith.constant 0 : i32
      %scan3A_181 = arith.constant 0 : i32
      %scan3A_182 = arith.constant 64 : i32
      %scan3A_183 = arith.addi %scan3A_181, %scan3A_182 : i32
      %scan3A_184 = arith.constant 1 : i32
      scf.for %scan3A_189 = %scan3A_181 to %scan3A_183 step %scan3A_184  : i32 {
        %mul3A_190 = arith.constant 8 : i32
        %mul3A_191 = arith.muli %scan3A_189, %mul3A_190 : i32
        %add3A_192 = arith.constant 0 : i32
        %add3A_193 = arith.addi %mul3A_191, %add3A_192 : i32
        %get3A = arith.index_cast %add3A_193 : i32 to index
        %get3A_194 = arith.constant 0 : index
        %get3A_195 = tpu.vector_load %arg14[%get3A, %get3A_194] {strides = array<i32>} : memref<512x16xf32, #tpu.memory_space<vmem>>, vector<1x16xf32>,
        %get3A_196 = vector.shape_cast %get3A_195 : vector<1x16xf32> to vector<16xf32>
        %add3A_197 = arith.constant 0 : i32
        %add3A_198 = arith.addi %mul3A_191, %add3A_197 : i32
        %get3A_199 = arith.index_cast %add3A_198 : i32 to index
        %get3A_200 = arith.constant 0 : index
        %get3A_201 = tpu.vector_load %arg15[%get3A_199, %get3A_200] {strides = array<i32>} : memref<512x16xf32, #tpu.memory_space<vmem>>, vector<1x16xf32>,
        %get3A_202 = vector.shape_cast %get3A_201 : vector<1x16xf32> to vector<16xf32>
        %mul3A_203 = arith.mulf %get3A_196, %get3A_202 : vector<16xf32>
        %add3A_204 = arith.constant 0 : i32
        %add3A_205 = arith.addi %mul3A_191, %add3A_204 : i32
        %swap3A = arith.index_cast %add3A_205 : i32 to index
        %swap3A_206 = arith.constant 0 : index
        %swap3A_207 = tpu.vector_load %arg14[%swap3A, %swap3A_206] {strides = array<i32>} : memref<512x16xf32, #tpu.memory_space<vmem>>, vector<1x16xf32>,
        %swap3A_208 = vector.shape_cast %swap3A_207 : vector<1x16xf32> to vector<16xf32>
        %swap3A_209 = vector.shape_cast %mul3A_203 : vector<16xf32> to vector<1x16xf32>
        tpu.vector_store %arg14[%swap3A, %swap3A_206], %swap3A_209 {strides = array<i32>} : memref<512x16xf32, #tpu.memory_space<vmem>>, vector<1x16xf32>,
        %add3A_210 = arith.constant 1 : i32
        %add3A_211 = arith.addi %mul3A_191, %add3A_210 : i32
        %get3A_212 = arith.index_cast %add3A_211 : i32 to index
        %get3A_213 = arith.constant 0 : index
        %get3A_214 = tpu.vector_load %arg14[%get3A_212, %get3A_213] {strides = array<i32>} : memref<512x16xf32, #tpu.memory_space<vmem>>, vector<1x16xf32>,
        %get3A_215 = vector.shape_cast %get3A_214 : vector<1x16xf32> to vector<16xf32>
        %add3A_216 = arith.constant 1 : i32
        %add3A_217 = arith.addi %mul3A_191, %add3A_216 : i32
        %get3A_218 = arith.index_cast %add3A_217 : i32 to index
        %get3A_219 = arith.constant 0 : index
        %get3A_220 = tpu.vector_load %arg15[%get3A_218, %get3A_219] {strides = array<i32>} : memref<512x16xf32, #tpu.memory_space<vmem>>, vector<1x16xf32>,
        %get3A_221 = vector.shape_cast %get3A_220 : vector<1x16xf32> to vector<16xf32>
        %mul3A_222 = arith.mulf %get3A_215, %get3A_221 : vector<16xf32>
        %add3A_223 = arith.constant 1 : i32
        %add3A_224 = arith.addi %mul3A_191, %add3A_223 : i32
        %swap3A_225 = arith.index_cast %add3A_224 : i32 to index
        %swap3A_226 = arith.constant 0 : index
        %swap3A_227 = tpu.vector_load %arg14[%swap3A_225, %swap3A_226] {strides = array<i32>} : memref<512x16xf32, #tpu.memory_space<vmem>>, vector<1x16xf32>,
        %swap3A_228 = vector.shape_cast %swap3A_227 : vector<1x16xf32> to vector<16xf32>
        %swap3A_229 = vector.shape_cast %mul3A_222 : vector<16xf32> to vector<1x16xf32>
        tpu.vector_store %arg14[%swap3A_225, %swap3A_226], %swap3A_229 {strides = array<i32>} : memref<512x16xf32, #tpu.memory_space<vmem>>, vector<1x16xf32>,
        %add3A_230 = arith.constant 2 : i32
        %add3A_231 = arith.addi %mul3A_191, %add3A_230 : i32
        %get3A_232 = arith.index_cast %add3A_231 : i32 to index
        %get3A_233 = arith.constant 0 : index
        %get3A_234 = tpu.vector_load %arg14[%get3A_232, %get3A_233] {strides = array<i32>} : memref<512x16xf32, #tpu.memory_space<vmem>>, vector<1x16xf32>,
        %get3A_235 = vector.shape_cast %get3A_234 : vector<1x16xf32> to vector<16xf32>
        %add3A_236 = arith.constant 2 : i32
        %add3A_237 = arith.addi %mul3A_191, %add3A_236 : i32
        %get3A_238 = arith.index_cast %add3A_237 : i32 to index
        %get3A_239 = arith.constant 0 : index
        %get3A_240 = tpu.vector_load %arg15[%get3A_238, %get3A_239] {strides = array<i32>} : memref<512x16xf32, #tpu.memory_space<vmem>>, vector<1x16xf32>,
        %get3A_241 = vector.shape_cast %get3A_240 : vector<1x16xf32> to vector<16xf32>
        %mul3A_242 = arith.mulf %get3A_235, %get3A_241 : vector<16xf32>
        %add3A_243 = arith.constant 2 : i32
        %add3A_244 = arith.addi %mul3A_191, %add3A_243 : i32
        %swap3A_245 = arith.index_cast %add3A_244 : i32 to index
        %swap3A_246 = arith.constant 0 : index
        %swap3A_247 = tpu.vector_load %arg14[%swap3A_245, %swap3A_246] {strides = array<i32>} : memref<512x16xf32, #tpu.memory_space<vmem>>, vector<1x16xf32>,
        %swap3A_248 = vector.shape_cast %swap3A_247 : vector<1x16xf32> to vector<16xf32>
        %swap3A_249 = vector.shape_cast %mul3A_242 : vector<16xf32> to vector<1x16xf32>
        tpu.vector_store %arg14[%swap3A_245, %swap3A_246], %swap3A_249 {strides = array<i32>} : memref<512x16xf32, #tpu.memory_space<vmem>>, vector<1x16xf32>,
        %add3A_250 = arith.constant 3 : i32
        %add3A_251 = arith.addi %mul3A_191, %add3A_250 : i32
        %get3A_252 = arith.index_cast %add3A_251 : i32 to index
        %get3A_253 = arith.constant 0 : index
        %get3A_254 = tpu.vector_load %arg14[%get3A_252, %get3A_253] {strides = array<i32>} : memref<512x16xf32, #tpu.memory_space<vmem>>, vector<1x16xf32>,
        %get3A_255 = vector.shape_cast %get3A_254 : vector<1x16xf32> to vector<16xf32>
        %add3A_256 = arith.constant 3 : i32
        %add3A_257 = arith.addi %mul3A_191, %add3A_256 : i32
        %get3A_258 = arith.index_cast %add3A_257 : i32 to index
        %get3A_259 = arith.constant 0 : index
        %get3A_260 = tpu.vector_load %arg15[%get3A_258, %get3A_259] {strides = array<i32>} : memref<512x16xf32, #tpu.memory_space<vmem>>, vector<1x16xf32>,
        %get3A_261 = vector.shape_cast %get3A_260 : vector<1x16xf32> to vector<16xf32>
        %mul3A_262 = arith.mulf %get3A_255, %get3A_261 : vector<16xf32>
        %add3A_263 = arith.constant 3 : i32
        %add3A_264 = arith.addi %mul3A_191, %add3A_263 : i32
        %swap3A_265 = arith.index_cast %add3A_264 : i32 to index
        %swap3A_266 = arith.constant 0 : index
        %swap3A_267 = tpu.vector_load %arg14[%swap3A_265, %swap3A_266] {strides = array<i32>} : memref<512x16xf32, #tpu.memory_space<vmem>>, vector<1x16xf32>,
        %swap3A_268 = vector.shape_cast %swap3A_267 : vector<1x16xf32> to vector<16xf32>
        %swap3A_269 = vector.shape_cast %mul3A_262 : vector<16xf32> to vector<1x16xf32>
        tpu.vector_store %arg14[%swap3A_265, %swap3A_266], %swap3A_269 {strides = array<i32>} : memref<512x16xf32, #tpu.memory_space<vmem>>, vector<1x16xf32>,
        %add3A_270 = arith.constant 4 : i32
        %add3A_271 = arith.addi %mul3A_191, %add3A_270 : i32
        %get3A_272 = arith.index_cast %add3A_271 : i32 to index
        %get3A_273 = arith.constant 0 : index
        %get3A_274 = tpu.vector_load %arg14[%get3A_272, %get3A_273] {strides = array<i32>} : memref<512x16xf32, #tpu.memory_space<vmem>>, vector<1x16xf32>,
        %get3A_275 = vector.shape_cast %get3A_274 : vector<1x16xf32> to vector<16xf32>
        %add3A_276 = arith.constant 4 : i32
        %add3A_277 = arith.addi %mul3A_191, %add3A_276 : i32
        %get3A_278 = arith.index_cast %add3A_277 : i32 to index
        %get3A_279 = arith.constant 0 : index
        %get3A_280 = tpu.vector_load %arg15[%get3A_278, %get3A_279] {strides = array<i32>} : memref<512x16xf32, #tpu.memory_space<vmem>>, vector<1x16xf32>,
        %get3A_281 = vector.shape_cast %get3A_280 : vector<1x16xf32> to vector<16xf32>
        %mul3A_282 = arith.mulf %get3A_275, %get3A_281 : vector<16xf32>
        %add3A_283 = arith.constant 4 : i32
        %add3A_284 = arith.addi %mul3A_191, %add3A_283 : i32
        %swap3A_285 = arith.index_cast %add3A_284 : i32 to index
        %swap3A_286 = arith.constant 0 : index
        %swap3A_287 = tpu.vector_load %arg14[%swap3A_285, %swap3A_286] {strides = array<i32>} : memref<512x16xf32, #tpu.memory_space<vmem>>, vector<1x16xf32>,
        %swap3A_288 = vector.shape_cast %swap3A_287 : vector<1x16xf32> to vector<16xf32>
        %swap3A_289 = vector.shape_cast %mul3A_282 : vector<16xf32> to vector<1x16xf32>
        tpu.vector_store %arg14[%swap3A_285, %swap3A_286], %swap3A_289 {strides = array<i32>} : memref<512x16xf32, #tpu.memory_space<vmem>>, vector<1x16xf32>,
        %add3A_290 = arith.constant 5 : i32
        %add3A_291 = arith.addi %mul3A_191, %add3A_290 : i32
        %get3A_292 = arith.index_cast %add3A_291 : i32 to index
        %get3A_293 = arith.constant 0 : index
        %get3A_294 = tpu.vector_load %arg14[%get3A_292, %get3A_293] {strides = array<i32>} : memref<512x16xf32, #tpu.memory_space<vmem>>, vector<1x16xf32>,
        %get3A_295 = vector.shape_cast %get3A_294 : vector<1x16xf32> to vector<16xf32>
        %add3A_296 = arith.constant 5 : i32
        %add3A_297 = arith.addi %mul3A_191, %add3A_296 : i32
        %get3A_298 = arith.index_cast %add3A_297 : i32 to index
        %get3A_299 = arith.constant 0 : index
        %get3A_300 = tpu.vector_load %arg15[%get3A_298, %get3A_299] {strides = array<i32>} : memref<512x16xf32, #tpu.memory_space<vmem>>, vector<1x16xf32>,
        %get3A_301 = vector.shape_cast %get3A_300 : vector<1x16xf32> to vector<16xf32>
        %mul3A_302 = arith.mulf %get3A_295, %get3A_301 : vector<16xf32>
        %add3A_303 = arith.constant 5 : i32
        %add3A_304 = arith.addi %mul3A_191, %add3A_303 : i32
        %swap3A_305 = arith.index_cast %add3A_304 : i32 to index
        %swap3A_306 = arith.constant 0 : index
        %swap3A_307 = tpu.vector_load %arg14[%swap3A_305, %swap3A_306] {strides = array<i32>} : memref<512x16xf32, #tpu.memory_space<vmem>>, vector<1x16xf32>,
        %swap3A_308 = vector.shape_cast %swap3A_307 : vector<1x16xf32> to vector<16xf32>
        %swap3A_309 = vector.shape_cast %mul3A_302 : vector<16xf32> to vector<1x16xf32>
        tpu.vector_store %arg14[%swap3A_305, %swap3A_306], %swap3A_309 {strides = array<i32>} : memref<512x16xf32, #tpu.memory_space<vmem>>, vector<1x16xf32>,
        %add3A_310 = arith.constant 6 : i32
        %add3A_311 = arith.addi %mul3A_191, %add3A_310 : i32
        %get3A_312 = arith.index_cast %add3A_311 : i32 to index
        %get3A_313 = arith.constant 0 : index
        %get3A_314 = tpu.vector_load %arg14[%get3A_312, %get3A_313] {strides = array<i32>} : memref<512x16xf32, #tpu.memory_space<vmem>>, vector<1x16xf32>,
        %get3A_315 = vector.shape_cast %get3A_314 : vector<1x16xf32> to vector<16xf32>
        %add3A_316 = arith.constant 6 : i32
        %add3A_317 = arith.addi %mul3A_191, %add3A_316 : i32
        %get3A_318 = arith.index_cast %add3A_317 : i32 to index
        %get3A_319 = arith.constant 0 : index
        %get3A_320 = tpu.vector_load %arg15[%get3A_318, %get3A_319] {strides = array<i32>} : memref<512x16xf32, #tpu.memory_space<vmem>>, vector<1x16xf32>,
        %get3A_321 = vector.shape_cast %get3A_320 : vector<1x16xf32> to vector<16xf32>
        %mul3A_322 = arith.mulf %get3A_315, %get3A_321 : vector<16xf32>
        %add3A_323 = arith.constant 6 : i32
        %add3A_324 = arith.addi %mul3A_191, %add3A_323 : i32
        %swap3A_325 = arith.index_cast %add3A_324 : i32 to index
        %swap3A_326 = arith.constant 0 : index
        %swap3A_327 = tpu.vector_load %arg14[%swap3A_325, %swap3A_326] {strides = array<i32>} : memref<512x16xf32, #tpu.memory_space<vmem>>, vector<1x16xf32>,
        %swap3A_328 = vector.shape_cast %swap3A_327 : vector<1x16xf32> to vector<16xf32>
        %swap3A_329 = vector.shape_cast %mul3A_322 : vector<16xf32> to vector<1x16xf32>
        tpu.vector_store %arg14[%swap3A_325, %swap3A_326], %swap3A_329 {strides = array<i32>} : memref<512x16xf32, #tpu.memory_space<vmem>>, vector<1x16xf32>,
        %add3A_330 = arith.constant 7 : i32
        %add3A_331 = arith.addi %mul3A_191, %add3A_330 : i32
        %get3A_332 = arith.index_cast %add3A_331 : i32 to index
        %get3A_333 = arith.constant 0 : index
        %get3A_334 = tpu.vector_load %arg14[%get3A_332, %get3A_333] {strides = array<i32>} : memref<512x16xf32, #tpu.memory_space<vmem>>, vector<1x16xf32>,
        %get3A_335 = vector.shape_cast %get3A_334 : vector<1x16xf32> to vector<16xf32>
        %add3A_336 = arith.constant 7 : i32
        %add3A_337 = arith.addi %mul3A_191, %add3A_336 : i32
        %get3A_338 = arith.index_cast %add3A_337 : i32 to index
        %get3A_339 = arith.constant 0 : index
        %get3A_340 = tpu.vector_load %arg15[%get3A_338, %get3A_339] {strides = array<i32>} : memref<512x16xf32, #tpu.memory_space<vmem>>, vector<1x16xf32>,
        %get3A_341 = vector.shape_cast %get3A_340 : vector<1x16xf32> to vector<16xf32>
        %mul3A_342 = arith.mulf %get3A_335, %get3A_341 : vector<16xf32>
        %add3A_343 = arith.constant 7 : i32
        %add3A_344 = arith.addi %mul3A_191, %add3A_343 : i32
        %swap3A_345 = arith.index_cast %add3A_344 : i32 to index
        %swap3A_346 = arith.constant 0 : index
        %swap3A_347 = tpu.vector_load %arg14[%swap3A_345, %swap3A_346] {strides = array<i32>} : memref<512x16xf32, #tpu.memory_space<vmem>>, vector<1x16xf32>,
        %swap3A_348 = vector.shape_cast %swap3A_347 : vector<1x16xf32> to vector<16xf32>
        %swap3A_349 = vector.shape_cast %mul3A_342 : vector<16xf32> to vector<1x16xf32>
        tpu.vector_store %arg14[%swap3A_345, %swap3A_346], %swap3A_349 {strides = array<i32>} : memref<512x16xf32, #tpu.memory_space<vmem>>, vector<1x16xf32>,
      }
      %scan3A_185 = arith.constant 64 : i32
      %run_scoped3A = arith.constant 0 : i32
      "tpu.region"() ({
        %run_scoped3A_189 = tpu.sem_alloc : memref<!tpu.dma_semaphore, #tpu.memory_space<semaphore_mem>>
        %dma_start3A_190 = arith.constant 0 : i32
        %dma_start3A_191 = arith.constant 0 : i32
        %dma_start3A_192 = tpu.memref_slice %arg14[%dma_start3A_190, %dma_start3A_191] : memref<512x16xf32, #tpu.memory_space<vmem>> -> memref<128x16xf32, #tpu.memory_space<vmem>>
        %dma_start3A_193 = arith.constant 0 : i32
        %dma_start3A_194 = tpu.memref_slice %arg13[%run_scoped3A, %dma_start3A_193] : memref<4x128xi32, #tpu.memory_space<vmem>> -> memref<1x128xi32, #tpu.memory_space<vmem>>
        %dma_start3A_195 = tpu.memref_squeeze %dma_start3A_194 : memref<1x128xi32, #tpu.memory_space<vmem>> -> memref<128xi32, #tpu.memory_space<vmem>>
        %dma_start3A_196 = arith.constant 0 : i32
        %dma_start3A_197 = arith.constant 0 : i32
        %dma_start3A_198 = tpu.memref_slice %arg10[%dma_start3A_196, %dma_start3A_197] : memref<100096x16xf32, #tpu.memory_space<vmem_shared>> -> memref<100096x16xf32, #tpu.memory_space<vmem_shared>>
        tpu.enqueue_indirect_dma source(%dma_start3A_192 : memref<128x16xf32, #tpu.memory_space<vmem>>) target(%dma_start3A_198 : memref<100096x16xf32, #tpu.memory_space<vmem_shared>>) offsets(%dma_start3A_195 : memref<128xi32, #tpu.memory_space<vmem>>) semaphore(%run_scoped3A_189 : memref<!tpu.dma_semaphore, #tpu.memory_space<semaphore_mem>>) {add = true}
        %dma_wait3A_199 = arith.constant 0 : i32
        %dma_wait3A_200 = arith.constant 0 : i32
        %dma_wait3A_201 = tpu.memref_slice %arg14[%dma_wait3A_199, %dma_wait3A_200] : memref<512x16xf32, #tpu.memory_space<vmem>> -> memref<128x16xf32, #tpu.memory_space<vmem>>
        %dma_wait3A_202 = arith.constant 0 : i32
        %dma_wait3A_203 = tpu.memref_slice %arg13[%run_scoped3A, %dma_wait3A_202] : memref<4x128xi32, #tpu.memory_space<vmem>> -> memref<1x128xi32, #tpu.memory_space<vmem>>
        %dma_wait3A_204 = tpu.memref_squeeze %dma_wait3A_203 : memref<1x128xi32, #tpu.memory_space<vmem>> -> memref<128xi32, #tpu.memory_space<vmem>>
        %dma_wait3A_205 = arith.constant 0 : i32
        %dma_wait3A_206 = arith.constant 0 : i32
        %dma_wait3A_207 = tpu.memref_slice %arg10[%dma_wait3A_205, %dma_wait3A_206] : memref<100096x16xf32, #tpu.memory_space<vmem_shared>> -> memref<100096x16xf32, #tpu.memory_space<vmem_shared>>
        tpu.wait_indirect_dma semaphore(%run_scoped3A_189 : memref<!tpu.dma_semaphore, #tpu.memory_space<semaphore_mem>>) src(%dma_wait3A_201 : memref<128x16xf32, #tpu.memory_space<vmem>>) dst(%dma_wait3A_207 : memref<100096x16xf32, #tpu.memory_space<vmem_shared>>)
        tpu.yield
      }) : () -> ()
      %run_scoped3A_186 = arith.constant 1 : i32
      "tpu.region"() ({
        %run_scoped3A_189 = tpu.sem_alloc : memref<!tpu.dma_semaphore, #tpu.memory_space<semaphore_mem>>
        %dma_start3A_190 = arith.constant 128 : i32
        %dma_start3A_191 = arith.constant 0 : i32
        %dma_start3A_192 = tpu.memref_slice %arg14[%dma_start3A_190, %dma_start3A_191] : memref<512x16xf32, #tpu.memory_space<vmem>> -> memref<128x16xf32, #tpu.memory_space<vmem>>
        %dma_start3A_193 = arith.constant 0 : i32
        %dma_start3A_194 = tpu.memref_slice %arg13[%run_scoped3A_186, %dma_start3A_193] : memref<4x128xi32, #tpu.memory_space<vmem>> -> memref<1x128xi32, #tpu.memory_space<vmem>>
        %dma_start3A_195 = tpu.memref_squeeze %dma_start3A_194 : memref<1x128xi32, #tpu.memory_space<vmem>> -> memref<128xi32, #tpu.memory_space<vmem>>
        %dma_start3A_196 = arith.constant 0 : i32
        %dma_start3A_197 = arith.constant 0 : i32
        %dma_start3A_198 = tpu.memref_slice %arg10[%dma_start3A_196, %dma_start3A_197] : memref<100096x16xf32, #tpu.memory_space<vmem_shared>> -> memref<100096x16xf32, #tpu.memory_space<vmem_shared>>
        tpu.enqueue_indirect_dma source(%dma_start3A_192 : memref<128x16xf32, #tpu.memory_space<vmem>>) target(%dma_start3A_198 : memref<100096x16xf32, #tpu.memory_space<vmem_shared>>) offsets(%dma_start3A_195 : memref<128xi32, #tpu.memory_space<vmem>>) semaphore(%run_scoped3A_189 : memref<!tpu.dma_semaphore, #tpu.memory_space<semaphore_mem>>) {add = true}
        %dma_wait3A_199 = arith.constant 128 : i32
        %dma_wait3A_200 = arith.constant 0 : i32
        %dma_wait3A_201 = tpu.memref_slice %arg14[%dma_wait3A_199, %dma_wait3A_200] : memref<512x16xf32, #tpu.memory_space<vmem>> -> memref<128x16xf32, #tpu.memory_space<vmem>>
        %dma_wait3A_202 = arith.constant 0 : i32
        %dma_wait3A_203 = tpu.memref_slice %arg13[%run_scoped3A_186, %dma_wait3A_202] : memref<4x128xi32, #tpu.memory_space<vmem>> -> memref<1x128xi32, #tpu.memory_space<vmem>>
        %dma_wait3A_204 = tpu.memref_squeeze %dma_wait3A_203 : memref<1x128xi32, #tpu.memory_space<vmem>> -> memref<128xi32, #tpu.memory_space<vmem>>
        %dma_wait3A_205 = arith.constant 0 : i32
        %dma_wait3A_206 = arith.constant 0 : i32
        %dma_wait3A_207 = tpu.memref_slice %arg10[%dma_wait3A_205, %dma_wait3A_206] : memref<100096x16xf32, #tpu.memory_space<vmem_shared>> -> memref<100096x16xf32, #tpu.memory_space<vmem_shared>>
        tpu.wait_indirect_dma semaphore(%run_scoped3A_189 : memref<!tpu.dma_semaphore, #tpu.memory_space<semaphore_mem>>) src(%dma_wait3A_201 : memref<128x16xf32, #tpu.memory_space<vmem>>) dst(%dma_wait3A_207 : memref<100096x16xf32, #tpu.memory_space<vmem_shared>>)
        tpu.yield
      }) : () -> ()
      %run_scoped3A_187 = arith.constant 2 : i32
      "tpu.region"() ({
        %run_scoped3A_189 = tpu.sem_alloc : memref<!tpu.dma_semaphore, #tpu.memory_space<semaphore_mem>>
        %dma_start3A_190 = arith.constant 256 : i32
        %dma_start3A_191 = arith.constant 0 : i32
        %dma_start3A_192 = tpu.memref_slice %arg14[%dma_start3A_190, %dma_start3A_191] : memref<512x16xf32, #tpu.memory_space<vmem>> -> memref<128x16xf32, #tpu.memory_space<vmem>>
        %dma_start3A_193 = arith.constant 0 : i32
        %dma_start3A_194 = tpu.memref_slice %arg13[%run_scoped3A_187, %dma_start3A_193] : memref<4x128xi32, #tpu.memory_space<vmem>> -> memref<1x128xi32, #tpu.memory_space<vmem>>
        %dma_start3A_195 = tpu.memref_squeeze %dma_start3A_194 : memref<1x128xi32, #tpu.memory_space<vmem>> -> memref<128xi32, #tpu.memory_space<vmem>>
        %dma_start3A_196 = arith.constant 0 : i32
        %dma_start3A_197 = arith.constant 0 : i32
        %dma_start3A_198 = tpu.memref_slice %arg10[%dma_start3A_196, %dma_start3A_197] : memref<100096x16xf32, #tpu.memory_space<vmem_shared>> -> memref<100096x16xf32, #tpu.memory_space<vmem_shared>>
        tpu.enqueue_indirect_dma source(%dma_start3A_192 : memref<128x16xf32, #tpu.memory_space<vmem>>) target(%dma_start3A_198 : memref<100096x16xf32, #tpu.memory_space<vmem_shared>>) offsets(%dma_start3A_195 : memref<128xi32, #tpu.memory_space<vmem>>) semaphore(%run_scoped3A_189 : memref<!tpu.dma_semaphore, #tpu.memory_space<semaphore_mem>>) {add = true}
        %dma_wait3A_199 = arith.constant 256 : i32
        %dma_wait3A_200 = arith.constant 0 : i32
        %dma_wait3A_201 = tpu.memref_slice %arg14[%dma_wait3A_199, %dma_wait3A_200] : memref<512x16xf32, #tpu.memory_space<vmem>> -> memref<128x16xf32, #tpu.memory_space<vmem>>
        %dma_wait3A_202 = arith.constant 0 : i32
        %dma_wait3A_203 = tpu.memref_slice %arg13[%run_scoped3A_187, %dma_wait3A_202] : memref<4x128xi32, #tpu.memory_space<vmem>> -> memref<1x128xi32, #tpu.memory_space<vmem>>
        %dma_wait3A_204 = tpu.memref_squeeze %dma_wait3A_203 : memref<1x128xi32, #tpu.memory_space<vmem>> -> memref<128xi32, #tpu.memory_space<vmem>>
        %dma_wait3A_205 = arith.constant 0 : i32
        %dma_wait3A_206 = arith.constant 0 : i32
        %dma_wait3A_207 = tpu.memref_slice %arg10[%dma_wait3A_205, %dma_wait3A_206] : memref<100096x16xf32, #tpu.memory_space<vmem_shared>> -> memref<100096x16xf32, #tpu.memory_space<vmem_shared>>
        tpu.wait_indirect_dma semaphore(%run_scoped3A_189 : memref<!tpu.dma_semaphore, #tpu.memory_space<semaphore_mem>>) src(%dma_wait3A_201 : memref<128x16xf32, #tpu.memory_space<vmem>>) dst(%dma_wait3A_207 : memref<100096x16xf32, #tpu.memory_space<vmem_shared>>)
        tpu.yield
      }) : () -> ()
      %run_scoped3A_188 = arith.constant 3 : i32
      "tpu.region"() ({
        %run_scoped3A_189 = tpu.sem_alloc : memref<!tpu.dma_semaphore, #tpu.memory_space<semaphore_mem>>
        %dma_start3A_190 = arith.constant 384 : i32
        %dma_start3A_191 = arith.constant 0 : i32
        %dma_start3A_192 = tpu.memref_slice %arg14[%dma_start3A_190, %dma_start3A_191] : memref<512x16xf32, #tpu.memory_space<vmem>> -> memref<128x16xf32, #tpu.memory_space<vmem>>
        %dma_start3A_193 = arith.constant 0 : i32
        %dma_start3A_194 = tpu.memref_slice %arg13[%run_scoped3A_188, %dma_start3A_193] : memref<4x128xi32, #tpu.memory_space<vmem>> -> memref<1x128xi32, #tpu.memory_space<vmem>>
        %dma_start3A_195 = tpu.memref_squeeze %dma_start3A_194 : memref<1x128xi32, #tpu.memory_space<vmem>> -> memref<128xi32, #tpu.memory_space<vmem>>
        %dma_start3A_196 = arith.constant 0 : i32
        %dma_start3A_197 = arith.constant 0 : i32
        %dma_start3A_198 = tpu.memref_slice %arg10[%dma_start3A_196, %dma_start3A_197] : memref<100096x16xf32, #tpu.memory_space<vmem_shared>> -> memref<100096x16xf32, #tpu.memory_space<vmem_shared>>
        tpu.enqueue_indirect_dma source(%dma_start3A_192 : memref<128x16xf32, #tpu.memory_space<vmem>>) target(%dma_start3A_198 : memref<100096x16xf32, #tpu.memory_space<vmem_shared>>) offsets(%dma_start3A_195 : memref<128xi32, #tpu.memory_space<vmem>>) semaphore(%run_scoped3A_189 : memref<!tpu.dma_semaphore, #tpu.memory_space<semaphore_mem>>) {add = true}
        %dma_wait3A_199 = arith.constant 384 : i32
        %dma_wait3A_200 = arith.constant 0 : i32
        %dma_wait3A_201 = tpu.memref_slice %arg14[%dma_wait3A_199, %dma_wait3A_200] : memref<512x16xf32, #tpu.memory_space<vmem>> -> memref<128x16xf32, #tpu.memory_space<vmem>>
        %dma_wait3A_202 = arith.constant 0 : i32
        %dma_wait3A_203 = tpu.memref_slice %arg13[%run_scoped3A_188, %dma_wait3A_202] : memref<4x128xi32, #tpu.memory_space<vmem>> -> memref<1x128xi32, #tpu.memory_space<vmem>>
        %dma_wait3A_204 = tpu.memref_squeeze %dma_wait3A_203 : memref<1x128xi32, #tpu.memory_space<vmem>> -> memref<128xi32, #tpu.memory_space<vmem>>
        %dma_wait3A_205 = arith.constant 0 : i32
        %dma_wait3A_206 = arith.constant 0 : i32
        %dma_wait3A_207 = tpu.memref_slice %arg10[%dma_wait3A_205, %dma_wait3A_206] : memref<100096x16xf32, #tpu.memory_space<vmem_shared>> -> memref<100096x16xf32, #tpu.memory_space<vmem_shared>>
        tpu.wait_indirect_dma semaphore(%run_scoped3A_189 : memref<!tpu.dma_semaphore, #tpu.memory_space<semaphore_mem>>) src(%dma_wait3A_201 : memref<128x16xf32, #tpu.memory_space<vmem>>) dst(%dma_wait3A_207 : memref<100096x16xf32, #tpu.memory_space<vmem_shared>>)
        tpu.yield
      }) : () -> ()
    }
    %scan3A_7 = arith.constant 98 : i32
    %barrier3A_8 = arith.constant 0 : index
    tpu.barrier barrier_id(%barrier3A_8)
    %eq3A = arith.constant 0 : i32
    %eq3A_9 = arith.cmpi eq, %arg0, %eq3A : i32
    %convert_element_type3A = arith.extui %eq3A_9 : i1 to i32
    %cond3A = arith.constant 0 : i32
    %cond3A_10 = arith.cmpi ne, %convert_element_type3A, %cond3A : i32
    scf.if %cond3A_10 {
      %mul3A_16 = arith.constant 6256 : i32
      %mul3A_17 = arith.muli %arg1, %mul3A_16 : i32
      %mul3A_18 = arith.constant 6256 : i32
      %mul3A_19 = arith.muli %arg1, %mul3A_18 : i32
      "tpu.region"() ({
        %run_scoped3A = tpu.sem_alloc : memref<!tpu.dma_semaphore, #tpu.memory_space<semaphore_mem>>
        %dma_start3A = arith.constant 0 : i32
        %dma_start3A_20 = tpu.memref_slice %arg8[%mul3A_19, %dma_start3A] : memref<100096x16xf32, #tpu.memory_space<hbm>> -> memref<6256x16xf32, #tpu.memory_space<hbm>>
        %dma_start3A_21 = arith.constant 0 : i32
        %dma_start3A_22 = tpu.memref_slice %arg10[%mul3A_17, %dma_start3A_21] : memref<100096x16xf32, #tpu.memory_space<vmem_shared>> -> memref<6256x16xf32, #tpu.memory_space<vmem_shared>>
        tpu.enqueue_dma source(%dma_start3A_22 : memref<6256x16xf32, #tpu.memory_space<vmem_shared>>) target(%dma_start3A_20 : memref<6256x16xf32, #tpu.memory_space<hbm>>) target_semaphore(%run_scoped3A : memref<!tpu.dma_semaphore, #tpu.memory_space<semaphore_mem>>)
        %dma_wait3A = arith.constant 0 : i32
        %dma_wait3A_23 = tpu.memref_slice %arg8[%mul3A_19, %dma_wait3A] : memref<100096x16xf32, #tpu.memory_space<hbm>> -> memref<6256x16xf32, #tpu.memory_space<hbm>>
        %dma_wait3A_24 = arith.constant 0 : i32
        %dma_wait3A_25 = tpu.memref_slice %arg10[%mul3A_17, %dma_wait3A_24] : memref<100096x16xf32, #tpu.memory_space<vmem_shared>> -> memref<6256x16xf32, #tpu.memory_space<vmem_shared>>
        tpu.wait_dma2 semaphore(%run_scoped3A : memref<!tpu.dma_semaphore, #tpu.memory_space<semaphore_mem>>) src(%dma_wait3A_25 : memref<6256x16xf32, #tpu.memory_space<vmem_shared>>) dst(%dma_wait3A_23 : memref<6256x16xf32, #tpu.memory_space<hbm>>)
        tpu.yield
      }) : () -> ()
    } else {
    }
    %eq3A_11 = arith.constant 1 : i32
    %eq3A_12 = arith.cmpi eq, %arg0, %eq3A_11 : i32
    %convert_element_type3A_13 = arith.extui %eq3A_12 : i1 to i32
    %cond3A_14 = arith.constant 0 : i32
    %cond3A_15 = arith.cmpi ne, %convert_element_type3A_13, %cond3A_14 : i32
    scf.if %cond3A_15 {
      %mul3A_16 = arith.constant 6256 : i32
      %mul3A_17 = arith.muli %arg1, %mul3A_16 : i32
      %mul3A_18 = arith.constant 6256 : i32
      %mul3A_19 = arith.muli %arg1, %mul3A_18 : i32
      "tpu.region"() ({
        %run_scoped3A = tpu.sem_alloc : memref<!tpu.dma_semaphore, #tpu.memory_space<semaphore_mem>>
        %dma_start3A = arith.constant 0 : i32
        %dma_start3A_20 = tpu.memref_slice %arg9[%mul3A_19, %dma_start3A] : memref<100096x16xf32, #tpu.memory_space<hbm>> -> memref<6256x16xf32, #tpu.memory_space<hbm>>
        %dma_start3A_21 = arith.constant 0 : i32
        %dma_start3A_22 = tpu.memref_slice %arg10[%mul3A_17, %dma_start3A_21] : memref<100096x16xf32, #tpu.memory_space<vmem_shared>> -> memref<6256x16xf32, #tpu.memory_space<vmem_shared>>
        tpu.enqueue_dma source(%dma_start3A_22 : memref<6256x16xf32, #tpu.memory_space<vmem_shared>>) target(%dma_start3A_20 : memref<6256x16xf32, #tpu.memory_space<hbm>>) target_semaphore(%run_scoped3A : memref<!tpu.dma_semaphore, #tpu.memory_space<semaphore_mem>>)
        %dma_wait3A = arith.constant 0 : i32
        %dma_wait3A_23 = tpu.memref_slice %arg9[%mul3A_19, %dma_wait3A] : memref<100096x16xf32, #tpu.memory_space<hbm>> -> memref<6256x16xf32, #tpu.memory_space<hbm>>
        %dma_wait3A_24 = arith.constant 0 : i32
        %dma_wait3A_25 = tpu.memref_slice %arg10[%mul3A_17, %dma_wait3A_24] : memref<100096x16xf32, #tpu.memory_space<vmem_shared>> -> memref<6256x16xf32, #tpu.memory_space<vmem_shared>>
        tpu.wait_dma2 semaphore(%run_scoped3A : memref<!tpu.dma_semaphore, #tpu.memory_space<semaphore_mem>>) src(%dma_wait3A_25 : memref<6256x16xf32, #tpu.memory_space<vmem_shared>>) dst(%dma_wait3A_23 : memref<6256x16xf32, #tpu.memory_space<hbm>>)
        tpu.yield
      }) : () -> ()
    } else {
    }
    return
  }
}

module attributes {stable_mosaic.version = 14 : i64} {
  func.func @_r_body(%arg0: memref<256x16xf32, #tpu.memory_space<vmem>>, %arg1: memref<512x256xf32, #tpu.memory_space<vmem>>, %arg2: memref<512x1xf32, #tpu.memory_space<vmem>>, %arg3: memref<512x256xf32, #tpu.memory_space<vmem>>, %arg4: memref<512x1xf32, #tpu.memory_space<vmem>>, %arg5: memref<512x256xf32, #tpu.memory_space<vmem>>, %arg6: memref<512x1xf32, #tpu.memory_space<vmem>>, %arg7: memref<512x16xf32, #tpu.memory_space<vmem>>, %arg8: memref<512x16xf32, #tpu.memory_space<vmem>>, %arg9: memref<512x16xf32, #tpu.memory_space<vmem>>) attributes {dimension_semantics = [], scalar_prefetch = 0 : i64, scratch_operands = 0 : i64, tpu.core_type = #tpu.core_type<tc>} {
    %get3A = arith.constant 0 : index
    %get3A_0 = arith.constant 0 : index
    %get3A_1 = vector.load %arg0[%get3A, %get3A_0] : memref<256x16xf32, #tpu.memory_space<vmem>>, vector<256x16xf32>
    %get3A_2 = arith.constant 0 : index
    %get3A_3 = arith.constant 0 : index
    %get3A_4 = vector.load %arg1[%get3A_2, %get3A_3] : memref<512x256xf32, #tpu.memory_space<vmem>>, vector<512x256xf32>
    %dot_general3A = arith.constant dense<0.000000e+00> : vector<512x16xf32>
    %dot_general3A_5 = tpu.matmul %get3A_4, %get3A_1, %dot_general3A {dimension_numbers = #tpu.dot_dimension_numbers<[1], [0], [0], [1], [0, 0, 1, 1], [], []>, transpose_lhs_hint = false} : vector<512x256xf32>, vector<256x16xf32>, vector<512x16xf32> -> vector<512x16xf32>
    %get3A_6 = arith.constant 0 : index
    %get3A_7 = arith.constant 0 : index
    %get3A_8 = vector.load %arg2[%get3A_6, %get3A_7] : memref<512x1xf32, #tpu.memory_space<vmem>>, vector<512x1xf32>
    %add3A = vector.broadcast %get3A_8 : vector<512x1xf32> to vector<512x16xf32>
    %add3A_9 = arith.addf %dot_general3A_5, %add3A : vector<512x16xf32>
    %swap3A = arith.constant 0 : index
    %swap3A_10 = arith.constant 0 : index
    %swap3A_11 = vector.load %arg7[%swap3A, %swap3A_10] : memref<512x16xf32, #tpu.memory_space<vmem>>, vector<512x16xf32>
    tpu.vector_store %arg7[%swap3A, %swap3A_10], %add3A_9 {strides = array<i32>} : memref<512x16xf32, #tpu.memory_space<vmem>>, vector<512x16xf32>,
    %get3A_12 = arith.constant 0 : index
    %get3A_13 = arith.constant 0 : index
    %get3A_14 = vector.load %arg3[%get3A_12, %get3A_13] : memref<512x256xf32, #tpu.memory_space<vmem>>, vector<512x256xf32>
    %dot_general3A_15 = arith.constant dense<0.000000e+00> : vector<512x16xf32>
    %dot_general3A_16 = tpu.matmul %get3A_14, %get3A_1, %dot_general3A_15 {dimension_numbers = #tpu.dot_dimension_numbers<[1], [0], [0], [1], [0, 0, 1, 1], [], []>, transpose_lhs_hint = false} : vector<512x256xf32>, vector<256x16xf32>, vector<512x16xf32> -> vector<512x16xf32>
    %get3A_17 = arith.constant 0 : index
    %get3A_18 = arith.constant 0 : index
    %get3A_19 = vector.load %arg4[%get3A_17, %get3A_18] : memref<512x1xf32, #tpu.memory_space<vmem>>, vector<512x1xf32>
    %add3A_20 = vector.broadcast %get3A_19 : vector<512x1xf32> to vector<512x16xf32>
    %add3A_21 = arith.addf %dot_general3A_16, %add3A_20 : vector<512x16xf32>
    %swap3A_22 = arith.constant 0 : index
    %swap3A_23 = arith.constant 0 : index
    %swap3A_24 = vector.load %arg8[%swap3A_22, %swap3A_23] : memref<512x16xf32, #tpu.memory_space<vmem>>, vector<512x16xf32>
    tpu.vector_store %arg8[%swap3A_22, %swap3A_23], %add3A_21 {strides = array<i32>} : memref<512x16xf32, #tpu.memory_space<vmem>>, vector<512x16xf32>,
    %get3A_25 = arith.constant 0 : index
    %get3A_26 = arith.constant 0 : index
    %get3A_27 = vector.load %arg5[%get3A_25, %get3A_26] : memref<512x256xf32, #tpu.memory_space<vmem>>, vector<512x256xf32>
    %dot_general3A_28 = arith.constant dense<0.000000e+00> : vector<512x16xf32>
    %dot_general3A_29 = tpu.matmul %get3A_27, %get3A_1, %dot_general3A_28 {dimension_numbers = #tpu.dot_dimension_numbers<[1], [0], [0], [1], [0, 0, 1, 1], [], []>, transpose_lhs_hint = false} : vector<512x256xf32>, vector<256x16xf32>, vector<512x16xf32> -> vector<512x16xf32>
    %get3A_30 = arith.constant 0 : index
    %get3A_31 = arith.constant 0 : index
    %get3A_32 = vector.load %arg6[%get3A_30, %get3A_31] : memref<512x1xf32, #tpu.memory_space<vmem>>, vector<512x1xf32>
    %add3A_33 = vector.broadcast %get3A_32 : vector<512x1xf32> to vector<512x16xf32>
    %add3A_34 = arith.addf %dot_general3A_29, %add3A_33 : vector<512x16xf32>
    %swap3A_35 = arith.constant 0 : index
    %swap3A_36 = arith.constant 0 : index
    %swap3A_37 = vector.load %arg9[%swap3A_35, %swap3A_36] : memref<512x16xf32, #tpu.memory_space<vmem>>, vector<512x16xf32>
    tpu.vector_store %arg9[%swap3A_35, %swap3A_36], %add3A_34 {strides = array<i32>} : memref<512x16xf32, #tpu.memory_space<vmem>>, vector<512x16xf32>,
    return
  }
}

module attributes {stable_mosaic.version = 14 : i64} {
  func.func @_add_body(%arg0: memref<12512x128xf32, #tpu.memory_space<vmem>>, %arg1: memref<12512x128xf32, #tpu.memory_space<vmem>>, %arg2: memref<12512x128xf32, #tpu.memory_space<vmem>>) attributes {dimension_semantics = [], scalar_prefetch = 0 : i64, scratch_operands = 0 : i64, tpu.core_type = #tpu.core_type<tc>} {
    %get3A = arith.constant 0 : index
    %get3A_0 = arith.constant 0 : index
    %get3A_1 = vector.load %arg0[%get3A, %get3A_0] : memref<12512x128xf32, #tpu.memory_space<vmem>>, vector<12512x128xf32>
    %get3A_2 = arith.constant 0 : index
    %get3A_3 = arith.constant 0 : index
    %get3A_4 = vector.load %arg1[%get3A_2, %get3A_3] : memref<12512x128xf32, #tpu.memory_space<vmem>>, vector<12512x128xf32>
    %add3A = arith.addf %get3A_1, %get3A_4 : vector<12512x128xf32>
    %swap3A = arith.constant 0 : index
    %swap3A_5 = arith.constant 0 : index
    %swap3A_6 = vector.load %arg2[%swap3A, %swap3A_5] : memref<12512x128xf32, #tpu.memory_space<vmem>>, vector<12512x128xf32>
    tpu.vector_store %arg2[%swap3A, %swap3A_5], %add3A {strides = array<i32>} : memref<12512x128xf32, #tpu.memory_space<vmem>>, vector<12512x128xf32>,
    return
  }
}

</mosaic_0001>

<sc_bundles>
// kernel: branch_1_fun.11.cloned.1.call-start
scs
__scs_entry_jumppad:
0x0: {  	(pc) =	sbr.rel $0x88, $3  }
0x1: {  	(tag) =	ssettag $0x0;
	lr =	simm.s32 $0x1  }
0x2: {  	[smem:$0x3F95] =	sst lr;
	_ =	strace $0xD0000000  }
0x3: {  	_ = 	snop  }
0x4: {  	_ = 	snop  }
0x5: {  	_ = 	snop  }
0x6: {  	_ = 	snop  }
0x7: {  	_ = 	snop  }
__scs_overlays_trampoline_lowered:
0x8: {  	[smem:$0x3FA4] =	sst s0  }
0x9: {  	[smem:$0x3FA5] =	sst s1  }
0xa: {  	[smem:$0x3FA6] =	sst s2  }
0xb: {  	[smem:$0x3FA7] =	sst s3  }
0xc: {  	[smem:$0x3FA8] =	sst s4  }
0xd: {  	[smem:$0x3FA9] =	sst s5  }
0xe: {  	[smem:$0x3FAA] =	sst s6  }
0xf: {  	[smem:$0x3FAB] =	sst s7  }
0x10: {  	[smem:$0x3FAC] =	sst s8  }
0x11: {  	[smem:$0x3FAD] =	sst s9;
	s0 =	simm.s32 @!p0 $0x0  }
0x12: {  	s1 =	sld [smem:$0x3F93];
	s0 =	simm.s32 @p0 $0x1  }
0x13: {  	[smem:$0x3FAE] =	sst s0;
	s0 =	simm.s32 @!p1 $0x0  }
0x14: {  	s2 =	sld [smem:$0x3F92];
	s0 =	simm.s32 @p1 $0x1  }
0x15: {  	[smem:$0x3FAF] =	sst s0;
	s0 =	simm.s32 @!p2 $0x0  }
0x16: {  	s3 =	sld [smem:$0x3FDB];
	s0 =	simm.s32 @p2 $0x1  }
0x17: {  	s4 =	simm.s32 $0x1BF5;
	[smem:$0x3FB1] =	sst s0  }
0x18: {  	s0 =	sld [smem:$0x3F94];
	_ =	swait.ge [sflag:s4], $0x0  }
0x19: {  	s7 =	sld [smem:$0x3F95]  }
0x1a: {  	s8 =	sadd.s32 $0xFFFFE003, lr  }
0x1b: {  	s9 =	sadd.s32 $0xFFFFFEF7, lr;
	s5 =	simm.s32 $0xFFFFFFFF;
	p2 =	slt.u32 s8, $0xFFFFF086  }
0x1c: {  	p1 =	slt.u32 s9, $0xF7A;
	s5 =	simm.s32 @!p2 $0x0  }
0x1d: {  	s5 =	simm.s32 @p1 $0x1;
	p0 =	seq.s32 s7, s2  }
0x1e: {  	s7 =	smul.u32 @!p0 $0xF7A, s2;
	p2 =	seq.s32 @!p0 s5, $0x0  }
0x1f: {  	s9 =	smul.u32 $0xF7A, s1;
	s8 =	simm.s32 @!p0 $0x1BF5;
	p2 =	por !p2, p0  }
0x20: {  	[sflag:s8] =	ssyncset.s32 @!p0 $0xFFFFF086;
	s6 =	sadd.s32 @!p0 s3, s7;
	s7 =	simm.s32 @!p0 $0x108  }
0x21: {  	s3 =	sadd.s32 s3, s9;
	s6 =	sadd.s32 @!p0 $0x88, s6;
	s7 =	simm.s32 @p2 $0x1082  }
0x22: {  	[simem:s7], [sflag:s8] =	dma.local @!p0 [hbm:s6], $0xF7A  }
0x23: {  	s9 =	sor.u32 $0xD0000000, s2;
	s6 =	simm.s32 $0x108;
	_ =	swait.ge @!p0 [sflag:s8], $0x0  }
0x24: {  	s3 =	sadd.s32 $0x88, s3;
	s6 =	simm.s32 @!p1 $0x1082;
	[sflag:s4] =	ssyncset.s32 $0xFFFFF086  }
0x25: {  	[simem:s6], [sflag:s4] =	dma.local [hbm:s3], $0xF7A  }
0x26: {  	[smem:$0x3F95] =	sst s1;
	(tag) =	ssettag s2;
	_ =	strace s9  }
0x27: {  	s1 =	sld [smem:$0x3FA5]  }
0x28: {  	s2 =	sld [smem:$0x3FA6]  }
0x29: {  	s4 =	sld [smem:$0x3FA8]  }
0x2a: {  	p0 =	seq.s32 s5, $0x0;
	s5 =	sld [smem:$0x3FA9]  }
0x2b: {  	s6 =	sld [smem:$0x3FAA]  }
0x2c: {  	s7 =	sld [smem:$0x3FAB]  }
0x2d: {  	s3 =	simm.s32 $0x108;
	s8 =	sld [smem:$0x3FAC]  }
0x2e: {  	s3 =	simm.s32 @!p0 $0x1082;
	s9 =	sld [smem:$0x3FAD]  }
0x2f: {  	lr =	sadd.s32 s0, s3;
	s0 =	sld [smem:$0x3FA4]  }
0x30: {  	s3 =	sld [smem:$0x3FA7]  }
0x31: {  	[smem:$0x3FB0] =	sst s10  }
0x32: {  	s10 =	sld [smem:$0x3FAE];
	_ =	sdelay $0x3  }
0x33: {  	p0 =	seq.s32 s10, $0x1;
	s10 =	sld [smem:$0x3FB0];
	_ =	sdelay $0x3  }
0x34: {  	[smem:$0x3FB0] =	sst s10  }
0x35: {  	s10 =	sld [smem:$0x3FAF];
	_ =	sdelay $0x3  }
0x36: {  	p1 =	seq.s32 s10, $0x1;
	s10 =	sld [smem:$0x3FB0];
	_ =	sdelay $0x3  }
0x37: {  	[smem:$0x3FB0] =	sst s10  }
0x38: {  	s10 =	sld [smem:$0x3FB1]  }
0x39: {  	_ = 	snop;
	(pc) =	sbr.ind lr, $3  }
0x3a: {  	_ = 	snop  }
0x3b: {  	_ = 	snop  }
0x3c: {  	p2 =	seq.s32 s10, $0x1;
	s10 =	sld [smem:$0x3FB0]  }
0x3d: {  	_ =	shalt  }
0x3e: {  	_ =	shalt  }
0x3f: {  	_ =	shalt  }
0x40: {  	_ =	shalt  }
0x41: {  	_ =	shalt  }
0x42: {  	_ =	shalt  }
0x43: {  	_ =	shalt  }
0x44: {  	_ =	shalt  }
0x45: {  	_ =	shalt  }
0x46: {  	_ =	shalt  }
0x47: {  	_ =	shalt  }
0x48: {  	_ =	shalt  }
0x49: {  	_ =	shalt  }
0x4a: {  	_ =	shalt  }
0x4b: {  	_ =	shalt  }
0x4c: {  	_ =	shalt  }
0x4d: {  	_ =	shalt  }
0x4e: {  	_ =	shalt  }
0x4f: {  	_ =	shalt  }
0x50: {  	_ =	shalt  }
0x51: {  	_ =	shalt  }
0x52: {  	_ =	shalt  }
0x53: {  	_ =	shalt  }
0x54: {  	_ =	shalt  }
0x55: {  	_ =	shalt  }
0x56: {  	_ =	shalt  }
0x57: {  	_ =	shalt  }
0x58: {  	_ =	shalt  }
0x59: {  	_ =	shalt  }
0x5a: {  	_ =	shalt  }
0x5b: {  	_ =	shalt  }
0x5c: {  	_ =	shalt  }
0x5d: {  	_ =	shalt  }
0x5e: {  	_ =	shalt  }
0x5f: {  	_ =	shalt  }
0x60: {  	_ =	shalt  }
0x61: {  	_ =	shalt  }
0x62: {  	_ =	shalt  }
0x63: {  	_ =	shalt  }
0x64: {  	_ =	shalt  }
0x65: {  	_ =	shalt  }
0x66: {  	_ =	shalt  }
0x67: {  	_ =	shalt  }
0x68: {  	_ =	shalt  }
0x69: {  	_ =	shalt  }
0x6a: {  	_ =	shalt  }
0x6b: {  	_ =	shalt  }
0x6c: {  	_ =	shalt  }
0x6d: {  	_ =	shalt  }
0x6e: {  	_ =	shalt  }
0x6f: {  	_ =	shalt  }
0x70: {  	_ =	shalt  }
0x71: {  	_ =	shalt  }
0x72: {  	_ =	shalt  }
0x73: {  	_ =	shalt  }
0x74: {  	_ =	shalt  }
0x75: {  	_ =	shalt  }
0x76: {  	_ =	shalt  }
0x77: {  	_ =	shalt  }
0x78: {  	_ =	shalt  }
0x79: {  	_ =	shalt  }
0x7a: {  	_ =	shalt  }
0x7b: {  	_ =	shalt  }
0x7c: {  	_ =	shalt  }
0x7d: {  	_ =	shalt  }
0x7e: {  	_ =	shalt  }
0x7f: {  	_ =	shalt  }
0x80: {  	_ =	shalt  }
0x81: {  	_ =	shalt  }
0x82: {  	_ =	shalt  }
0x83: {  	_ =	shalt  }
0x84: {  	_ =	shalt  }
0x85: {  	_ =	shalt  }
0x86: {  	_ =	shalt  }
0x87: {  	_ =	shalt  }
.Lfunc_end0:
.L_simem_size_0:
called_computation.1_lowered:
.L_overlay_start_0:
0x88: {  	s2 =	sld [smem:$0x3FD9]  }
0x89: {  	s3 =	sld [smem:$0x3FFE];
	_ =	sdelay $0x1  }
0x8a: {  	s1 =	srdreg.scid  }
0x8b: {  	s0 =	sand.u32 $0x1, s1  }
0x8c: {  	s17 =	sshll.u32 s0, $0xA;
	s2 =	sadd.s32 s3, s2  }
0x8d: {  	s2 =	sadd.s32 s2, s17  }
0x8e: {  	[smem:$0x3FBC] =	sst s2  }
0x8f: {  	_ = 	snop  }
0x90: {  	s2 =	sld [smem:$0x3FD0];
	(tm) =	ssettm $0x1  }
0x91: {  	s18 =	sld [smem:$0x3FFB];
	_ =	sdelay $0x3  }
0x92: {  	_ =	strace s18  }
0x93: {  	s3 =	sld [smem:$0x3FFC];
	_ =	sdelay $0x3  }
0x94: {  	_ =	strace s3  }
0x95: {  	s3 =	sld [smem:$0x3FFD];
	_ =	sdelay $0x3  }
0x96: {  	_ =	strace s3  }
0x97: {  	_ =	strace $0x8FFFFFFF  }
0x98: {  	s19 =	sld [smem:$0x3FDB];
	_ =	sdelay $0x1  }
0x99: {  	s4 =	simm.s32 $_scs_section_size  }
0x9a: {  	s5 =	simm.s32 $_size__tile_overlayer_lowered;
	s6 =	simm.s32 $_tile_overlayer_lowered  }
0x9b: {  	s22 =	simm.s32 $0x1BFF;
	s21 =	sshll.u32 s6, $0x1;
	s3 =	sadd.s32 s4, s19  }
0x9c: {  	s7 =	simm.s32 $0x0;
	s20 =	sshll.u32 s5, $0x1;
	s5 =	sadd.s32 s21, s3  }
0x9d: {  	[timem:s7], [sflag:s22] =	dma.local [hbm:s5], s20  }
0x9e: {  	_ =	swait.ge [sflag:s22], s20  }
0x9f: {  	s4 =	ssub.s32 $0x0, s20;
	[sflag:s22] =	ssyncset.done $0x0  }
0xa0: {  	[sflag:s22] =	ssyncadd.s32 s4;
	_ =	sdelay $0x1  }
0xa1: {  	s23 =	simm.s32 $0x1B8B  }
0xa2: {  	_ =	swait.ge [sflag:s23], $0x1  }
0xa3: {  	[sflag:s23] =	ssyncset.done $0x0  }
0xa4: {  	s25 =	simm.s32 $0x1B8E;
	s24 =	sld [smem:$0x3FFE];
	[sflag:s23] =	ssyncadd.s32 $0xFFFFFFFF  }
0xa5: {  	s26 =	simm.s32 $execute0_lowered;
	[smem:$0x3FD2] =	sst s25  }
0xa6: {  	s5 =	sshll.u32 s26, $0x1;
	_ =	strace $0x80000049;
	[dreg:$0x1] =	wrdreg $0xFFFFFFFF  }
0xa7: {  	s28 =	simm.s32 $_size_execute0_lowered;
	s3 =	sadd.s32 s3, s5;
	[dreg:$0x0] =	wrdreg $0x0  }
0xa8: {  	s5 =	sshll.u32 s28, $0x1;
	[dreg:$0x2] =	wrdreg s3  }
0xa9: {  	[dreg:$0x3] =	wrdreg s5  }
0xaa: {  	[dreg:$0x4] =	wrdreg $0xC0  }
0xab: {  	_ =	task [dreg:s7], $0x5FFFF  }
0xac: {  	[dreg:$0x1] =	wrdreg $0xFFFFFFFF  }
0xad: {  	[dreg:$0x0] =	wrdreg $0x60  }
0xae: {  	[dreg:$0x2] =	wrdreg s24  }
0xaf: {  	[dreg:$0x3] =	wrdreg s2  }
0xb0: {  	[dreg:$0x4] =	wrdreg $0x0  }
0xb1: {  	[dreg:$0x5] =	wrdreg $0x9  }
0xb2: {  	_ =	task.clear_ibuf [dreg:s7], $0x6FFFF;
	_ =	strace $0x90000049  }
0xb3: {  	s29 =	simm.s32 $0x9;
	_ =	strace $0x8000004B  }
0xb4: {  	_ =	swait.ge [sflag:s29], $0x1  }
0xb5: {  	[sflag:s29] =	ssyncadd.s32 $0xFFFFFFFF  }
0xb6: {  	_ =	strace $0x9000004B  }
0xb7: {  	_ =	sfence  }
0xb8: {  	s30 =	sld [smem:$0x0];
	_ =	sdelay $0x2  }
0xb9: {  	s31 =	sshll.u32 s1, $0xD;
	s1 =	sshrl.u32 s1, $0x2  }
0xba: {  	s3 =	sand.u32 $0x4000, s31;
	s1 =	sadd.s32 s1, s30  }
0xbb: {  	s0 =	sor.u32 s3, s0;
	s1 =	sshll.u32 s1, $0x11  }
0xbc: {  	s0 =	sor.u32 s1, s0  }
0xbd: {  	s0 =	sadd.s32 $0x8F2B, s0  }
0xbe: {  	[sflag:s0] =	ssyncadd.remote.s32 $0x1  }
0xbf: {  	_ =	sfence.sel $0xFFFF  }
0xc0: {  	[dreg:$0x0] =	wrdreg $0xFFFFFFFF;
	(pc) =	sbr.abs _section_cstart, $3  }
0xc1: {  	[dreg:$0x1] =	wrdreg $0xFFFFFFFF  }
0xc2: {  	_ =	task.clear_ibuf [dreg:s7], $0x2FFFF;
	_ =	strace $0x9FFFFFFF  }
0xc3: {  	(tm) =	ssettm $0x7FFFFFFF  }
tec
execute0_lowered:
.L_overlay_start_1:
0x0: {  	(tag) =	ssettag $0x1  }
0x1: {  	s0 =	rddreg [dreg:$0x0]  }
0x2: {  	s2 =	rddreg [dreg:$0x2];
	s21 =	simm.s32 $0x0;
	s1 =	srdreg.scid  }
0x3: {  	s11 =	stileid.u32;
	s15 =	simm.s32 $0x2;
	s16 =	simm.s32 $0x18700  }
0x4: {  	s17 =	simm.s32 $0x18900;
	s18 =	simm.s32 $0x18B00;
	s19 =	simm.s32 $0x80  }
0x5: {  	s20 =	simm.s32 $0x18D00;
	s23 =	simm.s32 $0x19500;
	s28 =	simm.s32 $0x19D00  }
0x6: {  	s29 =	simm.s32 $0x18A00;
	s30 =	simm.s32 $0x1BD00;
	s31 =	simm.s32 $0x18880  }
0x7: {  	s13 =	simm.s32 $0x18B80;
	s14 =	simm.s32 $0x18C80;
	[smem:$0x7FF] =	sst s21  }
0x8: {  	s4 =	sadd.s32 $0x221400, s0;
	s5 =	sadd.s32 $0x252200, s0;
	s1 =	sand.u32 $0x1, s1  }
0x9: {  	s7 =	sadd.s32 $0x67200, s0;
	s8 =	sadd.s32 $0x36200, s0;
	s9 =	sadd.s32 $0x5200, s0  }
0xa: {  	s10 =	smul.u32 $0x18700, s11;
	_ =	strace $0x8000004A;
	s3 =	ssub.s32 $0x2, s1  }
0xb: {  	s25 =	sshll.u32 s1, $0x4;
	p0 =	seq.s32 s1, $0x1;
	s1 =	simm.s32 $0x283400  }
0xc: {  	s6 =	sshrl.u32 s3, $0x1;
	s12 =	sadd.s32 s10, s2;
	s1 =	simm.s32 @!p0 $0x252600  }
0xd: {  	s10 =	sshrl.u32 s10, $0x3;
	s3 =	ssub.s32 s3, s6;
	s6 =	sor.u32 s11, s25  }
0xe: {  	s11 =	sshll.u32 s11, $0x6;
	s0 =	sadd.s32 s1, s0;
	s24 =	sshrl.u32 s12, $0x3  }
0xf: {  	s25 =	simm.s32 $0x1B500;
	s1 =	simm.s32 $0x1C500;
	s12 =	simm.s32 $0x1  }
0x10: {  	s22 =	sor.u32 $0x1C02, s11;
	s26 =	smax.u32 s3, $0x1;
	[dreg:$0x8] =	wrdreg s24  }
0x11: {  	s11 =	smul.u32 $0xC400, s6;
	s0 =	sadd.s32 s0, s10;
	[dreg:$0x6] =	wrdreg s26  }
0x12: {  	s6 =	simm.s32 $0x18A80;
	s10 =	simm.s32 $0x18C00;
	[dreg:$0x7] =	wrdreg s0  }
0x13: {  	s26 =	simm.s32 $0x18800;
	s0 =	simm.s32 $0x1A500;
	[dreg:$0x5] =	wrdreg s22  }
.LBB2_1:
0x14: {  	[dreg:$0x4] =	wrdreg s21  }
0x15: {  	s3 =	rddreg [dreg:$0x1]  }
0x16: {  	[spmem:s24], [sflag:s22] =	dma.local [hbm:s3], $0x30E0  }
0x17: {  	_ =	swait.ge [sflag:s15], $0x30E0  }
0x18: {  	[sflag:s15] =	ssyncset.done $0x0  }
0x19: {  	[sflag:s15] =	ssyncadd.s32 $0xFFFFCF20  }
0x1a: {  	s3 =	simm.s32 $0x0;
	[bflag:$0x0] =	sbarrier.arrive $0xFFFF  }
.LBB2_2:
0x1b: {  	s21 =	sshll.u32 s3, $0x9  }
0x1c: {  	s21 =	sadd.s32 s11, s21  }
0x1d: {  	s21 =	sshrl.u32 s21, $0x3  }
0x1e: {  	s24 =	simm.s32 $0x0;
	s22 =	sadd.s32 s7, s21  }
0x1f: {  	[tilespmem:s16], [sflag:$0x2] =	stream.linear.gather [hbm4b:s22+s24], $0x200, $0x38;
	[tilespmem:$0x1CD00] =	vst v63  }
0x20: {  	_ =	swait.ge [sflag:s15], $0x200  }
0x21: {  	[sflag:s15] =	ssyncset.done $0x0  }
0x22: {  	s22 =	sadd.s32 s8, s21;
	[sflag:s15] =	ssyncadd.s32 $0xFFFFFE00  }
0x23: {  	[tilespmem:s17], [sflag:$0x2] =	stream.linear.gather [hbm4b:s22+s24], $0x200, $0x38;
	[tilespmem:$0x1CD00] =	vst v63  }
0x24: {  	_ =	swait.ge [sflag:s15], $0x200  }
0x25: {  	[sflag:s15] =	ssyncset.done $0x0  }
0x26: {  	s21 =	sadd.s32 s9, s21;
	[sflag:s15] =	ssyncadd.s32 $0xFFFFFE00  }
0x27: {  	[tilespmem:s18], [sflag:$0x2] =	stream.linear.gather [hbm4b:s21+s24], $0x200, $0x38;
	[tilespmem:$0x1CD00] =	vst v63  }
0x28: {  	_ =	swait.ge [sflag:s15], $0x200  }
0x29: {  	[sflag:s15] =	ssyncset.done $0x0  }
0x2a: {  	[sflag:s15] =	ssyncadd.s32 $0xFFFFFE00  }
0x2b: {  	[tilespmem:s20], [sflag:$0x1] =	stream.indirect.gather [hbm4b:s4+s19], $0x10, s16, s19, $0xb8;
	[tilespmem:$0x1CD00] =	vst v63  }
0x2c: {  	s24 =	simm.s32 $0x1AD00  }
0x2d: {  	[tilespmem:s24], [sflag:$0x1] =	stream.indirect.gather [hbm4b:s5+s19], $0x10, s17, s19, $0xb8;
	[tilespmem:$0x1CD00] =	vst v63  }
0x2e: {  	s22 =	simm.s32 $0x18780  }
0x2f: {  	[tilespmem:s23], [sflag:$0x1] =	stream.indirect.gather [hbm4b:s4+s19], $0x10, s22, s19, $0xb8;
	[tilespmem:$0x1CD00] =	vst v63  }
0x30: {  	s24 =	simm.s32 $0x18980  }
0x31: {  	[tilespmem:s25], [sflag:$0x1] =	stream.indirect.gather [hbm4b:s5+s19], $0x10, s24, s19, $0xb8;
	[tilespmem:$0x1CD00] =	vst v63  }
0x32: {  	_ = 	snop  }
0x33: {  	[tilespmem:s28], [sflag:$0x1] =	stream.indirect.gather [hbm4b:s4+s19], $0x10, s26, s19, $0xb8;
	[tilespmem:$0x1CD00] =	vst v63  }
0x34: {  	_ = 	snop  }
0x35: {  	[tilespmem:s30], [sflag:$0x1] =	stream.indirect.gather [hbm4b:s5+s19], $0x10, s29, s19, $0xb8;
	[tilespmem:$0x1CD00] =	vst v63  }
0x36: {  	_ = 	snop  }
0x37: {  	[tilespmem:s0], [sflag:$0x1] =	stream.indirect.gather [hbm4b:s4+s19], $0x10, s31, s19, $0xb8;
	[tilespmem:$0x1CD00] =	vst v63  }
0x38: {  	_ = 	snop  }
0x39: {  	[tilespmem:s1], [sflag:$0x1] =	stream.indirect.gather [hbm4b:s5+s19], $0x10, s6, s19, $0xb8;
	[tilespmem:$0x1CD00] =	vst v63  }
0x3a: {  	_ =	swait.ge [sflag:s12], $0x800  }
0x3b: {  	[sflag:s12] =	ssyncset.done $0x0  }
0x3c: {  	[sflag:s12] =	ssyncadd.s32 $0xFFFFF800  }
0x3d: {  	_ =	swait.ge [sflag:s12], $0x800  }
0x3e: {  	[sflag:s12] =	ssyncset.done $0x0  }
0x3f: {  	[sflag:s12] =	ssyncadd.s32 $0xFFFFF800  }
0x40: {  	_ =	swait.ge [sflag:s12], $0x800  }
0x41: {  	[sflag:s12] =	ssyncset.done $0x0  }
0x42: {  	[sflag:s12] =	ssyncadd.s32 $0xFFFFF800  }
0x43: {  	_ =	swait.ge [sflag:s12], $0x800  }
0x44: {  	[sflag:s12] =	ssyncset.done $0x0  }
0x45: {  	[sflag:s12] =	ssyncadd.s32 $0xFFFFF800  }
0x46: {  	_ =	swait.ge [sflag:s12], $0x800  }
0x47: {  	[sflag:s12] =	ssyncset.done $0x0  }
0x48: {  	[sflag:s12] =	ssyncadd.s32 $0xFFFFF800  }
0x49: {  	_ =	swait.ge [sflag:s12], $0x800  }
0x4a: {  	[sflag:s12] =	ssyncset.done $0x0  }
0x4b: {  	[sflag:s12] =	ssyncadd.s32 $0xFFFFF800  }
0x4c: {  	_ =	swait.ge [sflag:s12], $0x800  }
0x4d: {  	[sflag:s12] =	ssyncset.done $0x0  }
0x4e: {  	[sflag:s12] =	ssyncadd.s32 $0xFFFFF800  }
0x4f: {  	_ =	swait.ge [sflag:s12], $0x800  }
0x50: {  	[sflag:s12] =	ssyncset.done $0x0  }
0x51: {  	s21 =	simm.s32 $0x0;
	[sflag:s12] =	ssyncadd.s32 $0xFFFFF800  }
0x52: {  	v7 =	vld [tilespmem:s21+$0x1AD00]  }
0x53: {  	v11 =	vld [tilespmem:s21+$0x1AD10]  }
0x54: {  	v5 =	vld [tilespmem:s21+$0x1AD20]  }
0x55: {  	v4 =	vld [tilespmem:s21+$0x1AD30]  }
0x56: {  	v3 =	vld [tilespmem:s21+$0x1AD40]  }
0x57: {  	v2 =	vld [tilespmem:s21+$0x1AD50]  }
0x58: {  	v1 =	vld [tilespmem:s21+$0x1AD60]  }
0x59: {  	v0 =	vld [tilespmem:s21+$0x1AD70]  }
0x5a: {  	v12 =	vld [tilespmem:s21+$0x18D00]  }
0x5b: {  	v13 =	vld [tilespmem:s21+$0x18D10]  }
0x5c: {  	v10 =	vld [tilespmem:s21+$0x18D20]  }
0x5d: {  	v9 =	vld [tilespmem:s21+$0x18D30]  }
0x5e: {  	v8 =	vld [tilespmem:s21+$0x18D40]  }
0x5f: {  	v6 =	vld [tilespmem:s21+$0x18D50];
	v12 =	vmul.f32 v7, v12  }
0x60: {  	s22 =	simm.s32 $0x200;
	v11 =	vmul.f32 v11, v13;
	v7 =	vld [tilespmem:s21+$0x18D60]  }
.LBB2_3:
0x61: {  	s24 =	sshra.s32 s22, $0x2;
	p0 =	sne.s32 s22, $0x7E00;
	[tilespmem:s21+$0x18D00] =	vst v12;
	v5 =	vmul.f32 v5, v10;
	v10 =	vld [tilespmem:s21+$0x18D70]  }
0x62: {  	v12 =	vld [tilespmem:s24+$0x1AD00];
	[tilespmem:s21+$0x18D10] =	vst v11;
	v4 =	vmul.f32 v4, v9  }
0x63: {  	v11 =	vld [tilespmem:s24+$0x1AD10];
	[tilespmem:s21+$0x18D20] =	vst v5;
	v3 =	vmul.f32 v3, v8  }
0x64: {  	v5 =	vld [tilespmem:s24+$0x1AD20];
	[tilespmem:s21+$0x18D30] =	vst v4;
	v2 =	vmul.f32 v2, v6  }
0x65: {  	v4 =	vld [tilespmem:s24+$0x1AD30];
	[tilespmem:s21+$0x18D40] =	vst v3;
	v1 =	vmul.f32 v1, v7  }
0x66: {  	v3 =	vld [tilespmem:s24+$0x1AD40];
	[tilespmem:s21+$0x18D50] =	vst v2;
	v0 =	vmul.f32 v0, v10  }
0x67: {  	v2 =	vld [tilespmem:s24+$0x1AD50];
	[tilespmem:s21+$0x18D60] =	vst v1  }
0x68: {  	v1 =	vld [tilespmem:s24+$0x1AD60];
	[tilespmem:s21+$0x18D70] =	vst v0;
	s21 =	smov.u32 s24  }
0x69: {  	v0 =	vld [tilespmem:s21+$0x1AD70]  }
0x6a: {  	v6 =	vld [tilespmem:s21+$0x18D00]  }
0x6b: {  	v7 =	vld [tilespmem:s21+$0x18D10]  }
.Ltmp0:
0x6c: {  	v10 =	vld [tilespmem:s21+$0x18D20];
	(pc) =	sbr.rel @p0 .LBB2_3-.Ltmp0, $4  }
0x6d: {  	v9 =	vld [tilespmem:s21+$0x18D30]  }
0x6e: {  	v8 =	vld [tilespmem:s21+$0x18D40]  }
0x6f: {  	v12 =	vmul.f32 v12, v6;
	v6 =	vld [tilespmem:s21+$0x18D50]  }
0x70: {  	s22 =	sadd.s32 $0x200, s22;
	v11 =	vmul.f32 v11, v7;
	v7 =	vld [tilespmem:s21+$0x18D60]  }
0x71: {  	[tilespmem:s21+$0x18D00] =	vst v12;
	v5 =	vmul.f32 v5, v10;
	v63 =	vld [tilespmem:s21+$0x18D70]  }
0x72: {  	[tilespmem:s21+$0x18D10] =	vst v11;
	v4 =	vmul.f32 v4, v9  }
0x73: {  	[tilespmem:s21+$0x18D20] =	vst v5;
	v3 =	vmul.f32 v3, v8  }
0x74: {  	[tilespmem:s21+$0x18D30] =	vst v4;
	v2 =	vmul.f32 v2, v6  }
0x75: {  	[tilespmem:s21+$0x18D40] =	vst v3;
	v1 =	vmul.f32 v1, v7  }
0x76: {  	[tilespmem:s21+$0x18D50] =	vst v2;
	v0 =	vmul.f32 v0, v63  }
0x77: {  	[tilespmem:s21+$0x18D60] =	vst v1  }
0x78: {  	[tilespmem:s21+$0x18D70] =	vst v0  }
0x79: {  	[spmem:s2] =	stream.indirect.scatter.add.f32 [tilespmem:s20], [sflag:$0x2], $0x10, s18, s19, $0xb8;
	[tilespmem:$0x1CD00] =	vst v63  }
0x7a: {  	_ =	swait.ge [sflag:s15], $0x800  }
0x7b: {  	[sflag:s15] =	ssyncset.done $0x0  }
0x7c: {  	[sflag:s15] =	ssyncadd.s32 $0xFFFFF800  }
0x7d: {  	[spmem:s2] =	stream.indirect.scatter.add.f32 [tilespmem:s23], [sflag:$0x2], $0x10, s13, s19, $0xb8;
	[tilespmem:$0x1CD00] =	vst v63  }
0x7e: {  	_ =	swait.ge [sflag:s15], $0x800  }
0x7f: {  	[sflag:s15] =	ssyncset.done $0x0  }
0x80: {  	[sflag:s15] =	ssyncadd.s32 $0xFFFFF800  }
0x81: {  	[spmem:s2] =	stream.indirect.scatter.add.f32 [tilespmem:s28], [sflag:$0x2], $0x10, s10, s19, $0xb8;
	[tilespmem:$0x1CD00] =	vst v63  }
0x82: {  	s3 =	sadd.s32 $0x1, s3;
	_ =	swait.ge [sflag:s15], $0x800  }
0x83: {  	p0 =	sne.s32 s3, $0x62;
	[sflag:s15] =	ssyncset.done $0x0  }
.Ltmp1:
0x84: {  	[sflag:s15] =	ssyncadd.s32 $0xFFFFF800;
	(pc) =	sbr.rel @p0 .LBB2_2-.Ltmp1, $4  }
0x85: {  	[spmem:s2] =	stream.indirect.scatter.add.f32 [tilespmem:s0], [sflag:$0x2], $0x10, s14, s19, $0xb8;
	[tilespmem:$0x1CD00] =	vst v63  }
0x86: {  	_ =	swait.ge [sflag:s15], $0x800  }
0x87: {  	[sflag:s15] =	ssyncset.done $0x0  }
0x88: {  	[sflag:s15] =	ssyncadd.s32 $0xFFFFF800  }
0x89: {  	[bflag:$0x0] =	sbarrier.arrive $0xFFFF  }
0x8a: {  	s22 =	rddreg [dreg:$0x5]  }
0x8b: {  	s3 =	rddreg [dreg:$0x7]  }
0x8c: {  	s24 =	rddreg [dreg:$0x8]  }
0x8d: {  	[hbm:s3], [sflag:s22] =	dma.local [spmem:s24], $0x30E0  }
0x8e: {  	_ =	swait.ge [sflag:s15], $0x30E0  }
0x8f: {  	s21 =	rddreg [dreg:$0x4]  }
0x90: {  	s3 =	rddreg [dreg:$0x6];
	s21 =	sadd.s32 $0x1, s21  }
0x91: {  	p0 =	sne.s32 s21, s3  }
.Ltmp2:
0x92: {  	_ = 	snop;
	(pc) =	sbr.rel @p0 .LBB2_1-.Ltmp2, $3  }
0x93: {  	_ =	sdelay $0x1  }
0x94: {  	[sflag:s15] =	ssyncset.done $0x0  }
0x95: {  	[sflag:s15] =	ssyncadd.s32 $0xFFFFCF20  }
0x96: {  	_ =	sfence.sel $0x180000  }
0x97: {  	[bflag:$0x0] =	sbarrier.arrive $0xFFFF  }
0x98: {  	_ =	strace $0x9000004A  }
0x99: {  	s0 =	stileid.u32;
	[bflag:$0x2] =	sbarrier.arrive $0xFFFF  }
0x9a: {  	p0 =	sne.s32 s0, $0x0;
	s0 =	rddreg [dreg:$0x3]  }
0x9b: {  	s0 =	sadd.s32 @!p0 $0x100000, s0  }
0x9c: {  	[sflag:s0] =	ssyncadd.tile.s32 @!p0 $0x1;
	_ =	shalt  }
.Lfunc_end2:
_tile_overlayer_lowered:
.L_overlay_start_2:
0x9d: {  	(tag) =	ssettag $0x2  }
0x9e: {  	s0 =	rddreg [dreg:$0x0];
	s2 =	stileid.u32  }
0x9f: {  	s1 =	rddreg [dreg:$0x1];
	p0 =	sne.s32 s2, $0x0  }
0xa0: {  	s3 =	rddreg [dreg:$0x2];
	[bflag:$0x3] =	sbarrier.arrive $0xFFFF;
	s2 =	simm.s32 @!p0 $0x1C02  }
0xa1: {  	[timem:s3], [sflag:s2] =	dma.local @!p0 [hbm:s0], s1  }
0xa2: {  	s0 =	simm.s32 @!p0 $0x2  }
0xa3: {  	_ =	swait.ge @!p0 [sflag:s0], s1  }
0xa4: {  	s1 =	ssub.s32 @!p0 $0x0, s1;
	[sflag:s0] =	ssyncset.done @!p0 $0x0  }
0xa5: {  	[sflag:s0] =	ssyncadd.s32 @!p0 s1  }
0xa6: {  	[bflag:$0x3] =	sbarrier.arrive $0xFFFF  }
0xa7: {  	_ =	shalt  }

// kernel: branch_1_fun.14.cloned.1.call-start
scs
__scs_entry_jumppad:
0x0: {  	(pc) =	sbr.rel $0x88, $3  }
0x1: {  	(tag) =	ssettag $0x0;
	lr =	simm.s32 $0x1  }
0x2: {  	[smem:$0x3F95] =	sst lr;
	_ =	strace $0xD0000000  }
0x3: {  	_ = 	snop  }
0x4: {  	_ = 	snop  }
0x5: {  	_ = 	snop  }
0x6: {  	_ = 	snop  }
0x7: {  	_ = 	snop  }
__scs_overlays_trampoline_lowered:
0x8: {  	[smem:$0x3FA4] =	sst s0  }
0x9: {  	[smem:$0x3FA5] =	sst s1  }
0xa: {  	[smem:$0x3FA6] =	sst s2  }
0xb: {  	[smem:$0x3FA7] =	sst s3  }
0xc: {  	[smem:$0x3FA8] =	sst s4  }
0xd: {  	[smem:$0x3FA9] =	sst s5  }
0xe: {  	[smem:$0x3FAA] =	sst s6  }
0xf: {  	[smem:$0x3FAB] =	sst s7  }
0x10: {  	[smem:$0x3FAC] =	sst s8  }
0x11: {  	[smem:$0x3FAD] =	sst s9;
	s0 =	simm.s32 @!p0 $0x0  }
0x12: {  	s1 =	sld [smem:$0x3F93];
	s0 =	simm.s32 @p0 $0x1  }
0x13: {  	[smem:$0x3FAE] =	sst s0;
	s0 =	simm.s32 @!p1 $0x0  }
0x14: {  	s2 =	sld [smem:$0x3F92];
	s0 =	simm.s32 @p1 $0x1  }
0x15: {  	[smem:$0x3FAF] =	sst s0;
	s0 =	simm.s32 @!p2 $0x0  }
0x16: {  	s3 =	sld [smem:$0x3FDB];
	s0 =	simm.s32 @p2 $0x1  }
0x17: {  	s4 =	simm.s32 $0x1BF5;
	[smem:$0x3FB1] =	sst s0  }
0x18: {  	s0 =	sld [smem:$0x3F94];
	_ =	swait.ge [sflag:s4], $0x0  }
0x19: {  	s7 =	sld [smem:$0x3F95]  }
0x1a: {  	s8 =	sadd.s32 $0xFFFFE003, lr  }
0x1b: {  	s9 =	sadd.s32 $0xFFFFFEF7, lr;
	s5 =	simm.s32 $0xFFFFFFFF;
	p2 =	slt.u32 s8, $0xFFFFF086  }
0x1c: {  	p1 =	slt.u32 s9, $0xF7A;
	s5 =	simm.s32 @!p2 $0x0  }
0x1d: {  	s5 =	simm.s32 @p1 $0x1;
	p0 =	seq.s32 s7, s2  }
0x1e: {  	s7 =	smul.u32 @!p0 $0xF7A, s2;
	p2 =	seq.s32 @!p0 s5, $0x0  }
0x1f: {  	s9 =	smul.u32 $0xF7A, s1;
	s8 =	simm.s32 @!p0 $0x1BF5;
	p2 =	por !p2, p0  }
0x20: {  	[sflag:s8] =	ssyncset.s32 @!p0 $0xFFFFF086;
	s6 =	sadd.s32 @!p0 s3, s7;
	s7 =	simm.s32 @!p0 $0x108  }
0x21: {  	s3 =	sadd.s32 s3, s9;
	s6 =	sadd.s32 @!p0 $0x88, s6;
	s7 =	simm.s32 @p2 $0x1082  }
0x22: {  	[simem:s7], [sflag:s8] =	dma.local @!p0 [hbm:s6], $0xF7A  }
0x23: {  	s9 =	sor.u32 $0xD0000000, s2;
	s6 =	simm.s32 $0x108;
	_ =	swait.ge @!p0 [sflag:s8], $0x0  }
0x24: {  	s3 =	sadd.s32 $0x88, s3;
	s6 =	simm.s32 @!p1 $0x1082;
	[sflag:s4] =	ssyncset.s32 $0xFFFFF086  }
0x25: {  	[simem:s6], [sflag:s4] =	dma.local [hbm:s3], $0xF7A  }
0x26: {  	[smem:$0x3F95] =	sst s1;
	(tag) =	ssettag s2;
	_ =	strace s9  }
0x27: {  	s1 =	sld [smem:$0x3FA5]  }
0x28: {  	s2 =	sld [smem:$0x3FA6]  }
0x29: {  	s4 =	sld [smem:$0x3FA8]  }
0x2a: {  	p0 =	seq.s32 s5, $0x0;
	s5 =	sld [smem:$0x3FA9]  }
0x2b: {  	s6 =	sld [smem:$0x3FAA]  }
0x2c: {  	s7 =	sld [smem:$0x3FAB]  }
0x2d: {  	s3 =	simm.s32 $0x108;
	s8 =	sld [smem:$0x3FAC]  }
0x2e: {  	s3 =	simm.s32 @!p0 $0x1082;
	s9 =	sld [smem:$0x3FAD]  }
0x2f: {  	lr =	sadd.s32 s0, s3;
	s0 =	sld [smem:$0x3FA4]  }
0x30: {  	s3 =	sld [smem:$0x3FA7]  }
0x31: {  	[smem:$0x3FB0] =	sst s10  }
0x32: {  	s10 =	sld [smem:$0x3FAE];
	_ =	sdelay $0x3  }
0x33: {  	p0 =	seq.s32 s10, $0x1;
	s10 =	sld [smem:$0x3FB0];
	_ =	sdelay $0x3  }
0x34: {  	[smem:$0x3FB0] =	sst s10  }
0x35: {  	s10 =	sld [smem:$0x3FAF];
	_ =	sdelay $0x3  }
0x36: {  	p1 =	seq.s32 s10, $0x1;
	s10 =	sld [smem:$0x3FB0];
	_ =	sdelay $0x3  }
0x37: {  	[smem:$0x3FB0] =	sst s10  }
0x38: {  	s10 =	sld [smem:$0x3FB1]  }
0x39: {  	_ = 	snop;
	(pc) =	sbr.ind lr, $3  }
0x3a: {  	_ = 	snop  }
0x3b: {  	_ = 	snop  }
0x3c: {  	p2 =	seq.s32 s10, $0x1;
	s10 =	sld [smem:$0x3FB0]  }
0x3d: {  	_ =	shalt  }
0x3e: {  	_ =	shalt  }
0x3f: {  	_ =	shalt  }
0x40: {  	_ =	shalt  }
0x41: {  	_ =	shalt  }
0x42: {  	_ =	shalt  }
0x43: {  	_ =	shalt  }
0x44: {  	_ =	shalt  }
0x45: {  	_ =	shalt  }
0x46: {  	_ =	shalt  }
0x47: {  	_ =	shalt  }
0x48: {  	_ =	shalt  }
0x49: {  	_ =	shalt  }
0x4a: {  	_ =	shalt  }
0x4b: {  	_ =	shalt  }
0x4c: {  	_ =	shalt  }
0x4d: {  	_ =	shalt  }
0x4e: {  	_ =	shalt  }
0x4f: {  	_ =	shalt  }
0x50: {  	_ =	shalt  }
0x51: {  	_ =	shalt  }
0x52: {  	_ =	shalt  }
0x53: {  	_ =	shalt  }
0x54: {  	_ =	shalt  }
0x55: {  	_ =	shalt  }
0x56: {  	_ =	shalt  }
0x57: {  	_ =	shalt  }
0x58: {  	_ =	shalt  }
0x59: {  	_ =	shalt  }
0x5a: {  	_ =	shalt  }
0x5b: {  	_ =	shalt  }
0x5c: {  	_ =	shalt  }
0x5d: {  	_ =	shalt  }
0x5e: {  	_ =	shalt  }
0x5f: {  	_ =	shalt  }
0x60: {  	_ =	shalt  }
0x61: {  	_ =	shalt  }
0x62: {  	_ =	shalt  }
0x63: {  	_ =	shalt  }
0x64: {  	_ =	shalt  }
0x65: {  	_ =	shalt  }
0x66: {  	_ =	shalt  }
0x67: {  	_ =	shalt  }
0x68: {  	_ =	shalt  }
0x69: {  	_ =	shalt  }
0x6a: {  	_ =	shalt  }
0x6b: {  	_ =	shalt  }
0x6c: {  	_ =	shalt  }
0x6d: {  	_ =	shalt  }
0x6e: {  	_ =	shalt  }
0x6f: {  	_ =	shalt  }
0x70: {  	_ =	shalt  }
0x71: {  	_ =	shalt  }
0x72: {  	_ =	shalt  }
0x73: {  	_ =	shalt  }
0x74: {  	_ =	shalt  }
0x75: {  	_ =	shalt  }
0x76: {  	_ =	shalt  }
0x77: {  	_ =	shalt  }
0x78: {  	_ =	shalt  }
0x79: {  	_ =	shalt  }
0x7a: {  	_ =	shalt  }
0x7b: {  	_ =	shalt  }
0x7c: {  	_ =	shalt  }
0x7d: {  	_ =	shalt  }
0x7e: {  	_ =	shalt  }
0x7f: {  	_ =	shalt  }
0x80: {  	_ =	shalt  }
0x81: {  	_ =	shalt  }
0x82: {  	_ =	shalt  }
0x83: {  	_ =	shalt  }
0x84: {  	_ =	shalt  }
0x85: {  	_ =	shalt  }
0x86: {  	_ =	shalt  }
0x87: {  	_ =	shalt  }
.Lfunc_end0:
.L_simem_size_0:
called_computation.2_lowered:
.L_overlay_start_0:
0x88: {  	s2 =	sld [smem:$0x3FD9]  }
0x89: {  	s3 =	sld [smem:$0x3FFE];
	_ =	sdelay $0x1  }
0x8a: {  	s1 =	srdreg.scid  }
0x8b: {  	s0 =	sand.u32 $0x1, s1  }
0x8c: {  	s17 =	sshll.u32 s0, $0xA;
	s2 =	sadd.s32 s3, s2  }
0x8d: {  	s2 =	sadd.s32 s2, s17  }
0x8e: {  	[smem:$0x3FBC] =	sst s2  }
0x8f: {  	_ = 	snop  }
0x90: {  	s2 =	sld [smem:$0x3FD0];
	(tm) =	ssettm $0x1  }
0x91: {  	s18 =	sld [smem:$0x3FFB];
	_ =	sdelay $0x3  }
0x92: {  	_ =	strace s18  }
0x93: {  	s3 =	sld [smem:$0x3FFC];
	_ =	sdelay $0x3  }
0x94: {  	_ =	strace s3  }
0x95: {  	s3 =	sld [smem:$0x3FFD];
	_ =	sdelay $0x3  }
0x96: {  	_ =	strace s3  }
0x97: {  	_ =	strace $0x8FFFFFFF  }
0x98: {  	s19 =	sld [smem:$0x3FDB];
	_ =	sdelay $0x1  }
0x99: {  	s4 =	simm.s32 $_scs_section_size  }
0x9a: {  	s5 =	simm.s32 $_size__tile_overlayer_lowered;
	s6 =	simm.s32 $_tile_overlayer_lowered  }
0x9b: {  	s22 =	simm.s32 $0x1BFF;
	s21 =	sshll.u32 s6, $0x1;
	s3 =	sadd.s32 s4, s19  }
0x9c: {  	s7 =	simm.s32 $0x0;
	s20 =	sshll.u32 s5, $0x1;
	s5 =	sadd.s32 s21, s3  }
0x9d: {  	[timem:s7], [sflag:s22] =	dma.local [hbm:s5], s20  }
0x9e: {  	_ =	swait.ge [sflag:s22], s20  }
0x9f: {  	s4 =	ssub.s32 $0x0, s20;
	[sflag:s22] =	ssyncset.done $0x0  }
0xa0: {  	[sflag:s22] =	ssyncadd.s32 s4;
	_ =	sdelay $0x1  }
0xa1: {  	s23 =	simm.s32 $0x1B8B  }
0xa2: {  	_ =	swait.ge [sflag:s23], $0x1  }
0xa3: {  	[sflag:s23] =	ssyncset.done $0x0  }
0xa4: {  	s25 =	simm.s32 $0x1B8E;
	s24 =	sld [smem:$0x3FFE];
	[sflag:s23] =	ssyncadd.s32 $0xFFFFFFFF  }
0xa5: {  	s26 =	simm.s32 $execute0_lowered;
	[smem:$0x3FD2] =	sst s25  }
0xa6: {  	s5 =	sshll.u32 s26, $0x1;
	_ =	strace $0x8000004C;
	[dreg:$0x1] =	wrdreg $0xFFFFFFFF  }
0xa7: {  	s28 =	simm.s32 $_size_execute0_lowered;
	s3 =	sadd.s32 s3, s5;
	[dreg:$0x0] =	wrdreg $0x0  }
0xa8: {  	s5 =	sshll.u32 s28, $0x1;
	[dreg:$0x2] =	wrdreg s3  }
0xa9: {  	[dreg:$0x3] =	wrdreg s5  }
0xaa: {  	[dreg:$0x4] =	wrdreg $0xC0  }
0xab: {  	_ =	task [dreg:s7], $0x5FFFF  }
0xac: {  	[dreg:$0x1] =	wrdreg $0xFFFFFFFF  }
0xad: {  	[dreg:$0x0] =	wrdreg $0x60  }
0xae: {  	[dreg:$0x2] =	wrdreg s24  }
0xaf: {  	[dreg:$0x3] =	wrdreg s2  }
0xb0: {  	[dreg:$0x4] =	wrdreg $0x0  }
0xb1: {  	[dreg:$0x5] =	wrdreg $0x9  }
0xb2: {  	_ =	task.clear_ibuf [dreg:s7], $0x6FFFF;
	_ =	strace $0x9000004C  }
0xb3: {  	s29 =	simm.s32 $0x9;
	_ =	strace $0x8000004E  }
0xb4: {  	_ =	swait.ge [sflag:s29], $0x1  }
0xb5: {  	[sflag:s29] =	ssyncadd.s32 $0xFFFFFFFF  }
0xb6: {  	_ =	strace $0x9000004E  }
0xb7: {  	_ =	sfence  }
0xb8: {  	s30 =	sld [smem:$0x0];
	_ =	sdelay $0x2  }
0xb9: {  	s31 =	sshll.u32 s1, $0xD;
	s1 =	sshrl.u32 s1, $0x2  }
0xba: {  	s3 =	sand.u32 $0x4000, s31;
	s1 =	sadd.s32 s1, s30  }
0xbb: {  	s0 =	sor.u32 s3, s0;
	s1 =	sshll.u32 s1, $0x11  }
0xbc: {  	s0 =	sor.u32 s1, s0  }
0xbd: {  	s0 =	sadd.s32 $0x8F2B, s0  }
0xbe: {  	[sflag:s0] =	ssyncadd.remote.s32 $0x1  }
0xbf: {  	_ =	sfence.sel $0xFFFF  }
0xc0: {  	[dreg:$0x0] =	wrdreg $0xFFFFFFFF;
	(pc) =	sbr.abs _section_cstart, $3  }
0xc1: {  	[dreg:$0x1] =	wrdreg $0xFFFFFFFF  }
0xc2: {  	_ =	task.clear_ibuf [dreg:s7], $0x2FFFF;
	_ =	strace $0x9FFFFFFF  }
0xc3: {  	(tm) =	ssettm $0x7FFFFFFF  }
tec
execute0_lowered:
.L_overlay_start_1:
0x0: {  	(tag) =	ssettag $0x1  }
0x1: {  	s0 =	rddreg [dreg:$0x0]  }
0x2: {  	s2 =	rddreg [dreg:$0x2];
	s21 =	simm.s32 $0x0;
	s1 =	srdreg.scid  }
0x3: {  	s11 =	stileid.u32;
	s15 =	simm.s32 $0x2;
	s16 =	simm.s32 $0x18700  }
0x4: {  	s17 =	simm.s32 $0x18900;
	s18 =	simm.s32 $0x18B00;
	s19 =	simm.s32 $0x80  }
0x5: {  	s20 =	simm.s32 $0x18D00;
	s23 =	simm.s32 $0x19500;
	s28 =	simm.s32 $0x19D00  }
0x6: {  	s29 =	simm.s32 $0x18A00;
	s30 =	simm.s32 $0x1BD00;
	s31 =	simm.s32 $0x18880  }
0x7: {  	s13 =	simm.s32 $0x18B80;
	s14 =	simm.s32 $0x18C80;
	[smem:$0x7FF] =	sst s21  }
0x8: {  	s4 =	sadd.s32 $0x221400, s0;
	s5 =	sadd.s32 $0x98400, s0;
	s1 =	sand.u32 $0x1, s1  }
0x9: {  	s7 =	sadd.s32 $0x67200, s0;
	s8 =	sadd.s32 $0x36200, s0;
	s9 =	sadd.s32 $0x5200, s0  }
0xa: {  	s10 =	smul.u32 $0x18700, s11;
	_ =	strace $0x8000004D;
	s3 =	ssub.s32 $0x2, s1  }
0xb: {  	s25 =	sshll.u32 s1, $0x4;
	p0 =	seq.s32 s1, $0x1;
	s1 =	simm.s32 $0x283000  }
0xc: {  	s6 =	sshrl.u32 s3, $0x1;
	s12 =	sadd.s32 s10, s2;
	s1 =	simm.s32 @!p0 $0x252200  }
0xd: {  	s10 =	sshrl.u32 s10, $0x3;
	s3 =	ssub.s32 s3, s6;
	s6 =	sor.u32 s11, s25  }
0xe: {  	s11 =	sshll.u32 s11, $0x6;
	s0 =	sadd.s32 s1, s0;
	s24 =	sshrl.u32 s12, $0x3  }
0xf: {  	s25 =	simm.s32 $0x1B500;
	s1 =	simm.s32 $0x1C500;
	s12 =	simm.s32 $0x1  }
0x10: {  	s22 =	sor.u32 $0x1C02, s11;
	s26 =	smax.u32 s3, $0x1;
	[dreg:$0x8] =	wrdreg s24  }
0x11: {  	s11 =	smul.u32 $0xC400, s6;
	s0 =	sadd.s32 s0, s10;
	[dreg:$0x6] =	wrdreg s26  }
0x12: {  	s6 =	simm.s32 $0x18A80;
	s10 =	simm.s32 $0x18C00;
	[dreg:$0x7] =	wrdreg s0  }
0x13: {  	s26 =	simm.s32 $0x18800;
	s0 =	simm.s32 $0x1A500;
	[dreg:$0x5] =	wrdreg s22  }
.LBB2_1:
0x14: {  	[dreg:$0x4] =	wrdreg s21  }
0x15: {  	s3 =	rddreg [dreg:$0x1]  }
0x16: {  	[spmem:s24], [sflag:s22] =	dma.local [hbm:s3], $0x30E0  }
0x17: {  	_ =	swait.ge [sflag:s15], $0x30E0  }
0x18: {  	[sflag:s15] =	ssyncset.done $0x0  }
0x19: {  	[sflag:s15] =	ssyncadd.s32 $0xFFFFCF20  }
0x1a: {  	s3 =	simm.s32 $0x0;
	[bflag:$0x0] =	sbarrier.arrive $0xFFFF  }
.LBB2_2:
0x1b: {  	s21 =	sshll.u32 s3, $0x9  }
0x1c: {  	s21 =	sadd.s32 s11, s21  }
0x1d: {  	s21 =	sshrl.u32 s21, $0x3  }
0x1e: {  	s24 =	simm.s32 $0x0;
	s22 =	sadd.s32 s7, s21  }
0x1f: {  	[tilespmem:s16], [sflag:$0x2] =	stream.linear.gather [hbm4b:s22+s24], $0x200, $0x38;
	[tilespmem:$0x1CD00] =	vst v63  }
0x20: {  	_ =	swait.ge [sflag:s15], $0x200  }
0x21: {  	[sflag:s15] =	ssyncset.done $0x0  }
0x22: {  	s22 =	sadd.s32 s8, s21;
	[sflag:s15] =	ssyncadd.s32 $0xFFFFFE00  }
0x23: {  	[tilespmem:s17], [sflag:$0x2] =	stream.linear.gather [hbm4b:s22+s24], $0x200, $0x38;
	[tilespmem:$0x1CD00] =	vst v63  }
0x24: {  	_ =	swait.ge [sflag:s15], $0x200  }
0x25: {  	[sflag:s15] =	ssyncset.done $0x0  }
0x26: {  	s21 =	sadd.s32 s9, s21;
	[sflag:s15] =	ssyncadd.s32 $0xFFFFFE00  }
0x27: {  	[tilespmem:s18], [sflag:$0x2] =	stream.linear.gather [hbm4b:s21+s24], $0x200, $0x38;
	[tilespmem:$0x1CD00] =	vst v63  }
0x28: {  	_ =	swait.ge [sflag:s15], $0x200  }
0x29: {  	[sflag:s15] =	ssyncset.done $0x0  }
0x2a: {  	[sflag:s15] =	ssyncadd.s32 $0xFFFFFE00  }
0x2b: {  	[tilespmem:s20], [sflag:$0x1] =	stream.indirect.gather [hbm4b:s4+s19], $0x10, s16, s19, $0xb8;
	[tilespmem:$0x1CD00] =	vst v63  }
0x2c: {  	s24 =	simm.s32 $0x1AD00  }
0x2d: {  	[tilespmem:s24], [sflag:$0x1] =	stream.indirect.gather [hbm4b:s5+s19], $0x10, s17, s19, $0xb8;
	[tilespmem:$0x1CD00] =	vst v63  }
0x2e: {  	s22 =	simm.s32 $0x18780  }
0x2f: {  	[tilespmem:s23], [sflag:$0x1] =	stream.indirect.gather [hbm4b:s4+s19], $0x10, s22, s19, $0xb8;
	[tilespmem:$0x1CD00] =	vst v63  }
0x30: {  	s24 =	simm.s32 $0x18980  }
0x31: {  	[tilespmem:s25], [sflag:$0x1] =	stream.indirect.gather [hbm4b:s5+s19], $0x10, s24, s19, $0xb8;
	[tilespmem:$0x1CD00] =	vst v63  }
0x32: {  	_ = 	snop  }
0x33: {  	[tilespmem:s28], [sflag:$0x1] =	stream.indirect.gather [hbm4b:s4+s19], $0x10, s26, s19, $0xb8;
	[tilespmem:$0x1CD00] =	vst v63  }
0x34: {  	_ = 	snop  }
0x35: {  	[tilespmem:s30], [sflag:$0x1] =	stream.indirect.gather [hbm4b:s5+s19], $0x10, s29, s19, $0xb8;
	[tilespmem:$0x1CD00] =	vst v63  }
0x36: {  	_ = 	snop  }
0x37: {  	[tilespmem:s0], [sflag:$0x1] =	stream.indirect.gather [hbm4b:s4+s19], $0x10, s31, s19, $0xb8;
	[tilespmem:$0x1CD00] =	vst v63  }
0x38: {  	_ = 	snop  }
0x39: {  	[tilespmem:s1], [sflag:$0x1] =	stream.indirect.gather [hbm4b:s5+s19], $0x10, s6, s19, $0xb8;
	[tilespmem:$0x1CD00] =	vst v63  }
0x3a: {  	_ =	swait.ge [sflag:s12], $0x800  }
0x3b: {  	[sflag:s12] =	ssyncset.done $0x0  }
0x3c: {  	[sflag:s12] =	ssyncadd.s32 $0xFFFFF800  }
0x3d: {  	_ =	swait.ge [sflag:s12], $0x800  }
0x3e: {  	[sflag:s12] =	ssyncset.done $0x0  }
0x3f: {  	[sflag:s12] =	ssyncadd.s32 $0xFFFFF800  }
0x40: {  	_ =	swait.ge [sflag:s12], $0x800  }
0x41: {  	[sflag:s12] =	ssyncset.done $0x0  }
0x42: {  	[sflag:s12] =	ssyncadd.s32 $0xFFFFF800  }
0x43: {  	_ =	swait.ge [sflag:s12], $0x800  }
0x44: {  	[sflag:s12] =	ssyncset.done $0x0  }
0x45: {  	[sflag:s12] =	ssyncadd.s32 $0xFFFFF800  }
0x46: {  	_ =	swait.ge [sflag:s12], $0x800  }
0x47: {  	[sflag:s12] =	ssyncset.done $0x0  }
0x48: {  	[sflag:s12] =	ssyncadd.s32 $0xFFFFF800  }
0x49: {  	_ =	swait.ge [sflag:s12], $0x800  }
0x4a: {  	[sflag:s12] =	ssyncset.done $0x0  }
0x4b: {  	[sflag:s12] =	ssyncadd.s32 $0xFFFFF800  }
0x4c: {  	_ =	swait.ge [sflag:s12], $0x800  }
0x4d: {  	[sflag:s12] =	ssyncset.done $0x0  }
0x4e: {  	[sflag:s12] =	ssyncadd.s32 $0xFFFFF800  }
0x4f: {  	_ =	swait.ge [sflag:s12], $0x800  }
0x50: {  	[sflag:s12] =	ssyncset.done $0x0  }
0x51: {  	s21 =	simm.s32 $0x0;
	[sflag:s12] =	ssyncadd.s32 $0xFFFFF800  }
0x52: {  	v7 =	vld [tilespmem:s21+$0x1AD00]  }
0x53: {  	v11 =	vld [tilespmem:s21+$0x1AD10]  }
0x54: {  	v5 =	vld [tilespmem:s21+$0x1AD20]  }
0x55: {  	v4 =	vld [tilespmem:s21+$0x1AD30]  }
0x56: {  	v3 =	vld [tilespmem:s21+$0x1AD40]  }
0x57: {  	v2 =	vld [tilespmem:s21+$0x1AD50]  }
0x58: {  	v1 =	vld [tilespmem:s21+$0x1AD60]  }
0x59: {  	v0 =	vld [tilespmem:s21+$0x1AD70]  }
0x5a: {  	v12 =	vld [tilespmem:s21+$0x18D00]  }
0x5b: {  	v13 =	vld [tilespmem:s21+$0x18D10]  }
0x5c: {  	v10 =	vld [tilespmem:s21+$0x18D20]  }
0x5d: {  	v9 =	vld [tilespmem:s21+$0x18D30]  }
0x5e: {  	v8 =	vld [tilespmem:s21+$0x18D40]  }
0x5f: {  	v6 =	vld [tilespmem:s21+$0x18D50];
	v12 =	vmul.f32 v7, v12  }
0x60: {  	s22 =	simm.s32 $0x200;
	v11 =	vmul.f32 v11, v13;
	v7 =	vld [tilespmem:s21+$0x18D60]  }
.LBB2_3:
0x61: {  	s24 =	sshra.s32 s22, $0x2;
	p0 =	sne.s32 s22, $0x7E00;
	[tilespmem:s21+$0x18D00] =	vst v12;
	v5 =	vmul.f32 v5, v10;
	v10 =	vld [tilespmem:s21+$0x18D70]  }
0x62: {  	v12 =	vld [tilespmem:s24+$0x1AD00];
	[tilespmem:s21+$0x18D10] =	vst v11;
	v4 =	vmul.f32 v4, v9  }
0x63: {  	v11 =	vld [tilespmem:s24+$0x1AD10];
	[tilespmem:s21+$0x18D20] =	vst v5;
	v3 =	vmul.f32 v3, v8  }
0x64: {  	v5 =	vld [tilespmem:s24+$0x1AD20];
	[tilespmem:s21+$0x18D30] =	vst v4;
	v2 =	vmul.f32 v2, v6  }
0x65: {  	v4 =	vld [tilespmem:s24+$0x1AD30];
	[tilespmem:s21+$0x18D40] =	vst v3;
	v1 =	vmul.f32 v1, v7  }
0x66: {  	v3 =	vld [tilespmem:s24+$0x1AD40];
	[tilespmem:s21+$0x18D50] =	vst v2;
	v0 =	vmul.f32 v0, v10  }
0x67: {  	v2 =	vld [tilespmem:s24+$0x1AD50];
	[tilespmem:s21+$0x18D60] =	vst v1  }
0x68: {  	v1 =	vld [tilespmem:s24+$0x1AD60];
	[tilespmem:s21+$0x18D70] =	vst v0;
	s21 =	smov.u32 s24  }
0x69: {  	v0 =	vld [tilespmem:s21+$0x1AD70]  }
0x6a: {  	v6 =	vld [tilespmem:s21+$0x18D00]  }
0x6b: {  	v7 =	vld [tilespmem:s21+$0x18D10]  }
.Ltmp0:
0x6c: {  	v10 =	vld [tilespmem:s21+$0x18D20];
	(pc) =	sbr.rel @p0 .LBB2_3-.Ltmp0, $4  }
0x6d: {  	v9 =	vld [tilespmem:s21+$0x18D30]  }
0x6e: {  	v8 =	vld [tilespmem:s21+$0x18D40]  }
0x6f: {  	v12 =	vmul.f32 v12, v6;
	v6 =	vld [tilespmem:s21+$0x18D50]  }
0x70: {  	s22 =	sadd.s32 $0x200, s22;
	v11 =	vmul.f32 v11, v7;
	v7 =	vld [tilespmem:s21+$0x18D60]  }
0x71: {  	[tilespmem:s21+$0x18D00] =	vst v12;
	v5 =	vmul.f32 v5, v10;
	v63 =	vld [tilespmem:s21+$0x18D70]  }
0x72: {  	[tilespmem:s21+$0x18D10] =	vst v11;
	v4 =	vmul.f32 v4, v9  }
0x73: {  	[tilespmem:s21+$0x18D20] =	vst v5;
	v3 =	vmul.f32 v3, v8  }
0x74: {  	[tilespmem:s21+$0x18D30] =	vst v4;
	v2 =	vmul.f32 v2, v6  }
0x75: {  	[tilespmem:s21+$0x18D40] =	vst v3;
	v1 =	vmul.f32 v1, v7  }
0x76: {  	[tilespmem:s21+$0x18D50] =	vst v2;
	v0 =	vmul.f32 v0, v63  }
0x77: {  	[tilespmem:s21+$0x18D60] =	vst v1  }
0x78: {  	[tilespmem:s21+$0x18D70] =	vst v0  }
0x79: {  	[spmem:s2] =	stream.indirect.scatter.add.f32 [tilespmem:s20], [sflag:$0x2], $0x10, s18, s19, $0xb8;
	[tilespmem:$0x1CD00] =	vst v63  }
0x7a: {  	_ =	swait.ge [sflag:s15], $0x800  }
0x7b: {  	[sflag:s15] =	ssyncset.done $0x0  }
0x7c: {  	[sflag:s15] =	ssyncadd.s32 $0xFFFFF800  }
0x7d: {  	[spmem:s2] =	stream.indirect.scatter.add.f32 [tilespmem:s23], [sflag:$0x2], $0x10, s13, s19, $0xb8;
	[tilespmem:$0x1CD00] =	vst v63  }
0x7e: {  	_ =	swait.ge [sflag:s15], $0x800  }
0x7f: {  	[sflag:s15] =	ssyncset.done $0x0  }
0x80: {  	[sflag:s15] =	ssyncadd.s32 $0xFFFFF800  }
0x81: {  	[spmem:s2] =	stream.indirect.scatter.add.f32 [tilespmem:s28], [sflag:$0x2], $0x10, s10, s19, $0xb8;
	[tilespmem:$0x1CD00] =	vst v63  }
0x82: {  	s3 =	sadd.s32 $0x1, s3;
	_ =	swait.ge [sflag:s15], $0x800  }
0x83: {  	p0 =	sne.s32 s3, $0x62;
	[sflag:s15] =	ssyncset.done $0x0  }
.Ltmp1:
0x84: {  	[sflag:s15] =	ssyncadd.s32 $0xFFFFF800;
	(pc) =	sbr.rel @p0 .LBB2_2-.Ltmp1, $4  }
0x85: {  	[spmem:s2] =	stream.indirect.scatter.add.f32 [tilespmem:s0], [sflag:$0x2], $0x10, s14, s19, $0xb8;
	[tilespmem:$0x1CD00] =	vst v63  }
0x86: {  	_ =	swait.ge [sflag:s15], $0x800  }
0x87: {  	[sflag:s15] =	ssyncset.done $0x0  }
0x88: {  	[sflag:s15] =	ssyncadd.s32 $0xFFFFF800  }
0x89: {  	[bflag:$0x0] =	sbarrier.arrive $0xFFFF  }
0x8a: {  	s22 =	rddreg [dreg:$0x5]  }
0x8b: {  	s3 =	rddreg [dreg:$0x7]  }
0x8c: {  	s24 =	rddreg [dreg:$0x8]  }
0x8d: {  	[hbm:s3], [sflag:s22] =	dma.local [spmem:s24], $0x30E0  }
0x8e: {  	_ =	swait.ge [sflag:s15], $0x30E0  }
0x8f: {  	s21 =	rddreg [dreg:$0x4]  }
0x90: {  	s3 =	rddreg [dreg:$0x6];
	s21 =	sadd.s32 $0x1, s21  }
0x91: {  	p0 =	sne.s32 s21, s3  }
.Ltmp2:
0x92: {  	_ = 	snop;
	(pc) =	sbr.rel @p0 .LBB2_1-.Ltmp2, $3  }
0x93: {  	_ =	sdelay $0x1  }
0x94: {  	[sflag:s15] =	ssyncset.done $0x0  }
0x95: {  	[sflag:s15] =	ssyncadd.s32 $0xFFFFCF20  }
0x96: {  	_ =	sfence.sel $0x180000  }
0x97: {  	[bflag:$0x0] =	sbarrier.arrive $0xFFFF  }
0x98: {  	_ =	strace $0x9000004D  }
0x99: {  	s0 =	stileid.u32;
	[bflag:$0x2] =	sbarrier.arrive $0xFFFF  }
0x9a: {  	p0 =	sne.s32 s0, $0x0;
	s0 =	rddreg [dreg:$0x3]  }
0x9b: {  	s0 =	sadd.s32 @!p0 $0x100000, s0  }
0x9c: {  	[sflag:s0] =	ssyncadd.tile.s32 @!p0 $0x1;
	_ =	shalt  }
.Lfunc_end2:
_tile_overlayer_lowered:
.L_overlay_start_2:
0x9d: {  	(tag) =	ssettag $0x2  }
0x9e: {  	s0 =	rddreg [dreg:$0x0];
	s2 =	stileid.u32  }
0x9f: {  	s1 =	rddreg [dreg:$0x1];
	p0 =	sne.s32 s2, $0x0  }
0xa0: {  	s3 =	rddreg [dreg:$0x2];
	[bflag:$0x3] =	sbarrier.arrive $0xFFFF;
	s2 =	simm.s32 @!p0 $0x1C02  }
0xa1: {  	[timem:s3], [sflag:s2] =	dma.local @!p0 [hbm:s0], s1  }
0xa2: {  	s0 =	simm.s32 @!p0 $0x2  }
0xa3: {  	_ =	swait.ge @!p0 [sflag:s0], s1  }
0xa4: {  	s1 =	ssub.s32 @!p0 $0x0, s1;
	[sflag:s0] =	ssyncset.done @!p0 $0x0  }
0xa5: {  	[sflag:s0] =	ssyncadd.s32 @!p0 s1  }
0xa6: {  	[bflag:$0x3] =	sbarrier.arrive $0xFFFF  }
0xa7: {  	_ =	shalt  }

// kernel: branch_1_fun.8.cloned.1.call-start
scs
__scs_entry_jumppad:
0x0: {  	(pc) =	sbr.rel $0x88, $3  }
0x1: {  	(tag) =	ssettag $0x0;
	lr =	simm.s32 $0x1  }
0x2: {  	[smem:$0x3F95] =	sst lr;
	_ =	strace $0xD0000000  }
0x3: {  	_ = 	snop  }
0x4: {  	_ = 	snop  }
0x5: {  	_ = 	snop  }
0x6: {  	_ = 	snop  }
0x7: {  	_ = 	snop  }
__scs_overlays_trampoline_lowered:
0x8: {  	[smem:$0x3FA4] =	sst s0  }
0x9: {  	[smem:$0x3FA5] =	sst s1  }
0xa: {  	[smem:$0x3FA6] =	sst s2  }
0xb: {  	[smem:$0x3FA7] =	sst s3  }
0xc: {  	[smem:$0x3FA8] =	sst s4  }
0xd: {  	[smem:$0x3FA9] =	sst s5  }
0xe: {  	[smem:$0x3FAA] =	sst s6  }
0xf: {  	[smem:$0x3FAB] =	sst s7  }
0x10: {  	[smem:$0x3FAC] =	sst s8  }
0x11: {  	[smem:$0x3FAD] =	sst s9;
	s0 =	simm.s32 @!p0 $0x0  }
0x12: {  	s1 =	sld [smem:$0x3F93];
	s0 =	simm.s32 @p0 $0x1  }
0x13: {  	[smem:$0x3FAE] =	sst s0;
	s0 =	simm.s32 @!p1 $0x0  }
0x14: {  	s2 =	sld [smem:$0x3F92];
	s0 =	simm.s32 @p1 $0x1  }
0x15: {  	[smem:$0x3FAF] =	sst s0;
	s0 =	simm.s32 @!p2 $0x0  }
0x16: {  	s3 =	sld [smem:$0x3FDB];
	s0 =	simm.s32 @p2 $0x1  }
0x17: {  	s4 =	simm.s32 $0x1BF5;
	[smem:$0x3FB1] =	sst s0  }
0x18: {  	s0 =	sld [smem:$0x3F94];
	_ =	swait.ge [sflag:s4], $0x0  }
0x19: {  	s7 =	sld [smem:$0x3F95]  }
0x1a: {  	s8 =	sadd.s32 $0xFFFFE003, lr  }
0x1b: {  	s9 =	sadd.s32 $0xFFFFFEF7, lr;
	s5 =	simm.s32 $0xFFFFFFFF;
	p2 =	slt.u32 s8, $0xFFFFF086  }
0x1c: {  	p1 =	slt.u32 s9, $0xF7A;
	s5 =	simm.s32 @!p2 $0x0  }
0x1d: {  	s5 =	simm.s32 @p1 $0x1;
	p0 =	seq.s32 s7, s2  }
0x1e: {  	s7 =	smul.u32 @!p0 $0xF7A, s2;
	p2 =	seq.s32 @!p0 s5, $0x0  }
0x1f: {  	s9 =	smul.u32 $0xF7A, s1;
	s8 =	simm.s32 @!p0 $0x1BF5;
	p2 =	por !p2, p0  }
0x20: {  	[sflag:s8] =	ssyncset.s32 @!p0 $0xFFFFF086;
	s6 =	sadd.s32 @!p0 s3, s7;
	s7 =	simm.s32 @!p0 $0x108  }
0x21: {  	s3 =	sadd.s32 s3, s9;
	s6 =	sadd.s32 @!p0 $0x88, s6;
	s7 =	simm.s32 @p2 $0x1082  }
0x22: {  	[simem:s7], [sflag:s8] =	dma.local @!p0 [hbm:s6], $0xF7A  }
0x23: {  	s9 =	sor.u32 $0xD0000000, s2;
	s6 =	simm.s32 $0x108;
	_ =	swait.ge @!p0 [sflag:s8], $0x0  }
0x24: {  	s3 =	sadd.s32 $0x88, s3;
	s6 =	simm.s32 @!p1 $0x1082;
	[sflag:s4] =	ssyncset.s32 $0xFFFFF086  }
0x25: {  	[simem:s6], [sflag:s4] =	dma.local [hbm:s3], $0xF7A  }
0x26: {  	[smem:$0x3F95] =	sst s1;
	(tag) =	ssettag s2;
	_ =	strace s9  }
0x27: {  	s1 =	sld [smem:$0x3FA5]  }
0x28: {  	s2 =	sld [smem:$0x3FA6]  }
0x29: {  	s4 =	sld [smem:$0x3FA8]  }
0x2a: {  	p0 =	seq.s32 s5, $0x0;
	s5 =	sld [smem:$0x3FA9]  }
0x2b: {  	s6 =	sld [smem:$0x3FAA]  }
0x2c: {  	s7 =	sld [smem:$0x3FAB]  }
0x2d: {  	s3 =	simm.s32 $0x108;
	s8 =	sld [smem:$0x3FAC]  }
0x2e: {  	s3 =	simm.s32 @!p0 $0x1082;
	s9 =	sld [smem:$0x3FAD]  }
0x2f: {  	lr =	sadd.s32 s0, s3;
	s0 =	sld [smem:$0x3FA4]  }
0x30: {  	s3 =	sld [smem:$0x3FA7]  }
0x31: {  	[smem:$0x3FB0] =	sst s10  }
0x32: {  	s10 =	sld [smem:$0x3FAE];
	_ =	sdelay $0x3  }
0x33: {  	p0 =	seq.s32 s10, $0x1;
	s10 =	sld [smem:$0x3FB0];
	_ =	sdelay $0x3  }
0x34: {  	[smem:$0x3FB0] =	sst s10  }
0x35: {  	s10 =	sld [smem:$0x3FAF];
	_ =	sdelay $0x3  }
0x36: {  	p1 =	seq.s32 s10, $0x1;
	s10 =	sld [smem:$0x3FB0];
	_ =	sdelay $0x3  }
0x37: {  	[smem:$0x3FB0] =	sst s10  }
0x38: {  	s10 =	sld [smem:$0x3FB1]  }
0x39: {  	_ = 	snop;
	(pc) =	sbr.ind lr, $3  }
0x3a: {  	_ = 	snop  }
0x3b: {  	_ = 	snop  }
0x3c: {  	p2 =	seq.s32 s10, $0x1;
	s10 =	sld [smem:$0x3FB0]  }
0x3d: {  	_ =	shalt  }
0x3e: {  	_ =	shalt  }
0x3f: {  	_ =	shalt  }
0x40: {  	_ =	shalt  }
0x41: {  	_ =	shalt  }
0x42: {  	_ =	shalt  }
0x43: {  	_ =	shalt  }
0x44: {  	_ =	shalt  }
0x45: {  	_ =	shalt  }
0x46: {  	_ =	shalt  }
0x47: {  	_ =	shalt  }
0x48: {  	_ =	shalt  }
0x49: {  	_ =	shalt  }
0x4a: {  	_ =	shalt  }
0x4b: {  	_ =	shalt  }
0x4c: {  	_ =	shalt  }
0x4d: {  	_ =	shalt  }
0x4e: {  	_ =	shalt  }
0x4f: {  	_ =	shalt  }
0x50: {  	_ =	shalt  }
0x51: {  	_ =	shalt  }
0x52: {  	_ =	shalt  }
0x53: {  	_ =	shalt  }
0x54: {  	_ =	shalt  }
0x55: {  	_ =	shalt  }
0x56: {  	_ =	shalt  }
0x57: {  	_ =	shalt  }
0x58: {  	_ =	shalt  }
0x59: {  	_ =	shalt  }
0x5a: {  	_ =	shalt  }
0x5b: {  	_ =	shalt  }
0x5c: {  	_ =	shalt  }
0x5d: {  	_ =	shalt  }
0x5e: {  	_ =	shalt  }
0x5f: {  	_ =	shalt  }
0x60: {  	_ =	shalt  }
0x61: {  	_ =	shalt  }
0x62: {  	_ =	shalt  }
0x63: {  	_ =	shalt  }
0x64: {  	_ =	shalt  }
0x65: {  	_ =	shalt  }
0x66: {  	_ =	shalt  }
0x67: {  	_ =	shalt  }
0x68: {  	_ =	shalt  }
0x69: {  	_ =	shalt  }
0x6a: {  	_ =	shalt  }
0x6b: {  	_ =	shalt  }
0x6c: {  	_ =	shalt  }
0x6d: {  	_ =	shalt  }
0x6e: {  	_ =	shalt  }
0x6f: {  	_ =	shalt  }
0x70: {  	_ =	shalt  }
0x71: {  	_ =	shalt  }
0x72: {  	_ =	shalt  }
0x73: {  	_ =	shalt  }
0x74: {  	_ =	shalt  }
0x75: {  	_ =	shalt  }
0x76: {  	_ =	shalt  }
0x77: {  	_ =	shalt  }
0x78: {  	_ =	shalt  }
0x79: {  	_ =	shalt  }
0x7a: {  	_ =	shalt  }
0x7b: {  	_ =	shalt  }
0x7c: {  	_ =	shalt  }
0x7d: {  	_ =	shalt  }
0x7e: {  	_ =	shalt  }
0x7f: {  	_ =	shalt  }
0x80: {  	_ =	shalt  }
0x81: {  	_ =	shalt  }
0x82: {  	_ =	shalt  }
0x83: {  	_ =	shalt  }
0x84: {  	_ =	shalt  }
0x85: {  	_ =	shalt  }
0x86: {  	_ =	shalt  }
0x87: {  	_ =	shalt  }
.Lfunc_end0:
.L_simem_size_0:
called_computation_lowered:
.L_overlay_start_0:
0x88: {  	s2 =	sld [smem:$0x3FD9]  }
0x89: {  	s3 =	sld [smem:$0x3FFE];
	_ =	sdelay $0x1  }
0x8a: {  	s1 =	srdreg.scid  }
0x8b: {  	s0 =	sand.u32 $0x1, s1  }
0x8c: {  	s17 =	sshll.u32 s0, $0xA;
	s2 =	sadd.s32 s3, s2  }
0x8d: {  	s2 =	sadd.s32 s2, s17  }
0x8e: {  	[smem:$0x3FBC] =	sst s2  }
0x8f: {  	_ = 	snop  }
0x90: {  	s2 =	sld [smem:$0x3FD0];
	(tm) =	ssettm $0x1  }
0x91: {  	s18 =	sld [smem:$0x3FFB];
	_ =	sdelay $0x3  }
0x92: {  	_ =	strace s18  }
0x93: {  	s3 =	sld [smem:$0x3FFC];
	_ =	sdelay $0x3  }
0x94: {  	_ =	strace s3  }
0x95: {  	s3 =	sld [smem:$0x3FFD];
	_ =	sdelay $0x3  }
0x96: {  	_ =	strace s3  }
0x97: {  	_ =	strace $0x8FFFFFFF  }
0x98: {  	s19 =	sld [smem:$0x3FDB];
	_ =	sdelay $0x1  }
0x99: {  	s4 =	simm.s32 $_scs_section_size  }
0x9a: {  	s5 =	simm.s32 $_size__tile_overlayer_lowered;
	s6 =	simm.s32 $_tile_overlayer_lowered  }
0x9b: {  	s22 =	simm.s32 $0x1BFF;
	s21 =	sshll.u32 s6, $0x1;
	s3 =	sadd.s32 s4, s19  }
0x9c: {  	s7 =	simm.s32 $0x0;
	s20 =	sshll.u32 s5, $0x1;
	s5 =	sadd.s32 s21, s3  }
0x9d: {  	[timem:s7], [sflag:s22] =	dma.local [hbm:s5], s20  }
0x9e: {  	_ =	swait.ge [sflag:s22], s20  }
0x9f: {  	s4 =	ssub.s32 $0x0, s20;
	[sflag:s22] =	ssyncset.done $0x0  }
0xa0: {  	[sflag:s22] =	ssyncadd.s32 s4;
	_ =	sdelay $0x1  }
0xa1: {  	s23 =	simm.s32 $0x1B8B  }
0xa2: {  	_ =	swait.ge [sflag:s23], $0x1  }
0xa3: {  	[sflag:s23] =	ssyncset.done $0x0  }
0xa4: {  	s25 =	simm.s32 $0x1B8E;
	s24 =	sld [smem:$0x3FFE];
	[sflag:s23] =	ssyncadd.s32 $0xFFFFFFFF  }
0xa5: {  	s26 =	simm.s32 $execute0_lowered;
	[smem:$0x3FD2] =	sst s25  }
0xa6: {  	s5 =	sshll.u32 s26, $0x1;
	_ =	strace $0x80000046;
	[dreg:$0x1] =	wrdreg $0xFFFFFFFF  }
0xa7: {  	s28 =	simm.s32 $_size_execute0_lowered;
	s3 =	sadd.s32 s3, s5;
	[dreg:$0x0] =	wrdreg $0x0  }
0xa8: {  	s5 =	sshll.u32 s28, $0x1;
	[dreg:$0x2] =	wrdreg s3  }
0xa9: {  	[dreg:$0x3] =	wrdreg s5  }
0xaa: {  	[dreg:$0x4] =	wrdreg $0xC0  }
0xab: {  	_ =	task [dreg:s7], $0x5FFFF  }
0xac: {  	[dreg:$0x1] =	wrdreg $0xFFFFFFFF  }
0xad: {  	[dreg:$0x0] =	wrdreg $0x60  }
0xae: {  	[dreg:$0x2] =	wrdreg s24  }
0xaf: {  	[dreg:$0x3] =	wrdreg s2  }
0xb0: {  	[dreg:$0x4] =	wrdreg $0x0  }
0xb1: {  	[dreg:$0x5] =	wrdreg $0x9  }
0xb2: {  	_ =	task.clear_ibuf [dreg:s7], $0x6FFFF;
	_ =	strace $0x90000046  }
0xb3: {  	s29 =	simm.s32 $0x9;
	_ =	strace $0x80000048  }
0xb4: {  	_ =	swait.ge [sflag:s29], $0x1  }
0xb5: {  	[sflag:s29] =	ssyncadd.s32 $0xFFFFFFFF  }
0xb6: {  	_ =	strace $0x90000048  }
0xb7: {  	_ =	sfence  }
0xb8: {  	s30 =	sld [smem:$0x0];
	_ =	sdelay $0x2  }
0xb9: {  	s31 =	sshll.u32 s1, $0xD;
	s1 =	sshrl.u32 s1, $0x2  }
0xba: {  	s3 =	sand.u32 $0x4000, s31;
	s1 =	sadd.s32 s1, s30  }
0xbb: {  	s0 =	sor.u32 s3, s0;
	s1 =	sshll.u32 s1, $0x11  }
0xbc: {  	s0 =	sor.u32 s1, s0  }
0xbd: {  	s0 =	sadd.s32 $0x8F2B, s0  }
0xbe: {  	[sflag:s0] =	ssyncadd.remote.s32 $0x1  }
0xbf: {  	_ =	sfence.sel $0xFFFF  }
0xc0: {  	[dreg:$0x0] =	wrdreg $0xFFFFFFFF;
	(pc) =	sbr.abs _section_cstart, $3  }
0xc1: {  	[dreg:$0x1] =	wrdreg $0xFFFFFFFF  }
0xc2: {  	_ =	task.clear_ibuf [dreg:s7], $0x2FFFF;
	_ =	strace $0x9FFFFFFF  }
0xc3: {  	(tm) =	ssettm $0x7FFFFFFF  }
tec
execute0_lowered:
.L_overlay_start_1:
0x0: {  	(tag) =	ssettag $0x1  }
0x1: {  	s0 =	rddreg [dreg:$0x0]  }
0x2: {  	s2 =	rddreg [dreg:$0x2];
	s21 =	simm.s32 $0x0;
	s1 =	srdreg.scid  }
0x3: {  	s11 =	stileid.u32;
	s15 =	simm.s32 $0x2;
	s16 =	simm.s32 $0x18700  }
0x4: {  	s17 =	simm.s32 $0x18900;
	s18 =	simm.s32 $0x18B00;
	s20 =	simm.s32 $0x18D00  }
0x5: {  	s23 =	simm.s32 $0x19500;
	s28 =	simm.s32 $0x19D00;
	s29 =	simm.s32 $0x18A00  }
0x6: {  	s30 =	simm.s32 $0x1BD00;
	s31 =	simm.s32 $0x18880;
	s13 =	simm.s32 $0x18B80  }
0x7: {  	s14 =	simm.s32 $0x18C80;
	[smem:$0x7FF] =	sst s21;
	s4 =	sadd.s32 $0x43B400, s0  }
0x8: {  	s19 =	simm.s32 $0x80;
	s5 =	sadd.s32 $0x2B4400, s0;
	s7 =	sadd.s32 $0x283400, s0  }
0x9: {  	s1 =	sand.u32 $0x1, s1;
	s8 =	sadd.s32 $0x252400, s0;
	s9 =	sadd.s32 $0x221400, s0  }
0xa: {  	s10 =	smul.u32 $0x18700, s11;
	_ =	strace $0x80000047;
	s3 =	ssub.s32 $0x2, s1  }
0xb: {  	s25 =	sshll.u32 s1, $0x4;
	p0 =	seq.s32 s1, $0x1;
	s1 =	simm.s32 $0x2E5600  }
0xc: {  	s6 =	sshrl.u32 s3, $0x1;
	s12 =	sadd.s32 s10, s2;
	s1 =	simm.s32 @!p0 $0x2B4800  }
0xd: {  	s10 =	sshrl.u32 s10, $0x3;
	s3 =	ssub.s32 s3, s6;
	s6 =	sor.u32 s11, s25  }
0xe: {  	s11 =	sshll.u32 s11, $0x6;
	s0 =	sadd.s32 s1, s0;
	s24 =	sshrl.u32 s12, $0x3  }
0xf: {  	s25 =	simm.s32 $0x1B500;
	s1 =	simm.s32 $0x1C500;
	s12 =	simm.s32 $0x1  }
0x10: {  	s22 =	sor.u32 $0x1C02, s11;
	s26 =	smax.u32 s3, $0x1;
	[dreg:$0x8] =	wrdreg s24  }
0x11: {  	s11 =	smul.u32 $0xC400, s6;
	s0 =	sadd.s32 s0, s10;
	[dreg:$0x6] =	wrdreg s26  }
0x12: {  	s6 =	simm.s32 $0x18A80;
	s10 =	simm.s32 $0x18C00;
	[dreg:$0x7] =	wrdreg s0  }
0x13: {  	s26 =	simm.s32 $0x18800;
	s0 =	simm.s32 $0x1A500;
	[dreg:$0x5] =	wrdreg s22  }
.LBB2_1:
0x14: {  	[dreg:$0x4] =	wrdreg s21  }
0x15: {  	s3 =	rddreg [dreg:$0x1]  }
0x16: {  	[spmem:s24], [sflag:s22] =	dma.local [hbm:s3], $0x30E0  }
0x17: {  	_ =	swait.ge [sflag:s15], $0x30E0  }
0x18: {  	[sflag:s15] =	ssyncset.done $0x0  }
0x19: {  	[sflag:s15] =	ssyncadd.s32 $0xFFFFCF20  }
0x1a: {  	s3 =	simm.s32 $0x0;
	[bflag:$0x0] =	sbarrier.arrive $0xFFFF  }
.LBB2_2:
0x1b: {  	s21 =	sshll.u32 s3, $0x9  }
0x1c: {  	s21 =	sadd.s32 s11, s21  }
0x1d: {  	s21 =	sshrl.u32 s21, $0x3  }
0x1e: {  	s24 =	simm.s32 $0x0;
	s22 =	sadd.s32 s7, s21  }
0x1f: {  	[tilespmem:s16], [sflag:$0x2] =	stream.linear.gather [hbm4b:s22+s24], $0x200, $0x38;
	[tilespmem:$0x1CD00] =	vst v63  }
0x20: {  	_ =	swait.ge [sflag:s15], $0x200  }
0x21: {  	[sflag:s15] =	ssyncset.done $0x0  }
0x22: {  	s22 =	sadd.s32 s8, s21;
	[sflag:s15] =	ssyncadd.s32 $0xFFFFFE00  }
0x23: {  	[tilespmem:s17], [sflag:$0x2] =	stream.linear.gather [hbm4b:s22+s24], $0x200, $0x38;
	[tilespmem:$0x1CD00] =	vst v63  }
0x24: {  	_ =	swait.ge [sflag:s15], $0x200  }
0x25: {  	[sflag:s15] =	ssyncset.done $0x0  }
0x26: {  	s21 =	sadd.s32 s9, s21;
	[sflag:s15] =	ssyncadd.s32 $0xFFFFFE00  }
0x27: {  	[tilespmem:s18], [sflag:$0x2] =	stream.linear.gather [hbm4b:s21+s24], $0x200, $0x38;
	[tilespmem:$0x1CD00] =	vst v63  }
0x28: {  	_ =	swait.ge [sflag:s15], $0x200  }
0x29: {  	[sflag:s15] =	ssyncset.done $0x0  }
0x2a: {  	[sflag:s15] =	ssyncadd.s32 $0xFFFFFE00  }
0x2b: {  	[tilespmem:s20], [sflag:$0x1] =	stream.indirect.gather [hbm4b:s4+s19], $0x10, s16, s19, $0xb8;
	[tilespmem:$0x1CD00] =	vst v63  }
0x2c: {  	s24 =	simm.s32 $0x1AD00  }
0x2d: {  	[tilespmem:s24], [sflag:$0x1] =	stream.indirect.gather [hbm4b:s5+s19], $0x10, s17, s19, $0xb8;
	[tilespmem:$0x1CD00] =	vst v63  }
0x2e: {  	s22 =	simm.s32 $0x18780  }
0x2f: {  	[tilespmem:s23], [sflag:$0x1] =	stream.indirect.gather [hbm4b:s4+s19], $0x10, s22, s19, $0xb8;
	[tilespmem:$0x1CD00] =	vst v63  }
0x30: {  	s24 =	simm.s32 $0x18980  }
0x31: {  	[tilespmem:s25], [sflag:$0x1] =	stream.indirect.gather [hbm4b:s5+s19], $0x10, s24, s19, $0xb8;
	[tilespmem:$0x1CD00] =	vst v63  }
0x32: {  	_ = 	snop  }
0x33: {  	[tilespmem:s28], [sflag:$0x1] =	stream.indirect.gather [hbm4b:s4+s19], $0x10, s26, s19, $0xb8;
	[tilespmem:$0x1CD00] =	vst v63  }
0x34: {  	_ = 	snop  }
0x35: {  	[tilespmem:s30], [sflag:$0x1] =	stream.indirect.gather [hbm4b:s5+s19], $0x10, s29, s19, $0xb8;
	[tilespmem:$0x1CD00] =	vst v63  }
0x36: {  	_ = 	snop  }
0x37: {  	[tilespmem:s0], [sflag:$0x1] =	stream.indirect.gather [hbm4b:s4+s19], $0x10, s31, s19, $0xb8;
	[tilespmem:$0x1CD00] =	vst v63  }
0x38: {  	_ = 	snop  }
0x39: {  	[tilespmem:s1], [sflag:$0x1] =	stream.indirect.gather [hbm4b:s5+s19], $0x10, s6, s19, $0xb8;
	[tilespmem:$0x1CD00] =	vst v63  }
0x3a: {  	_ =	swait.ge [sflag:s12], $0x800  }
0x3b: {  	[sflag:s12] =	ssyncset.done $0x0  }
0x3c: {  	[sflag:s12] =	ssyncadd.s32 $0xFFFFF800  }
0x3d: {  	_ =	swait.ge [sflag:s12], $0x800  }
0x3e: {  	[sflag:s12] =	ssyncset.done $0x0  }
0x3f: {  	[sflag:s12] =	ssyncadd.s32 $0xFFFFF800  }
0x40: {  	_ =	swait.ge [sflag:s12], $0x800  }
0x41: {  	[sflag:s12] =	ssyncset.done $0x0  }
0x42: {  	[sflag:s12] =	ssyncadd.s32 $0xFFFFF800  }
0x43: {  	_ =	swait.ge [sflag:s12], $0x800  }
0x44: {  	[sflag:s12] =	ssyncset.done $0x0  }
0x45: {  	[sflag:s12] =	ssyncadd.s32 $0xFFFFF800  }
0x46: {  	_ =	swait.ge [sflag:s12], $0x800  }
0x47: {  	[sflag:s12] =	ssyncset.done $0x0  }
0x48: {  	[sflag:s12] =	ssyncadd.s32 $0xFFFFF800  }
0x49: {  	_ =	swait.ge [sflag:s12], $0x800  }
0x4a: {  	[sflag:s12] =	ssyncset.done $0x0  }
0x4b: {  	[sflag:s12] =	ssyncadd.s32 $0xFFFFF800  }
0x4c: {  	_ =	swait.ge [sflag:s12], $0x800  }
0x4d: {  	[sflag:s12] =	ssyncset.done $0x0  }
0x4e: {  	[sflag:s12] =	ssyncadd.s32 $0xFFFFF800  }
0x4f: {  	_ =	swait.ge [sflag:s12], $0x800  }
0x50: {  	[sflag:s12] =	ssyncset.done $0x0  }
0x51: {  	s21 =	simm.s32 $0x0;
	[sflag:s12] =	ssyncadd.s32 $0xFFFFF800  }
0x52: {  	v7 =	vld [tilespmem:s21+$0x1AD00]  }
0x53: {  	v11 =	vld [tilespmem:s21+$0x1AD10]  }
0x54: {  	v5 =	vld [tilespmem:s21+$0x1AD20]  }
0x55: {  	v4 =	vld [tilespmem:s21+$0x1AD30]  }
0x56: {  	v3 =	vld [tilespmem:s21+$0x1AD40]  }
0x57: {  	v2 =	vld [tilespmem:s21+$0x1AD50]  }
0x58: {  	v1 =	vld [tilespmem:s21+$0x1AD60]  }
0x59: {  	v0 =	vld [tilespmem:s21+$0x1AD70]  }
0x5a: {  	v12 =	vld [tilespmem:s21+$0x18D00]  }
0x5b: {  	v13 =	vld [tilespmem:s21+$0x18D10]  }
0x5c: {  	v10 =	vld [tilespmem:s21+$0x18D20]  }
0x5d: {  	v9 =	vld [tilespmem:s21+$0x18D30]  }
0x5e: {  	v8 =	vld [tilespmem:s21+$0x18D40]  }
0x5f: {  	v6 =	vld [tilespmem:s21+$0x18D50];
	v12 =	vmul.f32 v7, v12  }
0x60: {  	s22 =	simm.s32 $0x200;
	v11 =	vmul.f32 v11, v13;
	v7 =	vld [tilespmem:s21+$0x18D60]  }
.LBB2_3:
0x61: {  	s24 =	sshra.s32 s22, $0x2;
	p0 =	sne.s32 s22, $0x7E00;
	[tilespmem:s21+$0x18D00] =	vst v12;
	v5 =	vmul.f32 v5, v10;
	v10 =	vld [tilespmem:s21+$0x18D70]  }
0x62: {  	v12 =	vld [tilespmem:s24+$0x1AD00];
	[tilespmem:s21+$0x18D10] =	vst v11;
	v4 =	vmul.f32 v4, v9  }
0x63: {  	v11 =	vld [tilespmem:s24+$0x1AD10];
	[tilespmem:s21+$0x18D20] =	vst v5;
	v3 =	vmul.f32 v3, v8  }
0x64: {  	v5 =	vld [tilespmem:s24+$0x1AD20];
	[tilespmem:s21+$0x18D30] =	vst v4;
	v2 =	vmul.f32 v2, v6  }
0x65: {  	v4 =	vld [tilespmem:s24+$0x1AD30];
	[tilespmem:s21+$0x18D40] =	vst v3;
	v1 =	vmul.f32 v1, v7  }
0x66: {  	v3 =	vld [tilespmem:s24+$0x1AD40];
	[tilespmem:s21+$0x18D50] =	vst v2;
	v0 =	vmul.f32 v0, v10  }
0x67: {  	v2 =	vld [tilespmem:s24+$0x1AD50];
	[tilespmem:s21+$0x18D60] =	vst v1  }
0x68: {  	v1 =	vld [tilespmem:s24+$0x1AD60];
	[tilespmem:s21+$0x18D70] =	vst v0;
	s21 =	smov.u32 s24  }
0x69: {  	v0 =	vld [tilespmem:s21+$0x1AD70]  }
0x6a: {  	v6 =	vld [tilespmem:s21+$0x18D00]  }
0x6b: {  	v7 =	vld [tilespmem:s21+$0x18D10]  }
.Ltmp0:
0x6c: {  	v10 =	vld [tilespmem:s21+$0x18D20];
	(pc) =	sbr.rel @p0 .LBB2_3-.Ltmp0, $4  }
0x6d: {  	v9 =	vld [tilespmem:s21+$0x18D30]  }
0x6e: {  	v8 =	vld [tilespmem:s21+$0x18D40]  }
0x6f: {  	v12 =	vmul.f32 v12, v6;
	v6 =	vld [tilespmem:s21+$0x18D50]  }
0x70: {  	s22 =	sadd.s32 $0x200, s22;
	v11 =	vmul.f32 v11, v7;
	v7 =	vld [tilespmem:s21+$0x18D60]  }
0x71: {  	[tilespmem:s21+$0x18D00] =	vst v12;
	v5 =	vmul.f32 v5, v10;
	v63 =	vld [tilespmem:s21+$0x18D70]  }
0x72: {  	[tilespmem:s21+$0x18D10] =	vst v11;
	v4 =	vmul.f32 v4, v9  }
0x73: {  	[tilespmem:s21+$0x18D20] =	vst v5;
	v3 =	vmul.f32 v3, v8  }
0x74: {  	[tilespmem:s21+$0x18D30] =	vst v4;
	v2 =	vmul.f32 v2, v6  }
0x75: {  	[tilespmem:s21+$0x18D40] =	vst v3;
	v1 =	vmul.f32 v1, v7  }
0x76: {  	[tilespmem:s21+$0x18D50] =	vst v2;
	v0 =	vmul.f32 v0, v63  }
0x77: {  	[tilespmem:s21+$0x18D60] =	vst v1  }
0x78: {  	[tilespmem:s21+$0x18D70] =	vst v0  }
0x79: {  	[spmem:s2] =	stream.indirect.scatter.add.f32 [tilespmem:s20], [sflag:$0x2], $0x10, s18, s19, $0xb8;
	[tilespmem:$0x1CD00] =	vst v63  }
0x7a: {  	_ =	swait.ge [sflag:s15], $0x800  }
0x7b: {  	[sflag:s15] =	ssyncset.done $0x0  }
0x7c: {  	[sflag:s15] =	ssyncadd.s32 $0xFFFFF800  }
0x7d: {  	[spmem:s2] =	stream.indirect.scatter.add.f32 [tilespmem:s23], [sflag:$0x2], $0x10, s13, s19, $0xb8;
	[tilespmem:$0x1CD00] =	vst v63  }
0x7e: {  	_ =	swait.ge [sflag:s15], $0x800  }
0x7f: {  	[sflag:s15] =	ssyncset.done $0x0  }
0x80: {  	[sflag:s15] =	ssyncadd.s32 $0xFFFFF800  }
0x81: {  	[spmem:s2] =	stream.indirect.scatter.add.f32 [tilespmem:s28], [sflag:$0x2], $0x10, s10, s19, $0xb8;
	[tilespmem:$0x1CD00] =	vst v63  }
0x82: {  	s3 =	sadd.s32 $0x1, s3;
	_ =	swait.ge [sflag:s15], $0x800  }
0x83: {  	p0 =	sne.s32 s3, $0x62;
	[sflag:s15] =	ssyncset.done $0x0  }
.Ltmp1:
0x84: {  	[sflag:s15] =	ssyncadd.s32 $0xFFFFF800;
	(pc) =	sbr.rel @p0 .LBB2_2-.Ltmp1, $4  }
0x85: {  	[spmem:s2] =	stream.indirect.scatter.add.f32 [tilespmem:s0], [sflag:$0x2], $0x10, s14, s19, $0xb8;
	[tilespmem:$0x1CD00] =	vst v63  }
0x86: {  	_ =	swait.ge [sflag:s15], $0x800  }
0x87: {  	[sflag:s15] =	ssyncset.done $0x0  }
0x88: {  	[sflag:s15] =	ssyncadd.s32 $0xFFFFF800  }
0x89: {  	[bflag:$0x0] =	sbarrier.arrive $0xFFFF  }
0x8a: {  	s22 =	rddreg [dreg:$0x5]  }
0x8b: {  	s3 =	rddreg [dreg:$0x7]  }
0x8c: {  	s24 =	rddreg [dreg:$0x8]  }
0x8d: {  	[hbm:s3], [sflag:s22] =	dma.local [spmem:s24], $0x30E0  }
0x8e: {  	_ =	swait.ge [sflag:s15], $0x30E0  }
0x8f: {  	s21 =	rddreg [dreg:$0x4]  }
0x90: {  	s3 =	rddreg [dreg:$0x6];
	s21 =	sadd.s32 $0x1, s21  }
0x91: {  	p0 =	sne.s32 s21, s3  }
.Ltmp2:
0x92: {  	_ = 	snop;
	(pc) =	sbr.rel @p0 .LBB2_1-.Ltmp2, $3  }
0x93: {  	_ =	sdelay $0x1  }
0x94: {  	[sflag:s15] =	ssyncset.done $0x0  }
0x95: {  	[sflag:s15] =	ssyncadd.s32 $0xFFFFCF20  }
0x96: {  	_ =	sfence.sel $0x180000  }
0x97: {  	[bflag:$0x0] =	sbarrier.arrive $0xFFFF  }
0x98: {  	_ =	strace $0x90000047  }
0x99: {  	s0 =	stileid.u32;
	[bflag:$0x2] =	sbarrier.arrive $0xFFFF  }
0x9a: {  	p0 =	sne.s32 s0, $0x0;
	s0 =	rddreg [dreg:$0x3]  }
0x9b: {  	s0 =	sadd.s32 @!p0 $0x100000, s0  }
0x9c: {  	[sflag:s0] =	ssyncadd.tile.s32 @!p0 $0x1;
	_ =	shalt  }
.Lfunc_end2:
_tile_overlayer_lowered:
.L_overlay_start_2:
0x9d: {  	(tag) =	ssettag $0x2  }
0x9e: {  	s0 =	rddreg [dreg:$0x0];
	s2 =	stileid.u32  }
0x9f: {  	s1 =	rddreg [dreg:$0x1];
	p0 =	sne.s32 s2, $0x0  }
0xa0: {  	s3 =	rddreg [dreg:$0x2];
	[bflag:$0x3] =	sbarrier.arrive $0xFFFF;
	s2 =	simm.s32 @!p0 $0x1C02  }
0xa1: {  	[timem:s3], [sflag:s2] =	dma.local @!p0 [hbm:s0], s1  }
0xa2: {  	s0 =	simm.s32 @!p0 $0x2  }
0xa3: {  	_ =	swait.ge @!p0 [sflag:s0], s1  }
0xa4: {  	s1 =	ssub.s32 @!p0 $0x0, s1;
	[sflag:s0] =	ssyncset.done @!p0 $0x0  }
0xa5: {  	[sflag:s0] =	ssyncadd.s32 @!p0 s1  }
0xa6: {  	[bflag:$0x3] =	sbarrier.arrive $0xFFFF  }
0xa7: {  	_ =	shalt  }

</sc_bundles>
